<compile_context>
chip_gen: v7x
topology: tpu7x:2x2x1
jax: 0.10.2.dev20260603
libtpu: 0.0.44.dev20260713+nightly
codegen_flags: <defaults>
</compile_context>

<pallas_src>
import functools

import jax
import jax.numpy as jnp
from jax import lax
from jax.experimental import pallas as pl
from jax.experimental.pallas import tpu as pltpu
from jax.experimental.pallas import tpu_sc as plsc

NEG = -1e30
MAX_ANS_LEN = 30
B, S, H = 2, 2048, 1024
BS = 2048
NB = S // BS
NTILES = 16
CHUNK = S // NTILES
WPAD = 128
NVREG = CHUNK // 16
INT_MAX = 2**31 - 1



def _proj_body(x_ref, m_ref, w_ref, b_ref, s_ref, e_ref):
    x = x_ref[0]
    w = w_ref[...]
    se = lax.dot_general(x, w, (((1,), (0,)), ((), ())),
                         preferred_element_type=jnp.float32)
    m = m_ref[0, 0]
    s = se[:, 0] + b_ref[0]
    e = se[:, 1] + b_ref[1]
    valid = m > 0
    s_ref[0, 0] = jnp.where(valid, s, NEG)
    e_ref[0, 0] = jnp.where(valid, e, NEG)


_proj_call = pl.pallas_call(
    _proj_body,
    grid=(B * NB,),
    in_specs=[
        pl.BlockSpec((1, BS, H), lambda k: (k, 0, 0)),
        pl.BlockSpec((1, 1, BS), lambda k: (k, 0, 0)),
        pl.BlockSpec((H, 2), lambda k: (0, 0)),
        pl.BlockSpec(memory_space=pltpu.SMEM),
    ],
    out_specs=[
        pl.BlockSpec((1, 1, BS), lambda k: (k, 0, 0)),
        pl.BlockSpec((1, 1, BS), lambda k: (k, 0, 0)),
    ],
    out_shape=[
        jax.ShapeDtypeStruct((B * NB, 1, BS), jnp.float32),
        jax.ShapeDtypeStruct((B * NB, 1, BS), jnp.float32),
    ],
)



_mesh = plsc.VectorSubcoreMesh(core_axis_name="c", subcore_axis_name="s")


@functools.partial(
    pl.kernel,
    mesh=_mesh,
    compiler_params=pltpu.CompilerParams(needs_layout_passes=False),
    out_type=jax.ShapeDtypeStruct((B, 24, 32), jnp.int32),
    scratch_types=[
        pltpu.VMEM((CHUNK,), jnp.float32),
        pltpu.VMEM((CHUNK + WPAD,), jnp.float32),
        pltpu.VMEM((32,), jnp.int32),
        pltpu.VMEM((NTILES, 32), jnp.int32),
        pltpu.VMEM((32,), jnp.int32),
    ],
)
def _span_topk(s_hbm, e_hbm, st_hbm,
               s_v, e_v, rowb, gb, ob):
    c = lax.axis_index("c")
    t = lax.axis_index("s")
    base = t * CHUNK
    pltpu.sync_copy(s_hbm.at[c, 0, pl.ds(base, CHUNK)], s_v)

    @pl.when(t < NTILES - 1)
    def _load_full():
        pltpu.sync_copy(e_hbm.at[c, 0, pl.ds(base, CHUNK + WPAD)], e_v)

    @pl.when(t == NTILES - 1)
    def _load_last():
        pltpu.sync_copy(e_hbm.at[c, 0, pl.ds(base, CHUNK)],
                        e_v.at[pl.ds(0, CHUNK)])
        negv = lax.broadcast(jnp.float32(NEG), (16,))
        e_v[pl.ds(CHUNK, 16)] = negv
        e_v[pl.ds(CHUNK + 16, 16)] = negv

    lane = lax.iota(jnp.int32, 16)
    bval = None
    for v in range(NVREG):
        i0 = v * 16
        sv = s_v[pl.ds(i0, 16)]
        m = e_v[pl.ds(i0, 16)]
        db = lax.broadcast(jnp.int32(0), (16,))
        for d in range(1, MAX_ANS_LEN):
            cand = e_v[pl.ds(i0 + d, 16)]
            gt = cand > m
            m = jnp.where(gt, cand, m)
            db = jnp.where(gt, jnp.int32(d), db)
        score = sv + m
        i_vec = lane + (base + i0)
        flat = i_vec * S + (i_vec + db)
        if v == 0:
            ovr = jnp.logical_and(lax.broadcast(t == 0, (16,)), lane < 4)
            diag_ok = jnp.logical_and(lane >= 1, lane < 4)
            diag_score = jnp.where(diag_ok, sv + e_v[pl.ds(0, 16)],
                                   jnp.float32(NEG))
            score = jnp.where(ovr, diag_score, score)
            flat = jnp.where(ovr, i_vec * (S + 1), flat)
            bval, bflat = score, flat
        else:
            gt = score > bval
            bval = jnp.where(gt, score, bval)
            bflat = jnp.where(gt, flat, bflat)

    rowb[pl.ds(0, 16)] = plsc.bitcast(bval, jnp.int32)
    rowb[pl.ds(16, 16)] = bflat
    pltpu.sync_copy(rowb, st_hbm.at[c, t])
    plsc.subcore_barrier()

    @pl.when(t == 0)
    def _merge():
        pltpu.sync_copy(st_hbm.at[c, pl.ds(0, NTILES)], gb)
        accv = plsc.bitcast(gb[0, pl.ds(0, 16)], jnp.float32)
        accf = gb[0, pl.ds(16, 16)]
        for r in range(1, NTILES):
            rv = plsc.bitcast(gb[r, pl.ds(0, 16)], jnp.float32)
            rf = gb[r, pl.ds(16, 16)]
            take = jnp.logical_or(
                rv > accv, jnp.logical_and(rv == accv, rf < accf))
            accv = jnp.where(take, rv, accv)
            accf = jnp.where(take, rf, accf)
        mv = jnp.max(accv)
        fl = jnp.min(jnp.where(accv == mv, accf, jnp.int32(INT_MAX)))
        ob[pl.ds(0, 16)] = lax.broadcast(fl // S, (16,))
        ob[pl.ds(16, 16)] = lax.broadcast(fl % S, (16,))
        pltpu.sync_copy(ob, st_hbm.at[c, NTILES])



def kernel(seq_hiddens, ans_mask, top_k, W, b):
    del top_k
    x4 = seq_hiddens.reshape(B * NB, BS, H)
    m4 = ans_mask.reshape(B * NB, 1, BS)
    s3, e3 = _proj_call(x4, m4, W, b)
    start_logits = s3.reshape(B, S)
    end_logits = e3.reshape(B, S)
    o = _span_topk(start_logits.reshape(B, 1, S),
                   end_logits.reshape(B, 1, S))
    return (start_logits, end_logits, o[:, NTILES, 0], o[:, NTILES, 16])

# --- scband reference (transcript-rebuilt; emitter-appended) ---
"""Pipeline reference for scband-answerer-65592740544757 (READ-ONLY COPY).

The authoritative reference and input builder live on the scoring server;
editing this copy changes nothing except your own understanding.
"""

import jax, jax.numpy as jnp
import numpy as np

NA_POS = 3
NEG = -1e30

def mask_pos0(t, mask):
    # mask positions where mask == 0 with a large negative value
    return jnp.where(mask > 0, t, NEG)

def get_span_mask(seq_len, max_ans_len):
    m = jnp.ones((seq_len, seq_len), dtype=jnp.float32)
    m = jnp.triu(m, 0)
    m = jnp.tril(m, max_ans_len - 1)
    m = m.at[:4, :].set(0.0)
    m = m.at[1, 1].set(1.0)
    m = m.at[2, 2].set(1.0)
    m = m.at[NA_POS, NA_POS].set(1.0)
    return m

def setup_inputs(seed: int = 0) -> dict:
    key = jax.random.key(seed)
    k1, k2 = jax.random.split(key)
    B, S, H = 2, 2048, 1024
    seq_hiddens = jax.random.normal(k1, (B, S, H), dtype=jnp.float32)
    ans_mask = jnp.ones((B, S), dtype=jnp.float32)
    W = jax.random.normal(k2, (H, 2), dtype=jnp.float32) * 0.02
    b = jnp.zeros((2,), dtype=jnp.float32)
    return {"seq_hiddens": seq_hiddens, "ans_mask": ans_mask, "top_k": 1, "W": W, "b": b}

def reference(seq_hiddens, ans_mask, top_k, W, b):
    B, S, H = seq_hiddens.shape
    max_ans_len = 30
    # qa_outputs linear: (B, S, 2)
    span_logits = jnp.einsum('bsh,ho->bso', seq_hiddens, W) + b
    masked_span_logits = mask_pos0(span_logits, ans_mask[:, :, None])
    start_logits = masked_span_logits[..., 0]
    end_logits = masked_span_logits[..., 1]
    # (B, S, S) pairwise span scores
    span_scores = start_logits[:, :, None] + end_logits[:, None, :]
    span_mask = get_span_mask(S, max_ans_len)[None]
    masked_span_scores = mask_pos0(span_scores, span_mask)
    flat = masked_span_scores.reshape(B, -1)
    # argsort descending, take top_k
    top_span = jnp.argsort(-flat, axis=-1)[:, :1]
    top_span = jnp.squeeze(top_span, axis=-1)
    top_span = top_span + (jnp.asarray(top_k) * 0).astype(top_span.dtype)
    top_start = top_span // S
    top_end = top_span % S
    return (start_logits, end_logits, top_start, top_end)

if __name__ == "__main__":
    import jax
    _d = setup_inputs()
    print(jax.jit(kernel)(*tuple(_d.values())))

</pallas_src>

<mosaic_0001>
#map = affine_map<(d0, d1) -> (0, 0, 0)>
module attributes {stable_mosaic.version = 14 : i64} {
  func.func @_span_topk(%arg0: i32, %arg1: i32, %arg2: memref<2x1x2048xf32, #tpu.memory_space<hbm>>, %arg3: memref<2x1x2048xf32, #tpu.memory_space<hbm>>, %arg4: memref<2x24x32xi32, #tpu.memory_space<hbm>>, %arg5: memref<128xf32, #tpu.memory_space<vmem>>, %arg6: memref<256xf32, #tpu.memory_space<vmem>>, %arg7: memref<32xi32, #tpu.memory_space<vmem>>, %arg8: memref<16x32xi32, #tpu.memory_space<vmem>>, %arg9: memref<32xi32, #tpu.memory_space<vmem>>) attributes {dimension_semantics = [#tpu.dimension_semantics<core_parallel>, #tpu.dimension_semantics<subcore_parallel>], iteration_bounds = array<i64: 2, 16>, scalar_prefetch = 0 : i64, scratch_operands = 5 : i64, tpu.core_type = #tpu.core_type<sc_vector_subcore>, window_params = [{transform_indices = #map}, {transform_indices = #map}, {transform_indices = #map}]} {
    %mul3A = arith.constant 128 : i32
    %mul3A_0 = arith.muli %arg1, %mul3A : i32
    %run_scoped3A = arith.constant 0 : i32
    "tpu.region"() ({
      %run_scoped3A_1805 = tpu.sem_alloc : memref<!tpu.dma_semaphore, #tpu.memory_space<semaphore_mem>>
      %dma_start3A = tpu.memref_slice %arg2[%arg0, %run_scoped3A, %mul3A_0] : memref<2x1x2048xf32, #tpu.memory_space<hbm>> -> memref<1x1x128xf32, #tpu.memory_space<hbm>>
      %dma_start3A_1806 = tpu.memref_squeeze %dma_start3A : memref<1x1x128xf32, #tpu.memory_space<hbm>> -> memref<128xf32, #tpu.memory_space<hbm>>
      %dma_start3A_1807 = tpu.memref_slice %arg2[%arg0, %run_scoped3A, %mul3A_0] : memref<2x1x2048xf32, #tpu.memory_space<hbm>> -> memref<1x1x128xf32, #tpu.memory_space<hbm>>
      %dma_start3A_1808 = tpu.memref_squeeze %dma_start3A_1807 : memref<1x1x128xf32, #tpu.memory_space<hbm>> -> memref<128xf32, #tpu.memory_space<hbm>>
      tpu.enqueue_dma source(%dma_start3A_1808 : memref<128xf32, #tpu.memory_space<hbm>>) target(%arg5 : memref<128xf32, #tpu.memory_space<vmem>>) target_semaphore(%run_scoped3A_1805 : memref<!tpu.dma_semaphore, #tpu.memory_space<semaphore_mem>>)
      %dma_wait3A = tpu.memref_slice %arg2[%arg0, %run_scoped3A, %mul3A_0] : memref<2x1x2048xf32, #tpu.memory_space<hbm>> -> memref<1x1x128xf32, #tpu.memory_space<hbm>>
      %dma_wait3A_1809 = tpu.memref_squeeze %dma_wait3A : memref<1x1x128xf32, #tpu.memory_space<hbm>> -> memref<128xf32, #tpu.memory_space<hbm>>
      %dma_wait3A_1810 = tpu.memref_slice %arg2[%arg0, %run_scoped3A, %mul3A_0] : memref<2x1x2048xf32, #tpu.memory_space<hbm>> -> memref<1x1x128xf32, #tpu.memory_space<hbm>>
      %dma_wait3A_1811 = tpu.memref_squeeze %dma_wait3A_1810 : memref<1x1x128xf32, #tpu.memory_space<hbm>> -> memref<128xf32, #tpu.memory_space<hbm>>
      tpu.wait_dma2 semaphore(%run_scoped3A_1805 : memref<!tpu.dma_semaphore, #tpu.memory_space<semaphore_mem>>) src(%dma_wait3A_1811 : memref<128xf32, #tpu.memory_space<hbm>>) dst(%arg5 : memref<128xf32, #tpu.memory_space<vmem>>)
      tpu.yield
    }) : () -> ()
    %lt3A = arith.constant 15 : i32
    %lt3A_1 = arith.cmpi slt, %arg1, %lt3A : i32
    %convert_element_type3A = arith.extui %lt3A_1 : i1 to i32
    %cond3A = arith.constant 0 : i32
    %cond3A_2 = arith.cmpi ne, %convert_element_type3A, %cond3A : i32
    scf.if %cond3A_2 {
      %run_scoped3A_1805 = arith.constant 0 : i32
      "tpu.region"() ({
        %run_scoped3A_1806 = tpu.sem_alloc : memref<!tpu.dma_semaphore, #tpu.memory_space<semaphore_mem>>
        %dma_start3A = tpu.memref_slice %arg3[%arg0, %run_scoped3A_1805, %mul3A_0] : memref<2x1x2048xf32, #tpu.memory_space<hbm>> -> memref<1x1x256xf32, #tpu.memory_space<hbm>>
        %dma_start3A_1807 = tpu.memref_squeeze %dma_start3A : memref<1x1x256xf32, #tpu.memory_space<hbm>> -> memref<256xf32, #tpu.memory_space<hbm>>
        %dma_start3A_1808 = tpu.memref_slice %arg3[%arg0, %run_scoped3A_1805, %mul3A_0] : memref<2x1x2048xf32, #tpu.memory_space<hbm>> -> memref<1x1x256xf32, #tpu.memory_space<hbm>>
        %dma_start3A_1809 = tpu.memref_squeeze %dma_start3A_1808 : memref<1x1x256xf32, #tpu.memory_space<hbm>> -> memref<256xf32, #tpu.memory_space<hbm>>
        tpu.enqueue_dma source(%dma_start3A_1809 : memref<256xf32, #tpu.memory_space<hbm>>) target(%arg6 : memref<256xf32, #tpu.memory_space<vmem>>) target_semaphore(%run_scoped3A_1806 : memref<!tpu.dma_semaphore, #tpu.memory_space<semaphore_mem>>)
        %dma_wait3A = tpu.memref_slice %arg3[%arg0, %run_scoped3A_1805, %mul3A_0] : memref<2x1x2048xf32, #tpu.memory_space<hbm>> -> memref<1x1x256xf32, #tpu.memory_space<hbm>>
        %dma_wait3A_1810 = tpu.memref_squeeze %dma_wait3A : memref<1x1x256xf32, #tpu.memory_space<hbm>> -> memref<256xf32, #tpu.memory_space<hbm>>
        %dma_wait3A_1811 = tpu.memref_slice %arg3[%arg0, %run_scoped3A_1805, %mul3A_0] : memref<2x1x2048xf32, #tpu.memory_space<hbm>> -> memref<1x1x256xf32, #tpu.memory_space<hbm>>
        %dma_wait3A_1812 = tpu.memref_squeeze %dma_wait3A_1811 : memref<1x1x256xf32, #tpu.memory_space<hbm>> -> memref<256xf32, #tpu.memory_space<hbm>>
        tpu.wait_dma2 semaphore(%run_scoped3A_1806 : memref<!tpu.dma_semaphore, #tpu.memory_space<semaphore_mem>>) src(%dma_wait3A_1812 : memref<256xf32, #tpu.memory_space<hbm>>) dst(%arg6 : memref<256xf32, #tpu.memory_space<vmem>>)
        tpu.yield
      }) : () -> ()
    } else {
    }
    %eq3A = arith.constant 15 : i32
    %eq3A_3 = arith.cmpi eq, %arg1, %eq3A : i32
    %convert_element_type3A_4 = arith.extui %eq3A_3 : i1 to i32
    %cond3A_5 = arith.constant 0 : i32
    %cond3A_6 = arith.cmpi ne, %convert_element_type3A_4, %cond3A_5 : i32
    scf.if %cond3A_6 {
      %run_scoped3A_1805 = arith.constant 0 : i32
      "tpu.region"() ({
        %run_scoped3A_1812 = tpu.sem_alloc : memref<!tpu.dma_semaphore, #tpu.memory_space<semaphore_mem>>
        %dma_start3A = arith.constant 0 : i32
        %dma_start3A_1813 = tpu.memref_slice %arg6[%dma_start3A] : memref<256xf32, #tpu.memory_space<vmem>> -> memref<128xf32, #tpu.memory_space<vmem>>
        %dma_start3A_1814 = tpu.memref_slice %arg3[%arg0, %run_scoped3A_1805, %mul3A_0] : memref<2x1x2048xf32, #tpu.memory_space<hbm>> -> memref<1x1x128xf32, #tpu.memory_space<hbm>>
        %dma_start3A_1815 = tpu.memref_squeeze %dma_start3A_1814 : memref<1x1x128xf32, #tpu.memory_space<hbm>> -> memref<128xf32, #tpu.memory_space<hbm>>
        %dma_start3A_1816 = arith.constant 0 : i32
        %dma_start3A_1817 = tpu.memref_slice %arg6[%dma_start3A_1816] : memref<256xf32, #tpu.memory_space<vmem>> -> memref<128xf32, #tpu.memory_space<vmem>>
        %dma_start3A_1818 = tpu.memref_slice %arg3[%arg0, %run_scoped3A_1805, %mul3A_0] : memref<2x1x2048xf32, #tpu.memory_space<hbm>> -> memref<1x1x128xf32, #tpu.memory_space<hbm>>
        %dma_start3A_1819 = tpu.memref_squeeze %dma_start3A_1818 : memref<1x1x128xf32, #tpu.memory_space<hbm>> -> memref<128xf32, #tpu.memory_space<hbm>>
        tpu.enqueue_dma source(%dma_start3A_1819 : memref<128xf32, #tpu.memory_space<hbm>>) target(%dma_start3A_1817 : memref<128xf32, #tpu.memory_space<vmem>>) target_semaphore(%run_scoped3A_1812 : memref<!tpu.dma_semaphore, #tpu.memory_space<semaphore_mem>>)
        %dma_wait3A = arith.constant 0 : i32
        %dma_wait3A_1820 = tpu.memref_slice %arg6[%dma_wait3A] : memref<256xf32, #tpu.memory_space<vmem>> -> memref<128xf32, #tpu.memory_space<vmem>>
        %dma_wait3A_1821 = tpu.memref_slice %arg3[%arg0, %run_scoped3A_1805, %mul3A_0] : memref<2x1x2048xf32, #tpu.memory_space<hbm>> -> memref<1x1x128xf32, #tpu.memory_space<hbm>>
        %dma_wait3A_1822 = tpu.memref_squeeze %dma_wait3A_1821 : memref<1x1x128xf32, #tpu.memory_space<hbm>> -> memref<128xf32, #tpu.memory_space<hbm>>
        %dma_wait3A_1823 = arith.constant 0 : i32
        %dma_wait3A_1824 = tpu.memref_slice %arg6[%dma_wait3A_1823] : memref<256xf32, #tpu.memory_space<vmem>> -> memref<128xf32, #tpu.memory_space<vmem>>
        %dma_wait3A_1825 = tpu.memref_slice %arg3[%arg0, %run_scoped3A_1805, %mul3A_0] : memref<2x1x2048xf32, #tpu.memory_space<hbm>> -> memref<1x1x128xf32, #tpu.memory_space<hbm>>
        %dma_wait3A_1826 = tpu.memref_squeeze %dma_wait3A_1825 : memref<1x1x128xf32, #tpu.memory_space<hbm>> -> memref<128xf32, #tpu.memory_space<hbm>>
        tpu.wait_dma2 semaphore(%run_scoped3A_1812 : memref<!tpu.dma_semaphore, #tpu.memory_space<semaphore_mem>>) src(%dma_wait3A_1826 : memref<128xf32, #tpu.memory_space<hbm>>) dst(%dma_wait3A_1824 : memref<128xf32, #tpu.memory_space<vmem>>)
        tpu.yield
      }) : () -> ()
      %broadcast_in_dim3A_1806 = arith.constant -1.000000e+30 : f32
      %broadcast_in_dim3A_1807 = vector.broadcast %broadcast_in_dim3A_1806 : f32 to vector<16xf32>
      %swap3A_1808 = arith.constant 128 : index
      %swap3A_1809 = tpu.vector_load %arg6[%swap3A_1808] {strides = array<i32>} : memref<256xf32, #tpu.memory_space<vmem>>, vector<16xf32>,
      tpu.vector_store %arg6[%swap3A_1808], %broadcast_in_dim3A_1807 {strides = array<i32>} : memref<256xf32, #tpu.memory_space<vmem>>, vector<16xf32>,
      %swap3A_1810 = arith.constant 144 : index
      %swap3A_1811 = tpu.vector_load %arg6[%swap3A_1810] {strides = array<i32>} : memref<256xf32, #tpu.memory_space<vmem>>, vector<16xf32>,
      tpu.vector_store %arg6[%swap3A_1810], %broadcast_in_dim3A_1807 {strides = array<i32>} : memref<256xf32, #tpu.memory_space<vmem>>, vector<16xf32>,
    } else {
    }
    %iota3A = tpu.iota {dimensions = array<i32: 0>} : vector<16xi32>
    %get3A = arith.constant 0 : index
    %get3A_7 = tpu.vector_load %arg5[%get3A] {strides = array<i32>} : memref<128xf32, #tpu.memory_space<vmem>>, vector<16xf32>,
    %get3A_8 = arith.constant 0 : index
    %get3A_9 = tpu.vector_load %arg6[%get3A_8] {strides = array<i32>} : memref<256xf32, #tpu.memory_space<vmem>>, vector<16xf32>,
    %broadcast_in_dim3A = arith.constant 0 : i32
    %broadcast_in_dim3A_10 = vector.broadcast %broadcast_in_dim3A : i32 to vector<16xi32>
    %get3A_11 = arith.constant 1 : index
    %get3A_12 = tpu.vector_load %arg6[%get3A_11] {strides = array<i32>} : memref<256xf32, #tpu.memory_space<vmem>>, vector<16xf32>,
    %gt3A = arith.cmpf ogt, %get3A_12, %get3A_9 : vector<16xf32>
    %select_n3A = arith.select %gt3A, %get3A_12, %get3A_9 : vector<16xi1>, vector<16xf32>
    %jit3A = arith.constant 1 : i32
    %broadcast_in_dim3A_13 = vector.broadcast %jit3A : i32 to vector<16xi32>
    %select_n3A_14 = arith.select %gt3A, %broadcast_in_dim3A_13, %broadcast_in_dim3A_10 : vector<16xi1>, vector<16xi32>
    %get3A_15 = arith.constant 2 : index
    %get3A_16 = tpu.vector_load %arg6[%get3A_15] {strides = array<i32>} : memref<256xf32, #tpu.memory_space<vmem>>, vector<16xf32>,
    %gt3A_17 = arith.cmpf ogt, %get3A_16, %select_n3A : vector<16xf32>
    %select_n3A_18 = arith.select %gt3A_17, %get3A_16, %select_n3A : vector<16xi1>, vector<16xf32>
    %jit3A_19 = arith.constant 2 : i32
    %broadcast_in_dim3A_20 = vector.broadcast %jit3A_19 : i32 to vector<16xi32>
    %select_n3A_21 = arith.select %gt3A_17, %broadcast_in_dim3A_20, %select_n3A_14 : vector<16xi1>, vector<16xi32>
    %get3A_22 = arith.constant 3 : index
    %get3A_23 = tpu.vector_load %arg6[%get3A_22] {strides = array<i32>} : memref<256xf32, #tpu.memory_space<vmem>>, vector<16xf32>,
    %gt3A_24 = arith.cmpf ogt, %get3A_23, %select_n3A_18 : vector<16xf32>
    %select_n3A_25 = arith.select %gt3A_24, %get3A_23, %select_n3A_18 : vector<16xi1>, vector<16xf32>
    %jit3A_26 = arith.constant 3 : i32
    %broadcast_in_dim3A_27 = vector.broadcast %jit3A_26 : i32 to vector<16xi32>
    %select_n3A_28 = arith.select %gt3A_24, %broadcast_in_dim3A_27, %select_n3A_21 : vector<16xi1>, vector<16xi32>
    %get3A_29 = arith.constant 4 : index
    %get3A_30 = tpu.vector_load %arg6[%get3A_29] {strides = array<i32>} : memref<256xf32, #tpu.memory_space<vmem>>, vector<16xf32>,
    %gt3A_31 = arith.cmpf ogt, %get3A_30, %select_n3A_25 : vector<16xf32>
    %select_n3A_32 = arith.select %gt3A_31, %get3A_30, %select_n3A_25 : vector<16xi1>, vector<16xf32>
    %jit3A_33 = arith.constant 4 : i32
    %broadcast_in_dim3A_34 = vector.broadcast %jit3A_33 : i32 to vector<16xi32>
    %select_n3A_35 = arith.select %gt3A_31, %broadcast_in_dim3A_34, %select_n3A_28 : vector<16xi1>, vector<16xi32>
    %get3A_36 = arith.constant 5 : index
    %get3A_37 = tpu.vector_load %arg6[%get3A_36] {strides = array<i32>} : memref<256xf32, #tpu.memory_space<vmem>>, vector<16xf32>,
    %gt3A_38 = arith.cmpf ogt, %get3A_37, %select_n3A_32 : vector<16xf32>
    %select_n3A_39 = arith.select %gt3A_38, %get3A_37, %select_n3A_32 : vector<16xi1>, vector<16xf32>
    %jit3A_40 = arith.constant 5 : i32
    %broadcast_in_dim3A_41 = vector.broadcast %jit3A_40 : i32 to vector<16xi32>
    %select_n3A_42 = arith.select %gt3A_38, %broadcast_in_dim3A_41, %select_n3A_35 : vector<16xi1>, vector<16xi32>
    %get3A_43 = arith.constant 6 : index
    %get3A_44 = tpu.vector_load %arg6[%get3A_43] {strides = array<i32>} : memref<256xf32, #tpu.memory_space<vmem>>, vector<16xf32>,
    %gt3A_45 = arith.cmpf ogt, %get3A_44, %select_n3A_39 : vector<16xf32>
    %select_n3A_46 = arith.select %gt3A_45, %get3A_44, %select_n3A_39 : vector<16xi1>, vector<16xf32>
    %jit3A_47 = arith.constant 6 : i32
    %broadcast_in_dim3A_48 = vector.broadcast %jit3A_47 : i32 to vector<16xi32>
    %select_n3A_49 = arith.select %gt3A_45, %broadcast_in_dim3A_48, %select_n3A_42 : vector<16xi1>, vector<16xi32>
    %get3A_50 = arith.constant 7 : index
    %get3A_51 = tpu.vector_load %arg6[%get3A_50] {strides = array<i32>} : memref<256xf32, #tpu.memory_space<vmem>>, vector<16xf32>,
    %gt3A_52 = arith.cmpf ogt, %get3A_51, %select_n3A_46 : vector<16xf32>
    %select_n3A_53 = arith.select %gt3A_52, %get3A_51, %select_n3A_46 : vector<16xi1>, vector<16xf32>
    %jit3A_54 = arith.constant 7 : i32
    %broadcast_in_dim3A_55 = vector.broadcast %jit3A_54 : i32 to vector<16xi32>
    %select_n3A_56 = arith.select %gt3A_52, %broadcast_in_dim3A_55, %select_n3A_49 : vector<16xi1>, vector<16xi32>
    %get3A_57 = arith.constant 8 : index
    %get3A_58 = tpu.vector_load %arg6[%get3A_57] {strides = array<i32>} : memref<256xf32, #tpu.memory_space<vmem>>, vector<16xf32>,
    %gt3A_59 = arith.cmpf ogt, %get3A_58, %select_n3A_53 : vector<16xf32>
    %select_n3A_60 = arith.select %gt3A_59, %get3A_58, %select_n3A_53 : vector<16xi1>, vector<16xf32>
    %jit3A_61 = arith.constant 8 : i32
    %broadcast_in_dim3A_62 = vector.broadcast %jit3A_61 : i32 to vector<16xi32>
    %select_n3A_63 = arith.select %gt3A_59, %broadcast_in_dim3A_62, %select_n3A_56 : vector<16xi1>, vector<16xi32>
    %get3A_64 = arith.constant 9 : index
    %get3A_65 = tpu.vector_load %arg6[%get3A_64] {strides = array<i32>} : memref<256xf32, #tpu.memory_space<vmem>>, vector<16xf32>,
    %gt3A_66 = arith.cmpf ogt, %get3A_65, %select_n3A_60 : vector<16xf32>
    %select_n3A_67 = arith.select %gt3A_66, %get3A_65, %select_n3A_60 : vector<16xi1>, vector<16xf32>
    %jit3A_68 = arith.constant 9 : i32
    %broadcast_in_dim3A_69 = vector.broadcast %jit3A_68 : i32 to vector<16xi32>
    %select_n3A_70 = arith.select %gt3A_66, %broadcast_in_dim3A_69, %select_n3A_63 : vector<16xi1>, vector<16xi32>
    %get3A_71 = arith.constant 10 : index
    %get3A_72 = tpu.vector_load %arg6[%get3A_71] {strides = array<i32>} : memref<256xf32, #tpu.memory_space<vmem>>, vector<16xf32>,
    %gt3A_73 = arith.cmpf ogt, %get3A_72, %select_n3A_67 : vector<16xf32>
    %select_n3A_74 = arith.select %gt3A_73, %get3A_72, %select_n3A_67 : vector<16xi1>, vector<16xf32>
    %jit3A_75 = arith.constant 10 : i32
    %broadcast_in_dim3A_76 = vector.broadcast %jit3A_75 : i32 to vector<16xi32>
    %select_n3A_77 = arith.select %gt3A_73, %broadcast_in_dim3A_76, %select_n3A_70 : vector<16xi1>, vector<16xi32>
    %get3A_78 = arith.constant 11 : index
    %get3A_79 = tpu.vector_load %arg6[%get3A_78] {strides = array<i32>} : memref<256xf32, #tpu.memory_space<vmem>>, vector<16xf32>,
    %gt3A_80 = arith.cmpf ogt, %get3A_79, %select_n3A_74 : vector<16xf32>
    %select_n3A_81 = arith.select %gt3A_80, %get3A_79, %select_n3A_74 : vector<16xi1>, vector<16xf32>
    %jit3A_82 = arith.constant 11 : i32
    %broadcast_in_dim3A_83 = vector.broadcast %jit3A_82 : i32 to vector<16xi32>
    %select_n3A_84 = arith.select %gt3A_80, %broadcast_in_dim3A_83, %select_n3A_77 : vector<16xi1>, vector<16xi32>
    %get3A_85 = arith.constant 12 : index
    %get3A_86 = tpu.vector_load %arg6[%get3A_85] {strides = array<i32>} : memref<256xf32, #tpu.memory_space<vmem>>, vector<16xf32>,
    %gt3A_87 = arith.cmpf ogt, %get3A_86, %select_n3A_81 : vector<16xf32>
    %select_n3A_88 = arith.select %gt3A_87, %get3A_86, %select_n3A_81 : vector<16xi1>, vector<16xf32>
    %jit3A_89 = arith.constant 12 : i32
    %broadcast_in_dim3A_90 = vector.broadcast %jit3A_89 : i32 to vector<16xi32>
    %select_n3A_91 = arith.select %gt3A_87, %broadcast_in_dim3A_90, %select_n3A_84 : vector<16xi1>, vector<16xi32>
    %get3A_92 = arith.constant 13 : index
    %get3A_93 = tpu.vector_load %arg6[%get3A_92] {strides = array<i32>} : memref<256xf32, #tpu.memory_space<vmem>>, vector<16xf32>,
    %gt3A_94 = arith.cmpf ogt, %get3A_93, %select_n3A_88 : vector<16xf32>
    %select_n3A_95 = arith.select %gt3A_94, %get3A_93, %select_n3A_88 : vector<16xi1>, vector<16xf32>
    %jit3A_96 = arith.constant 13 : i32
    %broadcast_in_dim3A_97 = vector.broadcast %jit3A_96 : i32 to vector<16xi32>
    %select_n3A_98 = arith.select %gt3A_94, %broadcast_in_dim3A_97, %select_n3A_91 : vector<16xi1>, vector<16xi32>
    %get3A_99 = arith.constant 14 : index
    %get3A_100 = tpu.vector_load %arg6[%get3A_99] {strides = array<i32>} : memref<256xf32, #tpu.memory_space<vmem>>, vector<16xf32>,
    %gt3A_101 = arith.cmpf ogt, %get3A_100, %select_n3A_95 : vector<16xf32>
    %select_n3A_102 = arith.select %gt3A_101, %get3A_100, %select_n3A_95 : vector<16xi1>, vector<16xf32>
    %jit3A_103 = arith.constant 14 : i32
    %broadcast_in_dim3A_104 = vector.broadcast %jit3A_103 : i32 to vector<16xi32>
    %select_n3A_105 = arith.select %gt3A_101, %broadcast_in_dim3A_104, %select_n3A_98 : vector<16xi1>, vector<16xi32>
    %get3A_106 = arith.constant 15 : index
    %get3A_107 = tpu.vector_load %arg6[%get3A_106] {strides = array<i32>} : memref<256xf32, #tpu.memory_space<vmem>>, vector<16xf32>,
    %gt3A_108 = arith.cmpf ogt, %get3A_107, %select_n3A_102 : vector<16xf32>
    %select_n3A_109 = arith.select %gt3A_108, %get3A_107, %select_n3A_102 : vector<16xi1>, vector<16xf32>
    %jit3A_110 = arith.constant 15 : i32
    %broadcast_in_dim3A_111 = vector.broadcast %jit3A_110 : i32 to vector<16xi32>
    %select_n3A_112 = arith.select %gt3A_108, %broadcast_in_dim3A_111, %select_n3A_105 : vector<16xi1>, vector<16xi32>
    %get3A_113 = arith.constant 16 : index
    %get3A_114 = tpu.vector_load %arg6[%get3A_113] {strides = array<i32>} : memref<256xf32, #tpu.memory_space<vmem>>, vector<16xf32>,
    %gt3A_115 = arith.cmpf ogt, %get3A_114, %select_n3A_109 : vector<16xf32>
    %select_n3A_116 = arith.select %gt3A_115, %get3A_114, %select_n3A_109 : vector<16xi1>, vector<16xf32>
    %jit3A_117 = arith.constant 16 : i32
    %broadcast_in_dim3A_118 = vector.broadcast %jit3A_117 : i32 to vector<16xi32>
    %select_n3A_119 = arith.select %gt3A_115, %broadcast_in_dim3A_118, %select_n3A_112 : vector<16xi1>, vector<16xi32>
    %get3A_120 = arith.constant 17 : index
    %get3A_121 = tpu.vector_load %arg6[%get3A_120] {strides = array<i32>} : memref<256xf32, #tpu.memory_space<vmem>>, vector<16xf32>,
    %gt3A_122 = arith.cmpf ogt, %get3A_121, %select_n3A_116 : vector<16xf32>
    %select_n3A_123 = arith.select %gt3A_122, %get3A_121, %select_n3A_116 : vector<16xi1>, vector<16xf32>
    %jit3A_124 = arith.constant 17 : i32
    %broadcast_in_dim3A_125 = vector.broadcast %jit3A_124 : i32 to vector<16xi32>
    %select_n3A_126 = arith.select %gt3A_122, %broadcast_in_dim3A_125, %select_n3A_119 : vector<16xi1>, vector<16xi32>
    %get3A_127 = arith.constant 18 : index
    %get3A_128 = tpu.vector_load %arg6[%get3A_127] {strides = array<i32>} : memref<256xf32, #tpu.memory_space<vmem>>, vector<16xf32>,
    %gt3A_129 = arith.cmpf ogt, %get3A_128, %select_n3A_123 : vector<16xf32>
    %select_n3A_130 = arith.select %gt3A_129, %get3A_128, %select_n3A_123 : vector<16xi1>, vector<16xf32>
    %jit3A_131 = arith.constant 18 : i32
    %broadcast_in_dim3A_132 = vector.broadcast %jit3A_131 : i32 to vector<16xi32>
    %select_n3A_133 = arith.select %gt3A_129, %broadcast_in_dim3A_132, %select_n3A_126 : vector<16xi1>, vector<16xi32>
    %get3A_134 = arith.constant 19 : index
    %get3A_135 = tpu.vector_load %arg6[%get3A_134] {strides = array<i32>} : memref<256xf32, #tpu.memory_space<vmem>>, vector<16xf32>,
    %gt3A_136 = arith.cmpf ogt, %get3A_135, %select_n3A_130 : vector<16xf32>
    %select_n3A_137 = arith.select %gt3A_136, %get3A_135, %select_n3A_130 : vector<16xi1>, vector<16xf32>
    %jit3A_138 = arith.constant 19 : i32
    %broadcast_in_dim3A_139 = vector.broadcast %jit3A_138 : i32 to vector<16xi32>
    %select_n3A_140 = arith.select %gt3A_136, %broadcast_in_dim3A_139, %select_n3A_133 : vector<16xi1>, vector<16xi32>
    %get3A_141 = arith.constant 20 : index
    %get3A_142 = tpu.vector_load %arg6[%get3A_141] {strides = array<i32>} : memref<256xf32, #tpu.memory_space<vmem>>, vector<16xf32>,
    %gt3A_143 = arith.cmpf ogt, %get3A_142, %select_n3A_137 : vector<16xf32>
    %select_n3A_144 = arith.select %gt3A_143, %get3A_142, %select_n3A_137 : vector<16xi1>, vector<16xf32>
    %jit3A_145 = arith.constant 20 : i32
    %broadcast_in_dim3A_146 = vector.broadcast %jit3A_145 : i32 to vector<16xi32>
    %select_n3A_147 = arith.select %gt3A_143, %broadcast_in_dim3A_146, %select_n3A_140 : vector<16xi1>, vector<16xi32>
    %get3A_148 = arith.constant 21 : index
    %get3A_149 = tpu.vector_load %arg6[%get3A_148] {strides = array<i32>} : memref<256xf32, #tpu.memory_space<vmem>>, vector<16xf32>,
    %gt3A_150 = arith.cmpf ogt, %get3A_149, %select_n3A_144 : vector<16xf32>
    %select_n3A_151 = arith.select %gt3A_150, %get3A_149, %select_n3A_144 : vector<16xi1>, vector<16xf32>
    %jit3A_152 = arith.constant 21 : i32
    %broadcast_in_dim3A_153 = vector.broadcast %jit3A_152 : i32 to vector<16xi32>
    %select_n3A_154 = arith.select %gt3A_150, %broadcast_in_dim3A_153, %select_n3A_147 : vector<16xi1>, vector<16xi32>
    %get3A_155 = arith.constant 22 : index
    %get3A_156 = tpu.vector_load %arg6[%get3A_155] {strides = array<i32>} : memref<256xf32, #tpu.memory_space<vmem>>, vector<16xf32>,
    %gt3A_157 = arith.cmpf ogt, %get3A_156, %select_n3A_151 : vector<16xf32>
    %select_n3A_158 = arith.select %gt3A_157, %get3A_156, %select_n3A_151 : vector<16xi1>, vector<16xf32>
    %jit3A_159 = arith.constant 22 : i32
    %broadcast_in_dim3A_160 = vector.broadcast %jit3A_159 : i32 to vector<16xi32>
    %select_n3A_161 = arith.select %gt3A_157, %broadcast_in_dim3A_160, %select_n3A_154 : vector<16xi1>, vector<16xi32>
    %get3A_162 = arith.constant 23 : index
    %get3A_163 = tpu.vector_load %arg6[%get3A_162] {strides = array<i32>} : memref<256xf32, #tpu.memory_space<vmem>>, vector<16xf32>,
    %gt3A_164 = arith.cmpf ogt, %get3A_163, %select_n3A_158 : vector<16xf32>
    %select_n3A_165 = arith.select %gt3A_164, %get3A_163, %select_n3A_158 : vector<16xi1>, vector<16xf32>
    %jit3A_166 = arith.constant 23 : i32
    %broadcast_in_dim3A_167 = vector.broadcast %jit3A_166 : i32 to vector<16xi32>
    %select_n3A_168 = arith.select %gt3A_164, %broadcast_in_dim3A_167, %select_n3A_161 : vector<16xi1>, vector<16xi32>
    %get3A_169 = arith.constant 24 : index
    %get3A_170 = tpu.vector_load %arg6[%get3A_169] {strides = array<i32>} : memref<256xf32, #tpu.memory_space<vmem>>, vector<16xf32>,
    %gt3A_171 = arith.cmpf ogt, %get3A_170, %select_n3A_165 : vector<16xf32>
    %select_n3A_172 = arith.select %gt3A_171, %get3A_170, %select_n3A_165 : vector<16xi1>, vector<16xf32>
    %jit3A_173 = arith.constant 24 : i32
    %broadcast_in_dim3A_174 = vector.broadcast %jit3A_173 : i32 to vector<16xi32>
    %select_n3A_175 = arith.select %gt3A_171, %broadcast_in_dim3A_174, %select_n3A_168 : vector<16xi1>, vector<16xi32>
    %get3A_176 = arith.constant 25 : index
    %get3A_177 = tpu.vector_load %arg6[%get3A_176] {strides = array<i32>} : memref<256xf32, #tpu.memory_space<vmem>>, vector<16xf32>,
    %gt3A_178 = arith.cmpf ogt, %get3A_177, %select_n3A_172 : vector<16xf32>
    %select_n3A_179 = arith.select %gt3A_178, %get3A_177, %select_n3A_172 : vector<16xi1>, vector<16xf32>
    %jit3A_180 = arith.constant 25 : i32
    %broadcast_in_dim3A_181 = vector.broadcast %jit3A_180 : i32 to vector<16xi32>
    %select_n3A_182 = arith.select %gt3A_178, %broadcast_in_dim3A_181, %select_n3A_175 : vector<16xi1>, vector<16xi32>
    %get3A_183 = arith.constant 26 : index
    %get3A_184 = tpu.vector_load %arg6[%get3A_183] {strides = array<i32>} : memref<256xf32, #tpu.memory_space<vmem>>, vector<16xf32>,
    %gt3A_185 = arith.cmpf ogt, %get3A_184, %select_n3A_179 : vector<16xf32>
    %select_n3A_186 = arith.select %gt3A_185, %get3A_184, %select_n3A_179 : vector<16xi1>, vector<16xf32>
    %jit3A_187 = arith.constant 26 : i32
    %broadcast_in_dim3A_188 = vector.broadcast %jit3A_187 : i32 to vector<16xi32>
    %select_n3A_189 = arith.select %gt3A_185, %broadcast_in_dim3A_188, %select_n3A_182 : vector<16xi1>, vector<16xi32>
    %get3A_190 = arith.constant 27 : index
    %get3A_191 = tpu.vector_load %arg6[%get3A_190] {strides = array<i32>} : memref<256xf32, #tpu.memory_space<vmem>>, vector<16xf32>,
    %gt3A_192 = arith.cmpf ogt, %get3A_191, %select_n3A_186 : vector<16xf32>
    %select_n3A_193 = arith.select %gt3A_192, %get3A_191, %select_n3A_186 : vector<16xi1>, vector<16xf32>
    %jit3A_194 = arith.constant 27 : i32
    %broadcast_in_dim3A_195 = vector.broadcast %jit3A_194 : i32 to vector<16xi32>
    %select_n3A_196 = arith.select %gt3A_192, %broadcast_in_dim3A_195, %select_n3A_189 : vector<16xi1>, vector<16xi32>
    %get3A_197 = arith.constant 28 : index
    %get3A_198 = tpu.vector_load %arg6[%get3A_197] {strides = array<i32>} : memref<256xf32, #tpu.memory_space<vmem>>, vector<16xf32>,
    %gt3A_199 = arith.cmpf ogt, %get3A_198, %select_n3A_193 : vector<16xf32>
    %select_n3A_200 = arith.select %gt3A_199, %get3A_198, %select_n3A_193 : vector<16xi1>, vector<16xf32>
    %jit3A_201 = arith.constant 28 : i32
    %broadcast_in_dim3A_202 = vector.broadcast %jit3A_201 : i32 to vector<16xi32>
    %select_n3A_203 = arith.select %gt3A_199, %broadcast_in_dim3A_202, %select_n3A_196 : vector<16xi1>, vector<16xi32>
    %get3A_204 = arith.constant 29 : index
    %get3A_205 = tpu.vector_load %arg6[%get3A_204] {strides = array<i32>} : memref<256xf32, #tpu.memory_space<vmem>>, vector<16xf32>,
    %gt3A_206 = arith.cmpf ogt, %get3A_205, %select_n3A_200 : vector<16xf32>
    %select_n3A_207 = arith.select %gt3A_206, %get3A_205, %select_n3A_200 : vector<16xi1>, vector<16xf32>
    %jit3A_208 = arith.constant 29 : i32
    %broadcast_in_dim3A_209 = vector.broadcast %jit3A_208 : i32 to vector<16xi32>
    %select_n3A_210 = arith.select %gt3A_206, %broadcast_in_dim3A_209, %select_n3A_203 : vector<16xi1>, vector<16xi32>
    %add3A = arith.addf %get3A_7, %select_n3A_207 : vector<16xf32>
    %add3A_211 = arith.constant 0 : i32
    %add3A_212 = arith.addi %mul3A_0, %add3A_211 : i32
    %add3A_213 = vector.broadcast %add3A_212 : i32 to vector<16xi32>
    %add3A_214 = arith.addi %iota3A, %add3A_213 : vector<16xi32>
    %mul3A_215 = arith.constant 2048 : i32
    %mul3A_216 = vector.broadcast %mul3A_215 : i32 to vector<16xi32>
    %mul3A_217 = arith.muli %add3A_214, %mul3A_216 : vector<16xi32>
    %add3A_218 = arith.addi %add3A_214, %select_n3A_210 : vector<16xi32>
    %add3A_219 = arith.addi %mul3A_217, %add3A_218 : vector<16xi32>
    %eq3A_220 = arith.constant 0 : i32
    %eq3A_221 = arith.cmpi eq, %arg1, %eq3A_220 : i32
    %broadcast_in_dim3A_222 = vector.broadcast %eq3A_221 : i1 to vector<16xi1>
    %lt3A_223 = arith.constant 4 : i32
    %lt3A_224 = vector.broadcast %lt3A_223 : i32 to vector<16xi32>
    %lt3A_225 = arith.cmpi slt, %iota3A, %lt3A_224 : vector<16xi32>
    %and3A = arith.andi %broadcast_in_dim3A_222, %lt3A_225 : vector<16xi1>
    %ge3A = arith.constant 1 : i32
    %ge3A_226 = vector.broadcast %ge3A : i32 to vector<16xi32>
    %ge3A_227 = arith.cmpi sge, %iota3A, %ge3A_226 : vector<16xi32>
    %lt3A_228 = arith.constant 4 : i32
    %lt3A_229 = vector.broadcast %lt3A_228 : i32 to vector<16xi32>
    %lt3A_230 = arith.cmpi slt, %iota3A, %lt3A_229 : vector<16xi32>
    %and3A_231 = arith.andi %ge3A_227, %lt3A_230 : vector<16xi1>
    %get3A_232 = arith.constant 0 : index
    %get3A_233 = tpu.vector_load %arg6[%get3A_232] {strides = array<i32>} : memref<256xf32, #tpu.memory_space<vmem>>, vector<16xf32>,
    %add3A_234 = arith.addf %get3A_7, %get3A_233 : vector<16xf32>
    %jit3A_235 = arith.constant -1.000000e+30 : f32
    %broadcast_in_dim3A_236 = vector.broadcast %jit3A_235 : f32 to vector<16xf32>
    %select_n3A_237 = arith.select %and3A_231, %add3A_234, %broadcast_in_dim3A_236 : vector<16xi1>, vector<16xf32>
    %select_n3A_238 = arith.select %and3A, %select_n3A_237, %add3A : vector<16xi1>, vector<16xf32>
    %mul3A_239 = arith.constant 2049 : i32
    %mul3A_240 = vector.broadcast %mul3A_239 : i32 to vector<16xi32>
    %mul3A_241 = arith.muli %add3A_214, %mul3A_240 : vector<16xi32>
    %select_n3A_242 = arith.select %and3A, %mul3A_241, %add3A_219 : vector<16xi1>, vector<16xi32>
    %get3A_243 = arith.constant 16 : index
    %get3A_244 = tpu.vector_load %arg5[%get3A_243] {strides = array<i32>} : memref<128xf32, #tpu.memory_space<vmem>>, vector<16xf32>,
    %get3A_245 = arith.constant 16 : index
    %get3A_246 = tpu.vector_load %arg6[%get3A_245] {strides = array<i32>} : memref<256xf32, #tpu.memory_space<vmem>>, vector<16xf32>,
    %broadcast_in_dim3A_247 = arith.constant 0 : i32
    %broadcast_in_dim3A_248 = vector.broadcast %broadcast_in_dim3A_247 : i32 to vector<16xi32>
    %get3A_249 = arith.constant 17 : index
    %get3A_250 = tpu.vector_load %arg6[%get3A_249] {strides = array<i32>} : memref<256xf32, #tpu.memory_space<vmem>>, vector<16xf32>,
    %gt3A_251 = arith.cmpf ogt, %get3A_250, %get3A_246 : vector<16xf32>
    %select_n3A_252 = arith.select %gt3A_251, %get3A_250, %get3A_246 : vector<16xi1>, vector<16xf32>
    %jit3A_253 = arith.constant 1 : i32
    %broadcast_in_dim3A_254 = vector.broadcast %jit3A_253 : i32 to vector<16xi32>
    %select_n3A_255 = arith.select %gt3A_251, %broadcast_in_dim3A_254, %broadcast_in_dim3A_248 : vector<16xi1>, vector<16xi32>
    %get3A_256 = arith.constant 18 : index
    %get3A_257 = tpu.vector_load %arg6[%get3A_256] {strides = array<i32>} : memref<256xf32, #tpu.memory_space<vmem>>, vector<16xf32>,
    %gt3A_258 = arith.cmpf ogt, %get3A_257, %select_n3A_252 : vector<16xf32>
    %select_n3A_259 = arith.select %gt3A_258, %get3A_257, %select_n3A_252 : vector<16xi1>, vector<16xf32>
    %jit3A_260 = arith.constant 2 : i32
    %broadcast_in_dim3A_261 = vector.broadcast %jit3A_260 : i32 to vector<16xi32>
    %select_n3A_262 = arith.select %gt3A_258, %broadcast_in_dim3A_261, %select_n3A_255 : vector<16xi1>, vector<16xi32>
    %get3A_263 = arith.constant 19 : index
    %get3A_264 = tpu.vector_load %arg6[%get3A_263] {strides = array<i32>} : memref<256xf32, #tpu.memory_space<vmem>>, vector<16xf32>,
    %gt3A_265 = arith.cmpf ogt, %get3A_264, %select_n3A_259 : vector<16xf32>
    %select_n3A_266 = arith.select %gt3A_265, %get3A_264, %select_n3A_259 : vector<16xi1>, vector<16xf32>
    %jit3A_267 = arith.constant 3 : i32
    %broadcast_in_dim3A_268 = vector.broadcast %jit3A_267 : i32 to vector<16xi32>
    %select_n3A_269 = arith.select %gt3A_265, %broadcast_in_dim3A_268, %select_n3A_262 : vector<16xi1>, vector<16xi32>
    %get3A_270 = arith.constant 20 : index
    %get3A_271 = tpu.vector_load %arg6[%get3A_270] {strides = array<i32>} : memref<256xf32, #tpu.memory_space<vmem>>, vector<16xf32>,
    %gt3A_272 = arith.cmpf ogt, %get3A_271, %select_n3A_266 : vector<16xf32>
    %select_n3A_273 = arith.select %gt3A_272, %get3A_271, %select_n3A_266 : vector<16xi1>, vector<16xf32>
    %jit3A_274 = arith.constant 4 : i32
    %broadcast_in_dim3A_275 = vector.broadcast %jit3A_274 : i32 to vector<16xi32>
    %select_n3A_276 = arith.select %gt3A_272, %broadcast_in_dim3A_275, %select_n3A_269 : vector<16xi1>, vector<16xi32>
    %get3A_277 = arith.constant 21 : index
    %get3A_278 = tpu.vector_load %arg6[%get3A_277] {strides = array<i32>} : memref<256xf32, #tpu.memory_space<vmem>>, vector<16xf32>,
    %gt3A_279 = arith.cmpf ogt, %get3A_278, %select_n3A_273 : vector<16xf32>
    %select_n3A_280 = arith.select %gt3A_279, %get3A_278, %select_n3A_273 : vector<16xi1>, vector<16xf32>
    %jit3A_281 = arith.constant 5 : i32
    %broadcast_in_dim3A_282 = vector.broadcast %jit3A_281 : i32 to vector<16xi32>
    %select_n3A_283 = arith.select %gt3A_279, %broadcast_in_dim3A_282, %select_n3A_276 : vector<16xi1>, vector<16xi32>
    %get3A_284 = arith.constant 22 : index
    %get3A_285 = tpu.vector_load %arg6[%get3A_284] {strides = array<i32>} : memref<256xf32, #tpu.memory_space<vmem>>, vector<16xf32>,
    %gt3A_286 = arith.cmpf ogt, %get3A_285, %select_n3A_280 : vector<16xf32>
    %select_n3A_287 = arith.select %gt3A_286, %get3A_285, %select_n3A_280 : vector<16xi1>, vector<16xf32>
    %jit3A_288 = arith.constant 6 : i32
    %broadcast_in_dim3A_289 = vector.broadcast %jit3A_288 : i32 to vector<16xi32>
    %select_n3A_290 = arith.select %gt3A_286, %broadcast_in_dim3A_289, %select_n3A_283 : vector<16xi1>, vector<16xi32>
    %get3A_291 = arith.constant 23 : index
    %get3A_292 = tpu.vector_load %arg6[%get3A_291] {strides = array<i32>} : memref<256xf32, #tpu.memory_space<vmem>>, vector<16xf32>,
    %gt3A_293 = arith.cmpf ogt, %get3A_292, %select_n3A_287 : vector<16xf32>
    %select_n3A_294 = arith.select %gt3A_293, %get3A_292, %select_n3A_287 : vector<16xi1>, vector<16xf32>
    %jit3A_295 = arith.constant 7 : i32
    %broadcast_in_dim3A_296 = vector.broadcast %jit3A_295 : i32 to vector<16xi32>
    %select_n3A_297 = arith.select %gt3A_293, %broadcast_in_dim3A_296, %select_n3A_290 : vector<16xi1>, vector<16xi32>
    %get3A_298 = arith.constant 24 : index
    %get3A_299 = tpu.vector_load %arg6[%get3A_298] {strides = array<i32>} : memref<256xf32, #tpu.memory_space<vmem>>, vector<16xf32>,
    %gt3A_300 = arith.cmpf ogt, %get3A_299, %select_n3A_294 : vector<16xf32>
    %select_n3A_301 = arith.select %gt3A_300, %get3A_299, %select_n3A_294 : vector<16xi1>, vector<16xf32>
    %jit3A_302 = arith.constant 8 : i32
    %broadcast_in_dim3A_303 = vector.broadcast %jit3A_302 : i32 to vector<16xi32>
    %select_n3A_304 = arith.select %gt3A_300, %broadcast_in_dim3A_303, %select_n3A_297 : vector<16xi1>, vector<16xi32>
    %get3A_305 = arith.constant 25 : index
    %get3A_306 = tpu.vector_load %arg6[%get3A_305] {strides = array<i32>} : memref<256xf32, #tpu.memory_space<vmem>>, vector<16xf32>,
    %gt3A_307 = arith.cmpf ogt, %get3A_306, %select_n3A_301 : vector<16xf32>
    %select_n3A_308 = arith.select %gt3A_307, %get3A_306, %select_n3A_301 : vector<16xi1>, vector<16xf32>
    %jit3A_309 = arith.constant 9 : i32
    %broadcast_in_dim3A_310 = vector.broadcast %jit3A_309 : i32 to vector<16xi32>
    %select_n3A_311 = arith.select %gt3A_307, %broadcast_in_dim3A_310, %select_n3A_304 : vector<16xi1>, vector<16xi32>
    %get3A_312 = arith.constant 26 : index
    %get3A_313 = tpu.vector_load %arg6[%get3A_312] {strides = array<i32>} : memref<256xf32, #tpu.memory_space<vmem>>, vector<16xf32>,
    %gt3A_314 = arith.cmpf ogt, %get3A_313, %select_n3A_308 : vector<16xf32>
    %select_n3A_315 = arith.select %gt3A_314, %get3A_313, %select_n3A_308 : vector<16xi1>, vector<16xf32>
    %jit3A_316 = arith.constant 10 : i32
    %broadcast_in_dim3A_317 = vector.broadcast %jit3A_316 : i32 to vector<16xi32>
    %select_n3A_318 = arith.select %gt3A_314, %broadcast_in_dim3A_317, %select_n3A_311 : vector<16xi1>, vector<16xi32>
    %get3A_319 = arith.constant 27 : index
    %get3A_320 = tpu.vector_load %arg6[%get3A_319] {strides = array<i32>} : memref<256xf32, #tpu.memory_space<vmem>>, vector<16xf32>,
    %gt3A_321 = arith.cmpf ogt, %get3A_320, %select_n3A_315 : vector<16xf32>
    %select_n3A_322 = arith.select %gt3A_321, %get3A_320, %select_n3A_315 : vector<16xi1>, vector<16xf32>
    %jit3A_323 = arith.constant 11 : i32
    %broadcast_in_dim3A_324 = vector.broadcast %jit3A_323 : i32 to vector<16xi32>
    %select_n3A_325 = arith.select %gt3A_321, %broadcast_in_dim3A_324, %select_n3A_318 : vector<16xi1>, vector<16xi32>
    %get3A_326 = arith.constant 28 : index
    %get3A_327 = tpu.vector_load %arg6[%get3A_326] {strides = array<i32>} : memref<256xf32, #tpu.memory_space<vmem>>, vector<16xf32>,
    %gt3A_328 = arith.cmpf ogt, %get3A_327, %select_n3A_322 : vector<16xf32>
    %select_n3A_329 = arith.select %gt3A_328, %get3A_327, %select_n3A_322 : vector<16xi1>, vector<16xf32>
    %jit3A_330 = arith.constant 12 : i32
    %broadcast_in_dim3A_331 = vector.broadcast %jit3A_330 : i32 to vector<16xi32>
    %select_n3A_332 = arith.select %gt3A_328, %broadcast_in_dim3A_331, %select_n3A_325 : vector<16xi1>, vector<16xi32>
    %get3A_333 = arith.constant 29 : index
    %get3A_334 = tpu.vector_load %arg6[%get3A_333] {strides = array<i32>} : memref<256xf32, #tpu.memory_space<vmem>>, vector<16xf32>,
    %gt3A_335 = arith.cmpf ogt, %get3A_334, %select_n3A_329 : vector<16xf32>
    %select_n3A_336 = arith.select %gt3A_335, %get3A_334, %select_n3A_329 : vector<16xi1>, vector<16xf32>
    %jit3A_337 = arith.constant 13 : i32
    %broadcast_in_dim3A_338 = vector.broadcast %jit3A_337 : i32 to vector<16xi32>
    %select_n3A_339 = arith.select %gt3A_335, %broadcast_in_dim3A_338, %select_n3A_332 : vector<16xi1>, vector<16xi32>
    %get3A_340 = arith.constant 30 : index
    %get3A_341 = tpu.vector_load %arg6[%get3A_340] {strides = array<i32>} : memref<256xf32, #tpu.memory_space<vmem>>, vector<16xf32>,
    %gt3A_342 = arith.cmpf ogt, %get3A_341, %select_n3A_336 : vector<16xf32>
    %select_n3A_343 = arith.select %gt3A_342, %get3A_341, %select_n3A_336 : vector<16xi1>, vector<16xf32>
    %jit3A_344 = arith.constant 14 : i32
    %broadcast_in_dim3A_345 = vector.broadcast %jit3A_344 : i32 to vector<16xi32>
    %select_n3A_346 = arith.select %gt3A_342, %broadcast_in_dim3A_345, %select_n3A_339 : vector<16xi1>, vector<16xi32>
    %get3A_347 = arith.constant 31 : index
    %get3A_348 = tpu.vector_load %arg6[%get3A_347] {strides = array<i32>} : memref<256xf32, #tpu.memory_space<vmem>>, vector<16xf32>,
    %gt3A_349 = arith.cmpf ogt, %get3A_348, %select_n3A_343 : vector<16xf32>
    %select_n3A_350 = arith.select %gt3A_349, %get3A_348, %select_n3A_343 : vector<16xi1>, vector<16xf32>
    %jit3A_351 = arith.constant 15 : i32
    %broadcast_in_dim3A_352 = vector.broadcast %jit3A_351 : i32 to vector<16xi32>
    %select_n3A_353 = arith.select %gt3A_349, %broadcast_in_dim3A_352, %select_n3A_346 : vector<16xi1>, vector<16xi32>
    %get3A_354 = arith.constant 32 : index
    %get3A_355 = tpu.vector_load %arg6[%get3A_354] {strides = array<i32>} : memref<256xf32, #tpu.memory_space<vmem>>, vector<16xf32>,
    %gt3A_356 = arith.cmpf ogt, %get3A_355, %select_n3A_350 : vector<16xf32>
    %select_n3A_357 = arith.select %gt3A_356, %get3A_355, %select_n3A_350 : vector<16xi1>, vector<16xf32>
    %jit3A_358 = arith.constant 16 : i32
    %broadcast_in_dim3A_359 = vector.broadcast %jit3A_358 : i32 to vector<16xi32>
    %select_n3A_360 = arith.select %gt3A_356, %broadcast_in_dim3A_359, %select_n3A_353 : vector<16xi1>, vector<16xi32>
    %get3A_361 = arith.constant 33 : index
    %get3A_362 = tpu.vector_load %arg6[%get3A_361] {strides = array<i32>} : memref<256xf32, #tpu.memory_space<vmem>>, vector<16xf32>,
    %gt3A_363 = arith.cmpf ogt, %get3A_362, %select_n3A_357 : vector<16xf32>
    %select_n3A_364 = arith.select %gt3A_363, %get3A_362, %select_n3A_357 : vector<16xi1>, vector<16xf32>
    %jit3A_365 = arith.constant 17 : i32
    %broadcast_in_dim3A_366 = vector.broadcast %jit3A_365 : i32 to vector<16xi32>
    %select_n3A_367 = arith.select %gt3A_363, %broadcast_in_dim3A_366, %select_n3A_360 : vector<16xi1>, vector<16xi32>
    %get3A_368 = arith.constant 34 : index
    %get3A_369 = tpu.vector_load %arg6[%get3A_368] {strides = array<i32>} : memref<256xf32, #tpu.memory_space<vmem>>, vector<16xf32>,
    %gt3A_370 = arith.cmpf ogt, %get3A_369, %select_n3A_364 : vector<16xf32>
    %select_n3A_371 = arith.select %gt3A_370, %get3A_369, %select_n3A_364 : vector<16xi1>, vector<16xf32>
    %jit3A_372 = arith.constant 18 : i32
    %broadcast_in_dim3A_373 = vector.broadcast %jit3A_372 : i32 to vector<16xi32>
    %select_n3A_374 = arith.select %gt3A_370, %broadcast_in_dim3A_373, %select_n3A_367 : vector<16xi1>, vector<16xi32>
    %get3A_375 = arith.constant 35 : index
    %get3A_376 = tpu.vector_load %arg6[%get3A_375] {strides = array<i32>} : memref<256xf32, #tpu.memory_space<vmem>>, vector<16xf32>,
    %gt3A_377 = arith.cmpf ogt, %get3A_376, %select_n3A_371 : vector<16xf32>
    %select_n3A_378 = arith.select %gt3A_377, %get3A_376, %select_n3A_371 : vector<16xi1>, vector<16xf32>
    %jit3A_379 = arith.constant 19 : i32
    %broadcast_in_dim3A_380 = vector.broadcast %jit3A_379 : i32 to vector<16xi32>
    %select_n3A_381 = arith.select %gt3A_377, %broadcast_in_dim3A_380, %select_n3A_374 : vector<16xi1>, vector<16xi32>
    %get3A_382 = arith.constant 36 : index
    %get3A_383 = tpu.vector_load %arg6[%get3A_382] {strides = array<i32>} : memref<256xf32, #tpu.memory_space<vmem>>, vector<16xf32>,
    %gt3A_384 = arith.cmpf ogt, %get3A_383, %select_n3A_378 : vector<16xf32>
    %select_n3A_385 = arith.select %gt3A_384, %get3A_383, %select_n3A_378 : vector<16xi1>, vector<16xf32>
    %jit3A_386 = arith.constant 20 : i32
    %broadcast_in_dim3A_387 = vector.broadcast %jit3A_386 : i32 to vector<16xi32>
    %select_n3A_388 = arith.select %gt3A_384, %broadcast_in_dim3A_387, %select_n3A_381 : vector<16xi1>, vector<16xi32>
    %get3A_389 = arith.constant 37 : index
    %get3A_390 = tpu.vector_load %arg6[%get3A_389] {strides = array<i32>} : memref<256xf32, #tpu.memory_space<vmem>>, vector<16xf32>,
    %gt3A_391 = arith.cmpf ogt, %get3A_390, %select_n3A_385 : vector<16xf32>
    %select_n3A_392 = arith.select %gt3A_391, %get3A_390, %select_n3A_385 : vector<16xi1>, vector<16xf32>
    %jit3A_393 = arith.constant 21 : i32
    %broadcast_in_dim3A_394 = vector.broadcast %jit3A_393 : i32 to vector<16xi32>
    %select_n3A_395 = arith.select %gt3A_391, %broadcast_in_dim3A_394, %select_n3A_388 : vector<16xi1>, vector<16xi32>
    %get3A_396 = arith.constant 38 : index
    %get3A_397 = tpu.vector_load %arg6[%get3A_396] {strides = array<i32>} : memref<256xf32, #tpu.memory_space<vmem>>, vector<16xf32>,
    %gt3A_398 = arith.cmpf ogt, %get3A_397, %select_n3A_392 : vector<16xf32>
    %select_n3A_399 = arith.select %gt3A_398, %get3A_397, %select_n3A_392 : vector<16xi1>, vector<16xf32>
    %jit3A_400 = arith.constant 22 : i32
    %broadcast_in_dim3A_401 = vector.broadcast %jit3A_400 : i32 to vector<16xi32>
    %select_n3A_402 = arith.select %gt3A_398, %broadcast_in_dim3A_401, %select_n3A_395 : vector<16xi1>, vector<16xi32>
    %get3A_403 = arith.constant 39 : index
    %get3A_404 = tpu.vector_load %arg6[%get3A_403] {strides = array<i32>} : memref<256xf32, #tpu.memory_space<vmem>>, vector<16xf32>,
    %gt3A_405 = arith.cmpf ogt, %get3A_404, %select_n3A_399 : vector<16xf32>
    %select_n3A_406 = arith.select %gt3A_405, %get3A_404, %select_n3A_399 : vector<16xi1>, vector<16xf32>
    %jit3A_407 = arith.constant 23 : i32
    %broadcast_in_dim3A_408 = vector.broadcast %jit3A_407 : i32 to vector<16xi32>
    %select_n3A_409 = arith.select %gt3A_405, %broadcast_in_dim3A_408, %select_n3A_402 : vector<16xi1>, vector<16xi32>
    %get3A_410 = arith.constant 40 : index
    %get3A_411 = tpu.vector_load %arg6[%get3A_410] {strides = array<i32>} : memref<256xf32, #tpu.memory_space<vmem>>, vector<16xf32>,
    %gt3A_412 = arith.cmpf ogt, %get3A_411, %select_n3A_406 : vector<16xf32>
    %select_n3A_413 = arith.select %gt3A_412, %get3A_411, %select_n3A_406 : vector<16xi1>, vector<16xf32>
    %jit3A_414 = arith.constant 24 : i32
    %broadcast_in_dim3A_415 = vector.broadcast %jit3A_414 : i32 to vector<16xi32>
    %select_n3A_416 = arith.select %gt3A_412, %broadcast_in_dim3A_415, %select_n3A_409 : vector<16xi1>, vector<16xi32>
    %get3A_417 = arith.constant 41 : index
    %get3A_418 = tpu.vector_load %arg6[%get3A_417] {strides = array<i32>} : memref<256xf32, #tpu.memory_space<vmem>>, vector<16xf32>,
    %gt3A_419 = arith.cmpf ogt, %get3A_418, %select_n3A_413 : vector<16xf32>
    %select_n3A_420 = arith.select %gt3A_419, %get3A_418, %select_n3A_413 : vector<16xi1>, vector<16xf32>
    %jit3A_421 = arith.constant 25 : i32
    %broadcast_in_dim3A_422 = vector.broadcast %jit3A_421 : i32 to vector<16xi32>
    %select_n3A_423 = arith.select %gt3A_419, %broadcast_in_dim3A_422, %select_n3A_416 : vector<16xi1>, vector<16xi32>
    %get3A_424 = arith.constant 42 : index
    %get3A_425 = tpu.vector_load %arg6[%get3A_424] {strides = array<i32>} : memref<256xf32, #tpu.memory_space<vmem>>, vector<16xf32>,
    %gt3A_426 = arith.cmpf ogt, %get3A_425, %select_n3A_420 : vector<16xf32>
    %select_n3A_427 = arith.select %gt3A_426, %get3A_425, %select_n3A_420 : vector<16xi1>, vector<16xf32>
    %jit3A_428 = arith.constant 26 : i32
    %broadcast_in_dim3A_429 = vector.broadcast %jit3A_428 : i32 to vector<16xi32>
    %select_n3A_430 = arith.select %gt3A_426, %broadcast_in_dim3A_429, %select_n3A_423 : vector<16xi1>, vector<16xi32>
    %get3A_431 = arith.constant 43 : index
    %get3A_432 = tpu.vector_load %arg6[%get3A_431] {strides = array<i32>} : memref<256xf32, #tpu.memory_space<vmem>>, vector<16xf32>,
    %gt3A_433 = arith.cmpf ogt, %get3A_432, %select_n3A_427 : vector<16xf32>
    %select_n3A_434 = arith.select %gt3A_433, %get3A_432, %select_n3A_427 : vector<16xi1>, vector<16xf32>
    %jit3A_435 = arith.constant 27 : i32
    %broadcast_in_dim3A_436 = vector.broadcast %jit3A_435 : i32 to vector<16xi32>
    %select_n3A_437 = arith.select %gt3A_433, %broadcast_in_dim3A_436, %select_n3A_430 : vector<16xi1>, vector<16xi32>
    %get3A_438 = arith.constant 44 : index
    %get3A_439 = tpu.vector_load %arg6[%get3A_438] {strides = array<i32>} : memref<256xf32, #tpu.memory_space<vmem>>, vector<16xf32>,
    %gt3A_440 = arith.cmpf ogt, %get3A_439, %select_n3A_434 : vector<16xf32>
    %select_n3A_441 = arith.select %gt3A_440, %get3A_439, %select_n3A_434 : vector<16xi1>, vector<16xf32>
    %jit3A_442 = arith.constant 28 : i32
    %broadcast_in_dim3A_443 = vector.broadcast %jit3A_442 : i32 to vector<16xi32>
    %select_n3A_444 = arith.select %gt3A_440, %broadcast_in_dim3A_443, %select_n3A_437 : vector<16xi1>, vector<16xi32>
    %get3A_445 = arith.constant 45 : index
    %get3A_446 = tpu.vector_load %arg6[%get3A_445] {strides = array<i32>} : memref<256xf32, #tpu.memory_space<vmem>>, vector<16xf32>,
    %gt3A_447 = arith.cmpf ogt, %get3A_446, %select_n3A_441 : vector<16xf32>
    %select_n3A_448 = arith.select %gt3A_447, %get3A_446, %select_n3A_441 : vector<16xi1>, vector<16xf32>
    %jit3A_449 = arith.constant 29 : i32
    %broadcast_in_dim3A_450 = vector.broadcast %jit3A_449 : i32 to vector<16xi32>
    %select_n3A_451 = arith.select %gt3A_447, %broadcast_in_dim3A_450, %select_n3A_444 : vector<16xi1>, vector<16xi32>
    %add3A_452 = arith.addf %get3A_244, %select_n3A_448 : vector<16xf32>
    %add3A_453 = arith.constant 16 : i32
    %add3A_454 = arith.addi %mul3A_0, %add3A_453 : i32
    %add3A_455 = vector.broadcast %add3A_454 : i32 to vector<16xi32>
    %add3A_456 = arith.addi %iota3A, %add3A_455 : vector<16xi32>
    %mul3A_457 = arith.constant 2048 : i32
    %mul3A_458 = vector.broadcast %mul3A_457 : i32 to vector<16xi32>
    %mul3A_459 = arith.muli %add3A_456, %mul3A_458 : vector<16xi32>
    %add3A_460 = arith.addi %add3A_456, %select_n3A_451 : vector<16xi32>
    %add3A_461 = arith.addi %mul3A_459, %add3A_460 : vector<16xi32>
    %gt3A_462 = arith.cmpf ogt, %add3A_452, %select_n3A_238 : vector<16xf32>
    %select_n3A_463 = arith.select %gt3A_462, %add3A_452, %select_n3A_238 : vector<16xi1>, vector<16xf32>
    %select_n3A_464 = arith.select %gt3A_462, %add3A_461, %select_n3A_242 : vector<16xi1>, vector<16xi32>
    %get3A_465 = arith.constant 32 : index
    %get3A_466 = tpu.vector_load %arg5[%get3A_465] {strides = array<i32>} : memref<128xf32, #tpu.memory_space<vmem>>, vector<16xf32>,
    %get3A_467 = arith.constant 32 : index
    %get3A_468 = tpu.vector_load %arg6[%get3A_467] {strides = array<i32>} : memref<256xf32, #tpu.memory_space<vmem>>, vector<16xf32>,
    %broadcast_in_dim3A_469 = arith.constant 0 : i32
    %broadcast_in_dim3A_470 = vector.broadcast %broadcast_in_dim3A_469 : i32 to vector<16xi32>
    %get3A_471 = arith.constant 33 : index
    %get3A_472 = tpu.vector_load %arg6[%get3A_471] {strides = array<i32>} : memref<256xf32, #tpu.memory_space<vmem>>, vector<16xf32>,
    %gt3A_473 = arith.cmpf ogt, %get3A_472, %get3A_468 : vector<16xf32>
    %select_n3A_474 = arith.select %gt3A_473, %get3A_472, %get3A_468 : vector<16xi1>, vector<16xf32>
    %jit3A_475 = arith.constant 1 : i32
    %broadcast_in_dim3A_476 = vector.broadcast %jit3A_475 : i32 to vector<16xi32>
    %select_n3A_477 = arith.select %gt3A_473, %broadcast_in_dim3A_476, %broadcast_in_dim3A_470 : vector<16xi1>, vector<16xi32>
    %get3A_478 = arith.constant 34 : index
    %get3A_479 = tpu.vector_load %arg6[%get3A_478] {strides = array<i32>} : memref<256xf32, #tpu.memory_space<vmem>>, vector<16xf32>,
    %gt3A_480 = arith.cmpf ogt, %get3A_479, %select_n3A_474 : vector<16xf32>
    %select_n3A_481 = arith.select %gt3A_480, %get3A_479, %select_n3A_474 : vector<16xi1>, vector<16xf32>
    %jit3A_482 = arith.constant 2 : i32
    %broadcast_in_dim3A_483 = vector.broadcast %jit3A_482 : i32 to vector<16xi32>
    %select_n3A_484 = arith.select %gt3A_480, %broadcast_in_dim3A_483, %select_n3A_477 : vector<16xi1>, vector<16xi32>
    %get3A_485 = arith.constant 35 : index
    %get3A_486 = tpu.vector_load %arg6[%get3A_485] {strides = array<i32>} : memref<256xf32, #tpu.memory_space<vmem>>, vector<16xf32>,
    %gt3A_487 = arith.cmpf ogt, %get3A_486, %select_n3A_481 : vector<16xf32>
    %select_n3A_488 = arith.select %gt3A_487, %get3A_486, %select_n3A_481 : vector<16xi1>, vector<16xf32>
    %jit3A_489 = arith.constant 3 : i32
    %broadcast_in_dim3A_490 = vector.broadcast %jit3A_489 : i32 to vector<16xi32>
    %select_n3A_491 = arith.select %gt3A_487, %broadcast_in_dim3A_490, %select_n3A_484 : vector<16xi1>, vector<16xi32>
    %get3A_492 = arith.constant 36 : index
    %get3A_493 = tpu.vector_load %arg6[%get3A_492] {strides = array<i32>} : memref<256xf32, #tpu.memory_space<vmem>>, vector<16xf32>,
    %gt3A_494 = arith.cmpf ogt, %get3A_493, %select_n3A_488 : vector<16xf32>
    %select_n3A_495 = arith.select %gt3A_494, %get3A_493, %select_n3A_488 : vector<16xi1>, vector<16xf32>
    %jit3A_496 = arith.constant 4 : i32
    %broadcast_in_dim3A_497 = vector.broadcast %jit3A_496 : i32 to vector<16xi32>
    %select_n3A_498 = arith.select %gt3A_494, %broadcast_in_dim3A_497, %select_n3A_491 : vector<16xi1>, vector<16xi32>
    %get3A_499 = arith.constant 37 : index
    %get3A_500 = tpu.vector_load %arg6[%get3A_499] {strides = array<i32>} : memref<256xf32, #tpu.memory_space<vmem>>, vector<16xf32>,
    %gt3A_501 = arith.cmpf ogt, %get3A_500, %select_n3A_495 : vector<16xf32>
    %select_n3A_502 = arith.select %gt3A_501, %get3A_500, %select_n3A_495 : vector<16xi1>, vector<16xf32>
    %jit3A_503 = arith.constant 5 : i32
    %broadcast_in_dim3A_504 = vector.broadcast %jit3A_503 : i32 to vector<16xi32>
    %select_n3A_505 = arith.select %gt3A_501, %broadcast_in_dim3A_504, %select_n3A_498 : vector<16xi1>, vector<16xi32>
    %get3A_506 = arith.constant 38 : index
    %get3A_507 = tpu.vector_load %arg6[%get3A_506] {strides = array<i32>} : memref<256xf32, #tpu.memory_space<vmem>>, vector<16xf32>,
    %gt3A_508 = arith.cmpf ogt, %get3A_507, %select_n3A_502 : vector<16xf32>
    %select_n3A_509 = arith.select %gt3A_508, %get3A_507, %select_n3A_502 : vector<16xi1>, vector<16xf32>
    %jit3A_510 = arith.constant 6 : i32
    %broadcast_in_dim3A_511 = vector.broadcast %jit3A_510 : i32 to vector<16xi32>
    %select_n3A_512 = arith.select %gt3A_508, %broadcast_in_dim3A_511, %select_n3A_505 : vector<16xi1>, vector<16xi32>
    %get3A_513 = arith.constant 39 : index
    %get3A_514 = tpu.vector_load %arg6[%get3A_513] {strides = array<i32>} : memref<256xf32, #tpu.memory_space<vmem>>, vector<16xf32>,
    %gt3A_515 = arith.cmpf ogt, %get3A_514, %select_n3A_509 : vector<16xf32>
    %select_n3A_516 = arith.select %gt3A_515, %get3A_514, %select_n3A_509 : vector<16xi1>, vector<16xf32>
    %jit3A_517 = arith.constant 7 : i32
    %broadcast_in_dim3A_518 = vector.broadcast %jit3A_517 : i32 to vector<16xi32>
    %select_n3A_519 = arith.select %gt3A_515, %broadcast_in_dim3A_518, %select_n3A_512 : vector<16xi1>, vector<16xi32>
    %get3A_520 = arith.constant 40 : index
    %get3A_521 = tpu.vector_load %arg6[%get3A_520] {strides = array<i32>} : memref<256xf32, #tpu.memory_space<vmem>>, vector<16xf32>,
    %gt3A_522 = arith.cmpf ogt, %get3A_521, %select_n3A_516 : vector<16xf32>
    %select_n3A_523 = arith.select %gt3A_522, %get3A_521, %select_n3A_516 : vector<16xi1>, vector<16xf32>
    %jit3A_524 = arith.constant 8 : i32
    %broadcast_in_dim3A_525 = vector.broadcast %jit3A_524 : i32 to vector<16xi32>
    %select_n3A_526 = arith.select %gt3A_522, %broadcast_in_dim3A_525, %select_n3A_519 : vector<16xi1>, vector<16xi32>
    %get3A_527 = arith.constant 41 : index
    %get3A_528 = tpu.vector_load %arg6[%get3A_527] {strides = array<i32>} : memref<256xf32, #tpu.memory_space<vmem>>, vector<16xf32>,
    %gt3A_529 = arith.cmpf ogt, %get3A_528, %select_n3A_523 : vector<16xf32>
    %select_n3A_530 = arith.select %gt3A_529, %get3A_528, %select_n3A_523 : vector<16xi1>, vector<16xf32>
    %jit3A_531 = arith.constant 9 : i32
    %broadcast_in_dim3A_532 = vector.broadcast %jit3A_531 : i32 to vector<16xi32>
    %select_n3A_533 = arith.select %gt3A_529, %broadcast_in_dim3A_532, %select_n3A_526 : vector<16xi1>, vector<16xi32>
    %get3A_534 = arith.constant 42 : index
    %get3A_535 = tpu.vector_load %arg6[%get3A_534] {strides = array<i32>} : memref<256xf32, #tpu.memory_space<vmem>>, vector<16xf32>,
    %gt3A_536 = arith.cmpf ogt, %get3A_535, %select_n3A_530 : vector<16xf32>
    %select_n3A_537 = arith.select %gt3A_536, %get3A_535, %select_n3A_530 : vector<16xi1>, vector<16xf32>
    %jit3A_538 = arith.constant 10 : i32
    %broadcast_in_dim3A_539 = vector.broadcast %jit3A_538 : i32 to vector<16xi32>
    %select_n3A_540 = arith.select %gt3A_536, %broadcast_in_dim3A_539, %select_n3A_533 : vector<16xi1>, vector<16xi32>
    %get3A_541 = arith.constant 43 : index
    %get3A_542 = tpu.vector_load %arg6[%get3A_541] {strides = array<i32>} : memref<256xf32, #tpu.memory_space<vmem>>, vector<16xf32>,
    %gt3A_543 = arith.cmpf ogt, %get3A_542, %select_n3A_537 : vector<16xf32>
    %select_n3A_544 = arith.select %gt3A_543, %get3A_542, %select_n3A_537 : vector<16xi1>, vector<16xf32>
    %jit3A_545 = arith.constant 11 : i32
    %broadcast_in_dim3A_546 = vector.broadcast %jit3A_545 : i32 to vector<16xi32>
    %select_n3A_547 = arith.select %gt3A_543, %broadcast_in_dim3A_546, %select_n3A_540 : vector<16xi1>, vector<16xi32>
    %get3A_548 = arith.constant 44 : index
    %get3A_549 = tpu.vector_load %arg6[%get3A_548] {strides = array<i32>} : memref<256xf32, #tpu.memory_space<vmem>>, vector<16xf32>,
    %gt3A_550 = arith.cmpf ogt, %get3A_549, %select_n3A_544 : vector<16xf32>
    %select_n3A_551 = arith.select %gt3A_550, %get3A_549, %select_n3A_544 : vector<16xi1>, vector<16xf32>
    %jit3A_552 = arith.constant 12 : i32
    %broadcast_in_dim3A_553 = vector.broadcast %jit3A_552 : i32 to vector<16xi32>
    %select_n3A_554 = arith.select %gt3A_550, %broadcast_in_dim3A_553, %select_n3A_547 : vector<16xi1>, vector<16xi32>
    %get3A_555 = arith.constant 45 : index
    %get3A_556 = tpu.vector_load %arg6[%get3A_555] {strides = array<i32>} : memref<256xf32, #tpu.memory_space<vmem>>, vector<16xf32>,
    %gt3A_557 = arith.cmpf ogt, %get3A_556, %select_n3A_551 : vector<16xf32>
    %select_n3A_558 = arith.select %gt3A_557, %get3A_556, %select_n3A_551 : vector<16xi1>, vector<16xf32>
    %jit3A_559 = arith.constant 13 : i32
    %broadcast_in_dim3A_560 = vector.broadcast %jit3A_559 : i32 to vector<16xi32>
    %select_n3A_561 = arith.select %gt3A_557, %broadcast_in_dim3A_560, %select_n3A_554 : vector<16xi1>, vector<16xi32>
    %get3A_562 = arith.constant 46 : index
    %get3A_563 = tpu.vector_load %arg6[%get3A_562] {strides = array<i32>} : memref<256xf32, #tpu.memory_space<vmem>>, vector<16xf32>,
    %gt3A_564 = arith.cmpf ogt, %get3A_563, %select_n3A_558 : vector<16xf32>
    %select_n3A_565 = arith.select %gt3A_564, %get3A_563, %select_n3A_558 : vector<16xi1>, vector<16xf32>
    %jit3A_566 = arith.constant 14 : i32
    %broadcast_in_dim3A_567 = vector.broadcast %jit3A_566 : i32 to vector<16xi32>
    %select_n3A_568 = arith.select %gt3A_564, %broadcast_in_dim3A_567, %select_n3A_561 : vector<16xi1>, vector<16xi32>
    %get3A_569 = arith.constant 47 : index
    %get3A_570 = tpu.vector_load %arg6[%get3A_569] {strides = array<i32>} : memref<256xf32, #tpu.memory_space<vmem>>, vector<16xf32>,
    %gt3A_571 = arith.cmpf ogt, %get3A_570, %select_n3A_565 : vector<16xf32>
    %select_n3A_572 = arith.select %gt3A_571, %get3A_570, %select_n3A_565 : vector<16xi1>, vector<16xf32>
    %jit3A_573 = arith.constant 15 : i32
    %broadcast_in_dim3A_574 = vector.broadcast %jit3A_573 : i32 to vector<16xi32>
    %select_n3A_575 = arith.select %gt3A_571, %broadcast_in_dim3A_574, %select_n3A_568 : vector<16xi1>, vector<16xi32>
    %get3A_576 = arith.constant 48 : index
    %get3A_577 = tpu.vector_load %arg6[%get3A_576] {strides = array<i32>} : memref<256xf32, #tpu.memory_space<vmem>>, vector<16xf32>,
    %gt3A_578 = arith.cmpf ogt, %get3A_577, %select_n3A_572 : vector<16xf32>
    %select_n3A_579 = arith.select %gt3A_578, %get3A_577, %select_n3A_572 : vector<16xi1>, vector<16xf32>
    %jit3A_580 = arith.constant 16 : i32
    %broadcast_in_dim3A_581 = vector.broadcast %jit3A_580 : i32 to vector<16xi32>
    %select_n3A_582 = arith.select %gt3A_578, %broadcast_in_dim3A_581, %select_n3A_575 : vector<16xi1>, vector<16xi32>
    %get3A_583 = arith.constant 49 : index
    %get3A_584 = tpu.vector_load %arg6[%get3A_583] {strides = array<i32>} : memref<256xf32, #tpu.memory_space<vmem>>, vector<16xf32>,
    %gt3A_585 = arith.cmpf ogt, %get3A_584, %select_n3A_579 : vector<16xf32>
    %select_n3A_586 = arith.select %gt3A_585, %get3A_584, %select_n3A_579 : vector<16xi1>, vector<16xf32>
    %jit3A_587 = arith.constant 17 : i32
    %broadcast_in_dim3A_588 = vector.broadcast %jit3A_587 : i32 to vector<16xi32>
    %select_n3A_589 = arith.select %gt3A_585, %broadcast_in_dim3A_588, %select_n3A_582 : vector<16xi1>, vector<16xi32>
    %get3A_590 = arith.constant 50 : index
    %get3A_591 = tpu.vector_load %arg6[%get3A_590] {strides = array<i32>} : memref<256xf32, #tpu.memory_space<vmem>>, vector<16xf32>,
    %gt3A_592 = arith.cmpf ogt, %get3A_591, %select_n3A_586 : vector<16xf32>
    %select_n3A_593 = arith.select %gt3A_592, %get3A_591, %select_n3A_586 : vector<16xi1>, vector<16xf32>
    %jit3A_594 = arith.constant 18 : i32
    %broadcast_in_dim3A_595 = vector.broadcast %jit3A_594 : i32 to vector<16xi32>
    %select_n3A_596 = arith.select %gt3A_592, %broadcast_in_dim3A_595, %select_n3A_589 : vector<16xi1>, vector<16xi32>
    %get3A_597 = arith.constant 51 : index
    %get3A_598 = tpu.vector_load %arg6[%get3A_597] {strides = array<i32>} : memref<256xf32, #tpu.memory_space<vmem>>, vector<16xf32>,
    %gt3A_599 = arith.cmpf ogt, %get3A_598, %select_n3A_593 : vector<16xf32>
    %select_n3A_600 = arith.select %gt3A_599, %get3A_598, %select_n3A_593 : vector<16xi1>, vector<16xf32>
    %jit3A_601 = arith.constant 19 : i32
    %broadcast_in_dim3A_602 = vector.broadcast %jit3A_601 : i32 to vector<16xi32>
    %select_n3A_603 = arith.select %gt3A_599, %broadcast_in_dim3A_602, %select_n3A_596 : vector<16xi1>, vector<16xi32>
    %get3A_604 = arith.constant 52 : index
    %get3A_605 = tpu.vector_load %arg6[%get3A_604] {strides = array<i32>} : memref<256xf32, #tpu.memory_space<vmem>>, vector<16xf32>,
    %gt3A_606 = arith.cmpf ogt, %get3A_605, %select_n3A_600 : vector<16xf32>
    %select_n3A_607 = arith.select %gt3A_606, %get3A_605, %select_n3A_600 : vector<16xi1>, vector<16xf32>
    %jit3A_608 = arith.constant 20 : i32
    %broadcast_in_dim3A_609 = vector.broadcast %jit3A_608 : i32 to vector<16xi32>
    %select_n3A_610 = arith.select %gt3A_606, %broadcast_in_dim3A_609, %select_n3A_603 : vector<16xi1>, vector<16xi32>
    %get3A_611 = arith.constant 53 : index
    %get3A_612 = tpu.vector_load %arg6[%get3A_611] {strides = array<i32>} : memref<256xf32, #tpu.memory_space<vmem>>, vector<16xf32>,
    %gt3A_613 = arith.cmpf ogt, %get3A_612, %select_n3A_607 : vector<16xf32>
    %select_n3A_614 = arith.select %gt3A_613, %get3A_612, %select_n3A_607 : vector<16xi1>, vector<16xf32>
    %jit3A_615 = arith.constant 21 : i32
    %broadcast_in_dim3A_616 = vector.broadcast %jit3A_615 : i32 to vector<16xi32>
    %select_n3A_617 = arith.select %gt3A_613, %broadcast_in_dim3A_616, %select_n3A_610 : vector<16xi1>, vector<16xi32>
    %get3A_618 = arith.constant 54 : index
    %get3A_619 = tpu.vector_load %arg6[%get3A_618] {strides = array<i32>} : memref<256xf32, #tpu.memory_space<vmem>>, vector<16xf32>,
    %gt3A_620 = arith.cmpf ogt, %get3A_619, %select_n3A_614 : vector<16xf32>
    %select_n3A_621 = arith.select %gt3A_620, %get3A_619, %select_n3A_614 : vector<16xi1>, vector<16xf32>
    %jit3A_622 = arith.constant 22 : i32
    %broadcast_in_dim3A_623 = vector.broadcast %jit3A_622 : i32 to vector<16xi32>
    %select_n3A_624 = arith.select %gt3A_620, %broadcast_in_dim3A_623, %select_n3A_617 : vector<16xi1>, vector<16xi32>
    %get3A_625 = arith.constant 55 : index
    %get3A_626 = tpu.vector_load %arg6[%get3A_625] {strides = array<i32>} : memref<256xf32, #tpu.memory_space<vmem>>, vector<16xf32>,
    %gt3A_627 = arith.cmpf ogt, %get3A_626, %select_n3A_621 : vector<16xf32>
    %select_n3A_628 = arith.select %gt3A_627, %get3A_626, %select_n3A_621 : vector<16xi1>, vector<16xf32>
    %jit3A_629 = arith.constant 23 : i32
    %broadcast_in_dim3A_630 = vector.broadcast %jit3A_629 : i32 to vector<16xi32>
    %select_n3A_631 = arith.select %gt3A_627, %broadcast_in_dim3A_630, %select_n3A_624 : vector<16xi1>, vector<16xi32>
    %get3A_632 = arith.constant 56 : index
    %get3A_633 = tpu.vector_load %arg6[%get3A_632] {strides = array<i32>} : memref<256xf32, #tpu.memory_space<vmem>>, vector<16xf32>,
    %gt3A_634 = arith.cmpf ogt, %get3A_633, %select_n3A_628 : vector<16xf32>
    %select_n3A_635 = arith.select %gt3A_634, %get3A_633, %select_n3A_628 : vector<16xi1>, vector<16xf32>
    %jit3A_636 = arith.constant 24 : i32
    %broadcast_in_dim3A_637 = vector.broadcast %jit3A_636 : i32 to vector<16xi32>
    %select_n3A_638 = arith.select %gt3A_634, %broadcast_in_dim3A_637, %select_n3A_631 : vector<16xi1>, vector<16xi32>
    %get3A_639 = arith.constant 57 : index
    %get3A_640 = tpu.vector_load %arg6[%get3A_639] {strides = array<i32>} : memref<256xf32, #tpu.memory_space<vmem>>, vector<16xf32>,
    %gt3A_641 = arith.cmpf ogt, %get3A_640, %select_n3A_635 : vector<16xf32>
    %select_n3A_642 = arith.select %gt3A_641, %get3A_640, %select_n3A_635 : vector<16xi1>, vector<16xf32>
    %jit3A_643 = arith.constant 25 : i32
    %broadcast_in_dim3A_644 = vector.broadcast %jit3A_643 : i32 to vector<16xi32>
    %select_n3A_645 = arith.select %gt3A_641, %broadcast_in_dim3A_644, %select_n3A_638 : vector<16xi1>, vector<16xi32>
    %get3A_646 = arith.constant 58 : index
    %get3A_647 = tpu.vector_load %arg6[%get3A_646] {strides = array<i32>} : memref<256xf32, #tpu.memory_space<vmem>>, vector<16xf32>,
    %gt3A_648 = arith.cmpf ogt, %get3A_647, %select_n3A_642 : vector<16xf32>
    %select_n3A_649 = arith.select %gt3A_648, %get3A_647, %select_n3A_642 : vector<16xi1>, vector<16xf32>
    %jit3A_650 = arith.constant 26 : i32
    %broadcast_in_dim3A_651 = vector.broadcast %jit3A_650 : i32 to vector<16xi32>
    %select_n3A_652 = arith.select %gt3A_648, %broadcast_in_dim3A_651, %select_n3A_645 : vector<16xi1>, vector<16xi32>
    %get3A_653 = arith.constant 59 : index
    %get3A_654 = tpu.vector_load %arg6[%get3A_653] {strides = array<i32>} : memref<256xf32, #tpu.memory_space<vmem>>, vector<16xf32>,
    %gt3A_655 = arith.cmpf ogt, %get3A_654, %select_n3A_649 : vector<16xf32>
    %select_n3A_656 = arith.select %gt3A_655, %get3A_654, %select_n3A_649 : vector<16xi1>, vector<16xf32>
    %jit3A_657 = arith.constant 27 : i32
    %broadcast_in_dim3A_658 = vector.broadcast %jit3A_657 : i32 to vector<16xi32>
    %select_n3A_659 = arith.select %gt3A_655, %broadcast_in_dim3A_658, %select_n3A_652 : vector<16xi1>, vector<16xi32>
    %get3A_660 = arith.constant 60 : index
    %get3A_661 = tpu.vector_load %arg6[%get3A_660] {strides = array<i32>} : memref<256xf32, #tpu.memory_space<vmem>>, vector<16xf32>,
    %gt3A_662 = arith.cmpf ogt, %get3A_661, %select_n3A_656 : vector<16xf32>
    %select_n3A_663 = arith.select %gt3A_662, %get3A_661, %select_n3A_656 : vector<16xi1>, vector<16xf32>
    %jit3A_664 = arith.constant 28 : i32
    %broadcast_in_dim3A_665 = vector.broadcast %jit3A_664 : i32 to vector<16xi32>
    %select_n3A_666 = arith.select %gt3A_662, %broadcast_in_dim3A_665, %select_n3A_659 : vector<16xi1>, vector<16xi32>
    %get3A_667 = arith.constant 61 : index
    %get3A_668 = tpu.vector_load %arg6[%get3A_667] {strides = array<i32>} : memref<256xf32, #tpu.memory_space<vmem>>, vector<16xf32>,
    %gt3A_669 = arith.cmpf ogt, %get3A_668, %select_n3A_663 : vector<16xf32>
    %select_n3A_670 = arith.select %gt3A_669, %get3A_668, %select_n3A_663 : vector<16xi1>, vector<16xf32>
    %jit3A_671 = arith.constant 29 : i32
    %broadcast_in_dim3A_672 = vector.broadcast %jit3A_671 : i32 to vector<16xi32>
    %select_n3A_673 = arith.select %gt3A_669, %broadcast_in_dim3A_672, %select_n3A_666 : vector<16xi1>, vector<16xi32>
    %add3A_674 = arith.addf %get3A_466, %select_n3A_670 : vector<16xf32>
    %add3A_675 = arith.constant 32 : i32
    %add3A_676 = arith.addi %mul3A_0, %add3A_675 : i32
    %add3A_677 = vector.broadcast %add3A_676 : i32 to vector<16xi32>
    %add3A_678 = arith.addi %iota3A, %add3A_677 : vector<16xi32>
    %mul3A_679 = arith.constant 2048 : i32
    %mul3A_680 = vector.broadcast %mul3A_679 : i32 to vector<16xi32>
    %mul3A_681 = arith.muli %add3A_678, %mul3A_680 : vector<16xi32>
    %add3A_682 = arith.addi %add3A_678, %select_n3A_673 : vector<16xi32>
    %add3A_683 = arith.addi %mul3A_681, %add3A_682 : vector<16xi32>
    %gt3A_684 = arith.cmpf ogt, %add3A_674, %select_n3A_463 : vector<16xf32>
    %select_n3A_685 = arith.select %gt3A_684, %add3A_674, %select_n3A_463 : vector<16xi1>, vector<16xf32>
    %select_n3A_686 = arith.select %gt3A_684, %add3A_683, %select_n3A_464 : vector<16xi1>, vector<16xi32>
    %get3A_687 = arith.constant 48 : index
    %get3A_688 = tpu.vector_load %arg5[%get3A_687] {strides = array<i32>} : memref<128xf32, #tpu.memory_space<vmem>>, vector<16xf32>,
    %get3A_689 = arith.constant 48 : index
    %get3A_690 = tpu.vector_load %arg6[%get3A_689] {strides = array<i32>} : memref<256xf32, #tpu.memory_space<vmem>>, vector<16xf32>,
    %broadcast_in_dim3A_691 = arith.constant 0 : i32
    %broadcast_in_dim3A_692 = vector.broadcast %broadcast_in_dim3A_691 : i32 to vector<16xi32>
    %get3A_693 = arith.constant 49 : index
    %get3A_694 = tpu.vector_load %arg6[%get3A_693] {strides = array<i32>} : memref<256xf32, #tpu.memory_space<vmem>>, vector<16xf32>,
    %gt3A_695 = arith.cmpf ogt, %get3A_694, %get3A_690 : vector<16xf32>
    %select_n3A_696 = arith.select %gt3A_695, %get3A_694, %get3A_690 : vector<16xi1>, vector<16xf32>
    %jit3A_697 = arith.constant 1 : i32
    %broadcast_in_dim3A_698 = vector.broadcast %jit3A_697 : i32 to vector<16xi32>
    %select_n3A_699 = arith.select %gt3A_695, %broadcast_in_dim3A_698, %broadcast_in_dim3A_692 : vector<16xi1>, vector<16xi32>
    %get3A_700 = arith.constant 50 : index
    %get3A_701 = tpu.vector_load %arg6[%get3A_700] {strides = array<i32>} : memref<256xf32, #tpu.memory_space<vmem>>, vector<16xf32>,
    %gt3A_702 = arith.cmpf ogt, %get3A_701, %select_n3A_696 : vector<16xf32>
    %select_n3A_703 = arith.select %gt3A_702, %get3A_701, %select_n3A_696 : vector<16xi1>, vector<16xf32>
    %jit3A_704 = arith.constant 2 : i32
    %broadcast_in_dim3A_705 = vector.broadcast %jit3A_704 : i32 to vector<16xi32>
    %select_n3A_706 = arith.select %gt3A_702, %broadcast_in_dim3A_705, %select_n3A_699 : vector<16xi1>, vector<16xi32>
    %get3A_707 = arith.constant 51 : index
    %get3A_708 = tpu.vector_load %arg6[%get3A_707] {strides = array<i32>} : memref<256xf32, #tpu.memory_space<vmem>>, vector<16xf32>,
    %gt3A_709 = arith.cmpf ogt, %get3A_708, %select_n3A_703 : vector<16xf32>
    %select_n3A_710 = arith.select %gt3A_709, %get3A_708, %select_n3A_703 : vector<16xi1>, vector<16xf32>
    %jit3A_711 = arith.constant 3 : i32
    %broadcast_in_dim3A_712 = vector.broadcast %jit3A_711 : i32 to vector<16xi32>
    %select_n3A_713 = arith.select %gt3A_709, %broadcast_in_dim3A_712, %select_n3A_706 : vector<16xi1>, vector<16xi32>
    %get3A_714 = arith.constant 52 : index
    %get3A_715 = tpu.vector_load %arg6[%get3A_714] {strides = array<i32>} : memref<256xf32, #tpu.memory_space<vmem>>, vector<16xf32>,
    %gt3A_716 = arith.cmpf ogt, %get3A_715, %select_n3A_710 : vector<16xf32>
    %select_n3A_717 = arith.select %gt3A_716, %get3A_715, %select_n3A_710 : vector<16xi1>, vector<16xf32>
    %jit3A_718 = arith.constant 4 : i32
    %broadcast_in_dim3A_719 = vector.broadcast %jit3A_718 : i32 to vector<16xi32>
    %select_n3A_720 = arith.select %gt3A_716, %broadcast_in_dim3A_719, %select_n3A_713 : vector<16xi1>, vector<16xi32>
    %get3A_721 = arith.constant 53 : index
    %get3A_722 = tpu.vector_load %arg6[%get3A_721] {strides = array<i32>} : memref<256xf32, #tpu.memory_space<vmem>>, vector<16xf32>,
    %gt3A_723 = arith.cmpf ogt, %get3A_722, %select_n3A_717 : vector<16xf32>
    %select_n3A_724 = arith.select %gt3A_723, %get3A_722, %select_n3A_717 : vector<16xi1>, vector<16xf32>
    %jit3A_725 = arith.constant 5 : i32
    %broadcast_in_dim3A_726 = vector.broadcast %jit3A_725 : i32 to vector<16xi32>
    %select_n3A_727 = arith.select %gt3A_723, %broadcast_in_dim3A_726, %select_n3A_720 : vector<16xi1>, vector<16xi32>
    %get3A_728 = arith.constant 54 : index
    %get3A_729 = tpu.vector_load %arg6[%get3A_728] {strides = array<i32>} : memref<256xf32, #tpu.memory_space<vmem>>, vector<16xf32>,
    %gt3A_730 = arith.cmpf ogt, %get3A_729, %select_n3A_724 : vector<16xf32>
    %select_n3A_731 = arith.select %gt3A_730, %get3A_729, %select_n3A_724 : vector<16xi1>, vector<16xf32>
    %jit3A_732 = arith.constant 6 : i32
    %broadcast_in_dim3A_733 = vector.broadcast %jit3A_732 : i32 to vector<16xi32>
    %select_n3A_734 = arith.select %gt3A_730, %broadcast_in_dim3A_733, %select_n3A_727 : vector<16xi1>, vector<16xi32>
    %get3A_735 = arith.constant 55 : index
    %get3A_736 = tpu.vector_load %arg6[%get3A_735] {strides = array<i32>} : memref<256xf32, #tpu.memory_space<vmem>>, vector<16xf32>,
    %gt3A_737 = arith.cmpf ogt, %get3A_736, %select_n3A_731 : vector<16xf32>
    %select_n3A_738 = arith.select %gt3A_737, %get3A_736, %select_n3A_731 : vector<16xi1>, vector<16xf32>
    %jit3A_739 = arith.constant 7 : i32
    %broadcast_in_dim3A_740 = vector.broadcast %jit3A_739 : i32 to vector<16xi32>
    %select_n3A_741 = arith.select %gt3A_737, %broadcast_in_dim3A_740, %select_n3A_734 : vector<16xi1>, vector<16xi32>
    %get3A_742 = arith.constant 56 : index
    %get3A_743 = tpu.vector_load %arg6[%get3A_742] {strides = array<i32>} : memref<256xf32, #tpu.memory_space<vmem>>, vector<16xf32>,
    %gt3A_744 = arith.cmpf ogt, %get3A_743, %select_n3A_738 : vector<16xf32>
    %select_n3A_745 = arith.select %gt3A_744, %get3A_743, %select_n3A_738 : vector<16xi1>, vector<16xf32>
    %jit3A_746 = arith.constant 8 : i32
    %broadcast_in_dim3A_747 = vector.broadcast %jit3A_746 : i32 to vector<16xi32>
    %select_n3A_748 = arith.select %gt3A_744, %broadcast_in_dim3A_747, %select_n3A_741 : vector<16xi1>, vector<16xi32>
    %get3A_749 = arith.constant 57 : index
    %get3A_750 = tpu.vector_load %arg6[%get3A_749] {strides = array<i32>} : memref<256xf32, #tpu.memory_space<vmem>>, vector<16xf32>,
    %gt3A_751 = arith.cmpf ogt, %get3A_750, %select_n3A_745 : vector<16xf32>
    %select_n3A_752 = arith.select %gt3A_751, %get3A_750, %select_n3A_745 : vector<16xi1>, vector<16xf32>
    %jit3A_753 = arith.constant 9 : i32
    %broadcast_in_dim3A_754 = vector.broadcast %jit3A_753 : i32 to vector<16xi32>
    %select_n3A_755 = arith.select %gt3A_751, %broadcast_in_dim3A_754, %select_n3A_748 : vector<16xi1>, vector<16xi32>
    %get3A_756 = arith.constant 58 : index
    %get3A_757 = tpu.vector_load %arg6[%get3A_756] {strides = array<i32>} : memref<256xf32, #tpu.memory_space<vmem>>, vector<16xf32>,
    %gt3A_758 = arith.cmpf ogt, %get3A_757, %select_n3A_752 : vector<16xf32>
    %select_n3A_759 = arith.select %gt3A_758, %get3A_757, %select_n3A_752 : vector<16xi1>, vector<16xf32>
    %jit3A_760 = arith.constant 10 : i32
    %broadcast_in_dim3A_761 = vector.broadcast %jit3A_760 : i32 to vector<16xi32>
    %select_n3A_762 = arith.select %gt3A_758, %broadcast_in_dim3A_761, %select_n3A_755 : vector<16xi1>, vector<16xi32>
    %get3A_763 = arith.constant 59 : index
    %get3A_764 = tpu.vector_load %arg6[%get3A_763] {strides = array<i32>} : memref<256xf32, #tpu.memory_space<vmem>>, vector<16xf32>,
    %gt3A_765 = arith.cmpf ogt, %get3A_764, %select_n3A_759 : vector<16xf32>
    %select_n3A_766 = arith.select %gt3A_765, %get3A_764, %select_n3A_759 : vector<16xi1>, vector<16xf32>
    %jit3A_767 = arith.constant 11 : i32
    %broadcast_in_dim3A_768 = vector.broadcast %jit3A_767 : i32 to vector<16xi32>
    %select_n3A_769 = arith.select %gt3A_765, %broadcast_in_dim3A_768, %select_n3A_762 : vector<16xi1>, vector<16xi32>
    %get3A_770 = arith.constant 60 : index
    %get3A_771 = tpu.vector_load %arg6[%get3A_770] {strides = array<i32>} : memref<256xf32, #tpu.memory_space<vmem>>, vector<16xf32>,
    %gt3A_772 = arith.cmpf ogt, %get3A_771, %select_n3A_766 : vector<16xf32>
    %select_n3A_773 = arith.select %gt3A_772, %get3A_771, %select_n3A_766 : vector<16xi1>, vector<16xf32>
    %jit3A_774 = arith.constant 12 : i32
    %broadcast_in_dim3A_775 = vector.broadcast %jit3A_774 : i32 to vector<16xi32>
    %select_n3A_776 = arith.select %gt3A_772, %broadcast_in_dim3A_775, %select_n3A_769 : vector<16xi1>, vector<16xi32>
    %get3A_777 = arith.constant 61 : index
    %get3A_778 = tpu.vector_load %arg6[%get3A_777] {strides = array<i32>} : memref<256xf32, #tpu.memory_space<vmem>>, vector<16xf32>,
    %gt3A_779 = arith.cmpf ogt, %get3A_778, %select_n3A_773 : vector<16xf32>
    %select_n3A_780 = arith.select %gt3A_779, %get3A_778, %select_n3A_773 : vector<16xi1>, vector<16xf32>
    %jit3A_781 = arith.constant 13 : i32
    %broadcast_in_dim3A_782 = vector.broadcast %jit3A_781 : i32 to vector<16xi32>
    %select_n3A_783 = arith.select %gt3A_779, %broadcast_in_dim3A_782, %select_n3A_776 : vector<16xi1>, vector<16xi32>
    %get3A_784 = arith.constant 62 : index
    %get3A_785 = tpu.vector_load %arg6[%get3A_784] {strides = array<i32>} : memref<256xf32, #tpu.memory_space<vmem>>, vector<16xf32>,
    %gt3A_786 = arith.cmpf ogt, %get3A_785, %select_n3A_780 : vector<16xf32>
    %select_n3A_787 = arith.select %gt3A_786, %get3A_785, %select_n3A_780 : vector<16xi1>, vector<16xf32>
    %jit3A_788 = arith.constant 14 : i32
    %broadcast_in_dim3A_789 = vector.broadcast %jit3A_788 : i32 to vector<16xi32>
    %select_n3A_790 = arith.select %gt3A_786, %broadcast_in_dim3A_789, %select_n3A_783 : vector<16xi1>, vector<16xi32>
    %get3A_791 = arith.constant 63 : index
    %get3A_792 = tpu.vector_load %arg6[%get3A_791] {strides = array<i32>} : memref<256xf32, #tpu.memory_space<vmem>>, vector<16xf32>,
    %gt3A_793 = arith.cmpf ogt, %get3A_792, %select_n3A_787 : vector<16xf32>
    %select_n3A_794 = arith.select %gt3A_793, %get3A_792, %select_n3A_787 : vector<16xi1>, vector<16xf32>
    %jit3A_795 = arith.constant 15 : i32
    %broadcast_in_dim3A_796 = vector.broadcast %jit3A_795 : i32 to vector<16xi32>
    %select_n3A_797 = arith.select %gt3A_793, %broadcast_in_dim3A_796, %select_n3A_790 : vector<16xi1>, vector<16xi32>
    %get3A_798 = arith.constant 64 : index
    %get3A_799 = tpu.vector_load %arg6[%get3A_798] {strides = array<i32>} : memref<256xf32, #tpu.memory_space<vmem>>, vector<16xf32>,
    %gt3A_800 = arith.cmpf ogt, %get3A_799, %select_n3A_794 : vector<16xf32>
    %select_n3A_801 = arith.select %gt3A_800, %get3A_799, %select_n3A_794 : vector<16xi1>, vector<16xf32>
    %jit3A_802 = arith.constant 16 : i32
    %broadcast_in_dim3A_803 = vector.broadcast %jit3A_802 : i32 to vector<16xi32>
    %select_n3A_804 = arith.select %gt3A_800, %broadcast_in_dim3A_803, %select_n3A_797 : vector<16xi1>, vector<16xi32>
    %get3A_805 = arith.constant 65 : index
    %get3A_806 = tpu.vector_load %arg6[%get3A_805] {strides = array<i32>} : memref<256xf32, #tpu.memory_space<vmem>>, vector<16xf32>,
    %gt3A_807 = arith.cmpf ogt, %get3A_806, %select_n3A_801 : vector<16xf32>
    %select_n3A_808 = arith.select %gt3A_807, %get3A_806, %select_n3A_801 : vector<16xi1>, vector<16xf32>
    %jit3A_809 = arith.constant 17 : i32
    %broadcast_in_dim3A_810 = vector.broadcast %jit3A_809 : i32 to vector<16xi32>
    %select_n3A_811 = arith.select %gt3A_807, %broadcast_in_dim3A_810, %select_n3A_804 : vector<16xi1>, vector<16xi32>
    %get3A_812 = arith.constant 66 : index
    %get3A_813 = tpu.vector_load %arg6[%get3A_812] {strides = array<i32>} : memref<256xf32, #tpu.memory_space<vmem>>, vector<16xf32>,
    %gt3A_814 = arith.cmpf ogt, %get3A_813, %select_n3A_808 : vector<16xf32>
    %select_n3A_815 = arith.select %gt3A_814, %get3A_813, %select_n3A_808 : vector<16xi1>, vector<16xf32>
    %jit3A_816 = arith.constant 18 : i32
    %broadcast_in_dim3A_817 = vector.broadcast %jit3A_816 : i32 to vector<16xi32>
    %select_n3A_818 = arith.select %gt3A_814, %broadcast_in_dim3A_817, %select_n3A_811 : vector<16xi1>, vector<16xi32>
    %get3A_819 = arith.constant 67 : index
    %get3A_820 = tpu.vector_load %arg6[%get3A_819] {strides = array<i32>} : memref<256xf32, #tpu.memory_space<vmem>>, vector<16xf32>,
    %gt3A_821 = arith.cmpf ogt, %get3A_820, %select_n3A_815 : vector<16xf32>
    %select_n3A_822 = arith.select %gt3A_821, %get3A_820, %select_n3A_815 : vector<16xi1>, vector<16xf32>
    %jit3A_823 = arith.constant 19 : i32
    %broadcast_in_dim3A_824 = vector.broadcast %jit3A_823 : i32 to vector<16xi32>
    %select_n3A_825 = arith.select %gt3A_821, %broadcast_in_dim3A_824, %select_n3A_818 : vector<16xi1>, vector<16xi32>
    %get3A_826 = arith.constant 68 : index
    %get3A_827 = tpu.vector_load %arg6[%get3A_826] {strides = array<i32>} : memref<256xf32, #tpu.memory_space<vmem>>, vector<16xf32>,
    %gt3A_828 = arith.cmpf ogt, %get3A_827, %select_n3A_822 : vector<16xf32>
    %select_n3A_829 = arith.select %gt3A_828, %get3A_827, %select_n3A_822 : vector<16xi1>, vector<16xf32>
    %jit3A_830 = arith.constant 20 : i32
    %broadcast_in_dim3A_831 = vector.broadcast %jit3A_830 : i32 to vector<16xi32>
    %select_n3A_832 = arith.select %gt3A_828, %broadcast_in_dim3A_831, %select_n3A_825 : vector<16xi1>, vector<16xi32>
    %get3A_833 = arith.constant 69 : index
    %get3A_834 = tpu.vector_load %arg6[%get3A_833] {strides = array<i32>} : memref<256xf32, #tpu.memory_space<vmem>>, vector<16xf32>,
    %gt3A_835 = arith.cmpf ogt, %get3A_834, %select_n3A_829 : vector<16xf32>
    %select_n3A_836 = arith.select %gt3A_835, %get3A_834, %select_n3A_829 : vector<16xi1>, vector<16xf32>
    %jit3A_837 = arith.constant 21 : i32
    %broadcast_in_dim3A_838 = vector.broadcast %jit3A_837 : i32 to vector<16xi32>
    %select_n3A_839 = arith.select %gt3A_835, %broadcast_in_dim3A_838, %select_n3A_832 : vector<16xi1>, vector<16xi32>
    %get3A_840 = arith.constant 70 : index
    %get3A_841 = tpu.vector_load %arg6[%get3A_840] {strides = array<i32>} : memref<256xf32, #tpu.memory_space<vmem>>, vector<16xf32>,
    %gt3A_842 = arith.cmpf ogt, %get3A_841, %select_n3A_836 : vector<16xf32>
    %select_n3A_843 = arith.select %gt3A_842, %get3A_841, %select_n3A_836 : vector<16xi1>, vector<16xf32>
    %jit3A_844 = arith.constant 22 : i32
    %broadcast_in_dim3A_845 = vector.broadcast %jit3A_844 : i32 to vector<16xi32>
    %select_n3A_846 = arith.select %gt3A_842, %broadcast_in_dim3A_845, %select_n3A_839 : vector<16xi1>, vector<16xi32>
    %get3A_847 = arith.constant 71 : index
    %get3A_848 = tpu.vector_load %arg6[%get3A_847] {strides = array<i32>} : memref<256xf32, #tpu.memory_space<vmem>>, vector<16xf32>,
    %gt3A_849 = arith.cmpf ogt, %get3A_848, %select_n3A_843 : vector<16xf32>
    %select_n3A_850 = arith.select %gt3A_849, %get3A_848, %select_n3A_843 : vector<16xi1>, vector<16xf32>
    %jit3A_851 = arith.constant 23 : i32
    %broadcast_in_dim3A_852 = vector.broadcast %jit3A_851 : i32 to vector<16xi32>
    %select_n3A_853 = arith.select %gt3A_849, %broadcast_in_dim3A_852, %select_n3A_846 : vector<16xi1>, vector<16xi32>
    %get3A_854 = arith.constant 72 : index
    %get3A_855 = tpu.vector_load %arg6[%get3A_854] {strides = array<i32>} : memref<256xf32, #tpu.memory_space<vmem>>, vector<16xf32>,
    %gt3A_856 = arith.cmpf ogt, %get3A_855, %select_n3A_850 : vector<16xf32>
    %select_n3A_857 = arith.select %gt3A_856, %get3A_855, %select_n3A_850 : vector<16xi1>, vector<16xf32>
    %jit3A_858 = arith.constant 24 : i32
    %broadcast_in_dim3A_859 = vector.broadcast %jit3A_858 : i32 to vector<16xi32>
    %select_n3A_860 = arith.select %gt3A_856, %broadcast_in_dim3A_859, %select_n3A_853 : vector<16xi1>, vector<16xi32>
    %get3A_861 = arith.constant 73 : index
    %get3A_862 = tpu.vector_load %arg6[%get3A_861] {strides = array<i32>} : memref<256xf32, #tpu.memory_space<vmem>>, vector<16xf32>,
    %gt3A_863 = arith.cmpf ogt, %get3A_862, %select_n3A_857 : vector<16xf32>
    %select_n3A_864 = arith.select %gt3A_863, %get3A_862, %select_n3A_857 : vector<16xi1>, vector<16xf32>
    %jit3A_865 = arith.constant 25 : i32
    %broadcast_in_dim3A_866 = vector.broadcast %jit3A_865 : i32 to vector<16xi32>
    %select_n3A_867 = arith.select %gt3A_863, %broadcast_in_dim3A_866, %select_n3A_860 : vector<16xi1>, vector<16xi32>
    %get3A_868 = arith.constant 74 : index
    %get3A_869 = tpu.vector_load %arg6[%get3A_868] {strides = array<i32>} : memref<256xf32, #tpu.memory_space<vmem>>, vector<16xf32>,
    %gt3A_870 = arith.cmpf ogt, %get3A_869, %select_n3A_864 : vector<16xf32>
    %select_n3A_871 = arith.select %gt3A_870, %get3A_869, %select_n3A_864 : vector<16xi1>, vector<16xf32>
    %jit3A_872 = arith.constant 26 : i32
    %broadcast_in_dim3A_873 = vector.broadcast %jit3A_872 : i32 to vector<16xi32>
    %select_n3A_874 = arith.select %gt3A_870, %broadcast_in_dim3A_873, %select_n3A_867 : vector<16xi1>, vector<16xi32>
    %get3A_875 = arith.constant 75 : index
    %get3A_876 = tpu.vector_load %arg6[%get3A_875] {strides = array<i32>} : memref<256xf32, #tpu.memory_space<vmem>>, vector<16xf32>,
    %gt3A_877 = arith.cmpf ogt, %get3A_876, %select_n3A_871 : vector<16xf32>
    %select_n3A_878 = arith.select %gt3A_877, %get3A_876, %select_n3A_871 : vector<16xi1>, vector<16xf32>
    %jit3A_879 = arith.constant 27 : i32
    %broadcast_in_dim3A_880 = vector.broadcast %jit3A_879 : i32 to vector<16xi32>
    %select_n3A_881 = arith.select %gt3A_877, %broadcast_in_dim3A_880, %select_n3A_874 : vector<16xi1>, vector<16xi32>
    %get3A_882 = arith.constant 76 : index
    %get3A_883 = tpu.vector_load %arg6[%get3A_882] {strides = array<i32>} : memref<256xf32, #tpu.memory_space<vmem>>, vector<16xf32>,
    %gt3A_884 = arith.cmpf ogt, %get3A_883, %select_n3A_878 : vector<16xf32>
    %select_n3A_885 = arith.select %gt3A_884, %get3A_883, %select_n3A_878 : vector<16xi1>, vector<16xf32>
    %jit3A_886 = arith.constant 28 : i32
    %broadcast_in_dim3A_887 = vector.broadcast %jit3A_886 : i32 to vector<16xi32>
    %select_n3A_888 = arith.select %gt3A_884, %broadcast_in_dim3A_887, %select_n3A_881 : vector<16xi1>, vector<16xi32>
    %get3A_889 = arith.constant 77 : index
    %get3A_890 = tpu.vector_load %arg6[%get3A_889] {strides = array<i32>} : memref<256xf32, #tpu.memory_space<vmem>>, vector<16xf32>,
    %gt3A_891 = arith.cmpf ogt, %get3A_890, %select_n3A_885 : vector<16xf32>
    %select_n3A_892 = arith.select %gt3A_891, %get3A_890, %select_n3A_885 : vector<16xi1>, vector<16xf32>
    %jit3A_893 = arith.constant 29 : i32
    %broadcast_in_dim3A_894 = vector.broadcast %jit3A_893 : i32 to vector<16xi32>
    %select_n3A_895 = arith.select %gt3A_891, %broadcast_in_dim3A_894, %select_n3A_888 : vector<16xi1>, vector<16xi32>
    %add3A_896 = arith.addf %get3A_688, %select_n3A_892 : vector<16xf32>
    %add3A_897 = arith.constant 48 : i32
    %add3A_898 = arith.addi %mul3A_0, %add3A_897 : i32
    %add3A_899 = vector.broadcast %add3A_898 : i32 to vector<16xi32>
    %add3A_900 = arith.addi %iota3A, %add3A_899 : vector<16xi32>
    %mul3A_901 = arith.constant 2048 : i32
    %mul3A_902 = vector.broadcast %mul3A_901 : i32 to vector<16xi32>
    %mul3A_903 = arith.muli %add3A_900, %mul3A_902 : vector<16xi32>
    %add3A_904 = arith.addi %add3A_900, %select_n3A_895 : vector<16xi32>
    %add3A_905 = arith.addi %mul3A_903, %add3A_904 : vector<16xi32>
    %gt3A_906 = arith.cmpf ogt, %add3A_896, %select_n3A_685 : vector<16xf32>
    %select_n3A_907 = arith.select %gt3A_906, %add3A_896, %select_n3A_685 : vector<16xi1>, vector<16xf32>
    %select_n3A_908 = arith.select %gt3A_906, %add3A_905, %select_n3A_686 : vector<16xi1>, vector<16xi32>
    %get3A_909 = arith.constant 64 : index
    %get3A_910 = tpu.vector_load %arg5[%get3A_909] {strides = array<i32>} : memref<128xf32, #tpu.memory_space<vmem>>, vector<16xf32>,
    %get3A_911 = arith.constant 64 : index
    %get3A_912 = tpu.vector_load %arg6[%get3A_911] {strides = array<i32>} : memref<256xf32, #tpu.memory_space<vmem>>, vector<16xf32>,
    %broadcast_in_dim3A_913 = arith.constant 0 : i32
    %broadcast_in_dim3A_914 = vector.broadcast %broadcast_in_dim3A_913 : i32 to vector<16xi32>
    %get3A_915 = arith.constant 65 : index
    %get3A_916 = tpu.vector_load %arg6[%get3A_915] {strides = array<i32>} : memref<256xf32, #tpu.memory_space<vmem>>, vector<16xf32>,
    %gt3A_917 = arith.cmpf ogt, %get3A_916, %get3A_912 : vector<16xf32>
    %select_n3A_918 = arith.select %gt3A_917, %get3A_916, %get3A_912 : vector<16xi1>, vector<16xf32>
    %jit3A_919 = arith.constant 1 : i32
    %broadcast_in_dim3A_920 = vector.broadcast %jit3A_919 : i32 to vector<16xi32>
    %select_n3A_921 = arith.select %gt3A_917, %broadcast_in_dim3A_920, %broadcast_in_dim3A_914 : vector<16xi1>, vector<16xi32>
    %get3A_922 = arith.constant 66 : index
    %get3A_923 = tpu.vector_load %arg6[%get3A_922] {strides = array<i32>} : memref<256xf32, #tpu.memory_space<vmem>>, vector<16xf32>,
    %gt3A_924 = arith.cmpf ogt, %get3A_923, %select_n3A_918 : vector<16xf32>
    %select_n3A_925 = arith.select %gt3A_924, %get3A_923, %select_n3A_918 : vector<16xi1>, vector<16xf32>
    %jit3A_926 = arith.constant 2 : i32
    %broadcast_in_dim3A_927 = vector.broadcast %jit3A_926 : i32 to vector<16xi32>
    %select_n3A_928 = arith.select %gt3A_924, %broadcast_in_dim3A_927, %select_n3A_921 : vector<16xi1>, vector<16xi32>
    %get3A_929 = arith.constant 67 : index
    %get3A_930 = tpu.vector_load %arg6[%get3A_929] {strides = array<i32>} : memref<256xf32, #tpu.memory_space<vmem>>, vector<16xf32>,
    %gt3A_931 = arith.cmpf ogt, %get3A_930, %select_n3A_925 : vector<16xf32>
    %select_n3A_932 = arith.select %gt3A_931, %get3A_930, %select_n3A_925 : vector<16xi1>, vector<16xf32>
    %jit3A_933 = arith.constant 3 : i32
    %broadcast_in_dim3A_934 = vector.broadcast %jit3A_933 : i32 to vector<16xi32>
    %select_n3A_935 = arith.select %gt3A_931, %broadcast_in_dim3A_934, %select_n3A_928 : vector<16xi1>, vector<16xi32>
    %get3A_936 = arith.constant 68 : index
    %get3A_937 = tpu.vector_load %arg6[%get3A_936] {strides = array<i32>} : memref<256xf32, #tpu.memory_space<vmem>>, vector<16xf32>,
    %gt3A_938 = arith.cmpf ogt, %get3A_937, %select_n3A_932 : vector<16xf32>
    %select_n3A_939 = arith.select %gt3A_938, %get3A_937, %select_n3A_932 : vector<16xi1>, vector<16xf32>
    %jit3A_940 = arith.constant 4 : i32
    %broadcast_in_dim3A_941 = vector.broadcast %jit3A_940 : i32 to vector<16xi32>
    %select_n3A_942 = arith.select %gt3A_938, %broadcast_in_dim3A_941, %select_n3A_935 : vector<16xi1>, vector<16xi32>
    %get3A_943 = arith.constant 69 : index
    %get3A_944 = tpu.vector_load %arg6[%get3A_943] {strides = array<i32>} : memref<256xf32, #tpu.memory_space<vmem>>, vector<16xf32>,
    %gt3A_945 = arith.cmpf ogt, %get3A_944, %select_n3A_939 : vector<16xf32>
    %select_n3A_946 = arith.select %gt3A_945, %get3A_944, %select_n3A_939 : vector<16xi1>, vector<16xf32>
    %jit3A_947 = arith.constant 5 : i32
    %broadcast_in_dim3A_948 = vector.broadcast %jit3A_947 : i32 to vector<16xi32>
    %select_n3A_949 = arith.select %gt3A_945, %broadcast_in_dim3A_948, %select_n3A_942 : vector<16xi1>, vector<16xi32>
    %get3A_950 = arith.constant 70 : index
    %get3A_951 = tpu.vector_load %arg6[%get3A_950] {strides = array<i32>} : memref<256xf32, #tpu.memory_space<vmem>>, vector<16xf32>,
    %gt3A_952 = arith.cmpf ogt, %get3A_951, %select_n3A_946 : vector<16xf32>
    %select_n3A_953 = arith.select %gt3A_952, %get3A_951, %select_n3A_946 : vector<16xi1>, vector<16xf32>
    %jit3A_954 = arith.constant 6 : i32
    %broadcast_in_dim3A_955 = vector.broadcast %jit3A_954 : i32 to vector<16xi32>
    %select_n3A_956 = arith.select %gt3A_952, %broadcast_in_dim3A_955, %select_n3A_949 : vector<16xi1>, vector<16xi32>
    %get3A_957 = arith.constant 71 : index
    %get3A_958 = tpu.vector_load %arg6[%get3A_957] {strides = array<i32>} : memref<256xf32, #tpu.memory_space<vmem>>, vector<16xf32>,
    %gt3A_959 = arith.cmpf ogt, %get3A_958, %select_n3A_953 : vector<16xf32>
    %select_n3A_960 = arith.select %gt3A_959, %get3A_958, %select_n3A_953 : vector<16xi1>, vector<16xf32>
    %jit3A_961 = arith.constant 7 : i32
    %broadcast_in_dim3A_962 = vector.broadcast %jit3A_961 : i32 to vector<16xi32>
    %select_n3A_963 = arith.select %gt3A_959, %broadcast_in_dim3A_962, %select_n3A_956 : vector<16xi1>, vector<16xi32>
    %get3A_964 = arith.constant 72 : index
    %get3A_965 = tpu.vector_load %arg6[%get3A_964] {strides = array<i32>} : memref<256xf32, #tpu.memory_space<vmem>>, vector<16xf32>,
    %gt3A_966 = arith.cmpf ogt, %get3A_965, %select_n3A_960 : vector<16xf32>
    %select_n3A_967 = arith.select %gt3A_966, %get3A_965, %select_n3A_960 : vector<16xi1>, vector<16xf32>
    %jit3A_968 = arith.constant 8 : i32
    %broadcast_in_dim3A_969 = vector.broadcast %jit3A_968 : i32 to vector<16xi32>
    %select_n3A_970 = arith.select %gt3A_966, %broadcast_in_dim3A_969, %select_n3A_963 : vector<16xi1>, vector<16xi32>
    %get3A_971 = arith.constant 73 : index
    %get3A_972 = tpu.vector_load %arg6[%get3A_971] {strides = array<i32>} : memref<256xf32, #tpu.memory_space<vmem>>, vector<16xf32>,
    %gt3A_973 = arith.cmpf ogt, %get3A_972, %select_n3A_967 : vector<16xf32>
    %select_n3A_974 = arith.select %gt3A_973, %get3A_972, %select_n3A_967 : vector<16xi1>, vector<16xf32>
    %jit3A_975 = arith.constant 9 : i32
    %broadcast_in_dim3A_976 = vector.broadcast %jit3A_975 : i32 to vector<16xi32>
    %select_n3A_977 = arith.select %gt3A_973, %broadcast_in_dim3A_976, %select_n3A_970 : vector<16xi1>, vector<16xi32>
    %get3A_978 = arith.constant 74 : index
    %get3A_979 = tpu.vector_load %arg6[%get3A_978] {strides = array<i32>} : memref<256xf32, #tpu.memory_space<vmem>>, vector<16xf32>,
    %gt3A_980 = arith.cmpf ogt, %get3A_979, %select_n3A_974 : vector<16xf32>
    %select_n3A_981 = arith.select %gt3A_980, %get3A_979, %select_n3A_974 : vector<16xi1>, vector<16xf32>
    %jit3A_982 = arith.constant 10 : i32
    %broadcast_in_dim3A_983 = vector.broadcast %jit3A_982 : i32 to vector<16xi32>
    %select_n3A_984 = arith.select %gt3A_980, %broadcast_in_dim3A_983, %select_n3A_977 : vector<16xi1>, vector<16xi32>
    %get3A_985 = arith.constant 75 : index
    %get3A_986 = tpu.vector_load %arg6[%get3A_985] {strides = array<i32>} : memref<256xf32, #tpu.memory_space<vmem>>, vector<16xf32>,
    %gt3A_987 = arith.cmpf ogt, %get3A_986, %select_n3A_981 : vector<16xf32>
    %select_n3A_988 = arith.select %gt3A_987, %get3A_986, %select_n3A_981 : vector<16xi1>, vector<16xf32>
    %jit3A_989 = arith.constant 11 : i32
    %broadcast_in_dim3A_990 = vector.broadcast %jit3A_989 : i32 to vector<16xi32>
    %select_n3A_991 = arith.select %gt3A_987, %broadcast_in_dim3A_990, %select_n3A_984 : vector<16xi1>, vector<16xi32>
    %get3A_992 = arith.constant 76 : index
    %get3A_993 = tpu.vector_load %arg6[%get3A_992] {strides = array<i32>} : memref<256xf32, #tpu.memory_space<vmem>>, vector<16xf32>,
    %gt3A_994 = arith.cmpf ogt, %get3A_993, %select_n3A_988 : vector<16xf32>
    %select_n3A_995 = arith.select %gt3A_994, %get3A_993, %select_n3A_988 : vector<16xi1>, vector<16xf32>
    %jit3A_996 = arith.constant 12 : i32
    %broadcast_in_dim3A_997 = vector.broadcast %jit3A_996 : i32 to vector<16xi32>
    %select_n3A_998 = arith.select %gt3A_994, %broadcast_in_dim3A_997, %select_n3A_991 : vector<16xi1>, vector<16xi32>
    %get3A_999 = arith.constant 77 : index
    %get3A_1000 = tpu.vector_load %arg6[%get3A_999] {strides = array<i32>} : memref<256xf32, #tpu.memory_space<vmem>>, vector<16xf32>,
    %gt3A_1001 = arith.cmpf ogt, %get3A_1000, %select_n3A_995 : vector<16xf32>
    %select_n3A_1002 = arith.select %gt3A_1001, %get3A_1000, %select_n3A_995 : vector<16xi1>, vector<16xf32>
    %jit3A_1003 = arith.constant 13 : i32
    %broadcast_in_dim3A_1004 = vector.broadcast %jit3A_1003 : i32 to vector<16xi32>
    %select_n3A_1005 = arith.select %gt3A_1001, %broadcast_in_dim3A_1004, %select_n3A_998 : vector<16xi1>, vector<16xi32>
    %get3A_1006 = arith.constant 78 : index
    %get3A_1007 = tpu.vector_load %arg6[%get3A_1006] {strides = array<i32>} : memref<256xf32, #tpu.memory_space<vmem>>, vector<16xf32>,
    %gt3A_1008 = arith.cmpf ogt, %get3A_1007, %select_n3A_1002 : vector<16xf32>
    %select_n3A_1009 = arith.select %gt3A_1008, %get3A_1007, %select_n3A_1002 : vector<16xi1>, vector<16xf32>
    %jit3A_1010 = arith.constant 14 : i32
    %broadcast_in_dim3A_1011 = vector.broadcast %jit3A_1010 : i32 to vector<16xi32>
    %select_n3A_1012 = arith.select %gt3A_1008, %broadcast_in_dim3A_1011, %select_n3A_1005 : vector<16xi1>, vector<16xi32>
    %get3A_1013 = arith.constant 79 : index
    %get3A_1014 = tpu.vector_load %arg6[%get3A_1013] {strides = array<i32>} : memref<256xf32, #tpu.memory_space<vmem>>, vector<16xf32>,
    %gt3A_1015 = arith.cmpf ogt, %get3A_1014, %select_n3A_1009 : vector<16xf32>
    %select_n3A_1016 = arith.select %gt3A_1015, %get3A_1014, %select_n3A_1009 : vector<16xi1>, vector<16xf32>
    %jit3A_1017 = arith.constant 15 : i32
    %broadcast_in_dim3A_1018 = vector.broadcast %jit3A_1017 : i32 to vector<16xi32>
    %select_n3A_1019 = arith.select %gt3A_1015, %broadcast_in_dim3A_1018, %select_n3A_1012 : vector<16xi1>, vector<16xi32>
    %get3A_1020 = arith.constant 80 : index
    %get3A_1021 = tpu.vector_load %arg6[%get3A_1020] {strides = array<i32>} : memref<256xf32, #tpu.memory_space<vmem>>, vector<16xf32>,
    %gt3A_1022 = arith.cmpf ogt, %get3A_1021, %select_n3A_1016 : vector<16xf32>
    %select_n3A_1023 = arith.select %gt3A_1022, %get3A_1021, %select_n3A_1016 : vector<16xi1>, vector<16xf32>
    %jit3A_1024 = arith.constant 16 : i32
    %broadcast_in_dim3A_1025 = vector.broadcast %jit3A_1024 : i32 to vector<16xi32>
    %select_n3A_1026 = arith.select %gt3A_1022, %broadcast_in_dim3A_1025, %select_n3A_1019 : vector<16xi1>, vector<16xi32>
    %get3A_1027 = arith.constant 81 : index
    %get3A_1028 = tpu.vector_load %arg6[%get3A_1027] {strides = array<i32>} : memref<256xf32, #tpu.memory_space<vmem>>, vector<16xf32>,
    %gt3A_1029 = arith.cmpf ogt, %get3A_1028, %select_n3A_1023 : vector<16xf32>
    %select_n3A_1030 = arith.select %gt3A_1029, %get3A_1028, %select_n3A_1023 : vector<16xi1>, vector<16xf32>
    %jit3A_1031 = arith.constant 17 : i32
    %broadcast_in_dim3A_1032 = vector.broadcast %jit3A_1031 : i32 to vector<16xi32>
    %select_n3A_1033 = arith.select %gt3A_1029, %broadcast_in_dim3A_1032, %select_n3A_1026 : vector<16xi1>, vector<16xi32>
    %get3A_1034 = arith.constant 82 : index
    %get3A_1035 = tpu.vector_load %arg6[%get3A_1034] {strides = array<i32>} : memref<256xf32, #tpu.memory_space<vmem>>, vector<16xf32>,
    %gt3A_1036 = arith.cmpf ogt, %get3A_1035, %select_n3A_1030 : vector<16xf32>
    %select_n3A_1037 = arith.select %gt3A_1036, %get3A_1035, %select_n3A_1030 : vector<16xi1>, vector<16xf32>
    %jit3A_1038 = arith.constant 18 : i32
    %broadcast_in_dim3A_1039 = vector.broadcast %jit3A_1038 : i32 to vector<16xi32>
    %select_n3A_1040 = arith.select %gt3A_1036, %broadcast_in_dim3A_1039, %select_n3A_1033 : vector<16xi1>, vector<16xi32>
    %get3A_1041 = arith.constant 83 : index
    %get3A_1042 = tpu.vector_load %arg6[%get3A_1041] {strides = array<i32>} : memref<256xf32, #tpu.memory_space<vmem>>, vector<16xf32>,
    %gt3A_1043 = arith.cmpf ogt, %get3A_1042, %select_n3A_1037 : vector<16xf32>
    %select_n3A_1044 = arith.select %gt3A_1043, %get3A_1042, %select_n3A_1037 : vector<16xi1>, vector<16xf32>
    %jit3A_1045 = arith.constant 19 : i32
    %broadcast_in_dim3A_1046 = vector.broadcast %jit3A_1045 : i32 to vector<16xi32>
    %select_n3A_1047 = arith.select %gt3A_1043, %broadcast_in_dim3A_1046, %select_n3A_1040 : vector<16xi1>, vector<16xi32>
    %get3A_1048 = arith.constant 84 : index
    %get3A_1049 = tpu.vector_load %arg6[%get3A_1048] {strides = array<i32>} : memref<256xf32, #tpu.memory_space<vmem>>, vector<16xf32>,
    %gt3A_1050 = arith.cmpf ogt, %get3A_1049, %select_n3A_1044 : vector<16xf32>
    %select_n3A_1051 = arith.select %gt3A_1050, %get3A_1049, %select_n3A_1044 : vector<16xi1>, vector<16xf32>
    %jit3A_1052 = arith.constant 20 : i32
    %broadcast_in_dim3A_1053 = vector.broadcast %jit3A_1052 : i32 to vector<16xi32>
    %select_n3A_1054 = arith.select %gt3A_1050, %broadcast_in_dim3A_1053, %select_n3A_1047 : vector<16xi1>, vector<16xi32>
    %get3A_1055 = arith.constant 85 : index
    %get3A_1056 = tpu.vector_load %arg6[%get3A_1055] {strides = array<i32>} : memref<256xf32, #tpu.memory_space<vmem>>, vector<16xf32>,
    %gt3A_1057 = arith.cmpf ogt, %get3A_1056, %select_n3A_1051 : vector<16xf32>
    %select_n3A_1058 = arith.select %gt3A_1057, %get3A_1056, %select_n3A_1051 : vector<16xi1>, vector<16xf32>
    %jit3A_1059 = arith.constant 21 : i32
    %broadcast_in_dim3A_1060 = vector.broadcast %jit3A_1059 : i32 to vector<16xi32>
    %select_n3A_1061 = arith.select %gt3A_1057, %broadcast_in_dim3A_1060, %select_n3A_1054 : vector<16xi1>, vector<16xi32>
    %get3A_1062 = arith.constant 86 : index
    %get3A_1063 = tpu.vector_load %arg6[%get3A_1062] {strides = array<i32>} : memref<256xf32, #tpu.memory_space<vmem>>, vector<16xf32>,
    %gt3A_1064 = arith.cmpf ogt, %get3A_1063, %select_n3A_1058 : vector<16xf32>
    %select_n3A_1065 = arith.select %gt3A_1064, %get3A_1063, %select_n3A_1058 : vector<16xi1>, vector<16xf32>
    %jit3A_1066 = arith.constant 22 : i32
    %broadcast_in_dim3A_1067 = vector.broadcast %jit3A_1066 : i32 to vector<16xi32>
    %select_n3A_1068 = arith.select %gt3A_1064, %broadcast_in_dim3A_1067, %select_n3A_1061 : vector<16xi1>, vector<16xi32>
    %get3A_1069 = arith.constant 87 : index
    %get3A_1070 = tpu.vector_load %arg6[%get3A_1069] {strides = array<i32>} : memref<256xf32, #tpu.memory_space<vmem>>, vector<16xf32>,
    %gt3A_1071 = arith.cmpf ogt, %get3A_1070, %select_n3A_1065 : vector<16xf32>
    %select_n3A_1072 = arith.select %gt3A_1071, %get3A_1070, %select_n3A_1065 : vector<16xi1>, vector<16xf32>
    %jit3A_1073 = arith.constant 23 : i32
    %broadcast_in_dim3A_1074 = vector.broadcast %jit3A_1073 : i32 to vector<16xi32>
    %select_n3A_1075 = arith.select %gt3A_1071, %broadcast_in_dim3A_1074, %select_n3A_1068 : vector<16xi1>, vector<16xi32>
    %get3A_1076 = arith.constant 88 : index
    %get3A_1077 = tpu.vector_load %arg6[%get3A_1076] {strides = array<i32>} : memref<256xf32, #tpu.memory_space<vmem>>, vector<16xf32>,
    %gt3A_1078 = arith.cmpf ogt, %get3A_1077, %select_n3A_1072 : vector<16xf32>
    %select_n3A_1079 = arith.select %gt3A_1078, %get3A_1077, %select_n3A_1072 : vector<16xi1>, vector<16xf32>
    %jit3A_1080 = arith.constant 24 : i32
    %broadcast_in_dim3A_1081 = vector.broadcast %jit3A_1080 : i32 to vector<16xi32>
    %select_n3A_1082 = arith.select %gt3A_1078, %broadcast_in_dim3A_1081, %select_n3A_1075 : vector<16xi1>, vector<16xi32>
    %get3A_1083 = arith.constant 89 : index
    %get3A_1084 = tpu.vector_load %arg6[%get3A_1083] {strides = array<i32>} : memref<256xf32, #tpu.memory_space<vmem>>, vector<16xf32>,
    %gt3A_1085 = arith.cmpf ogt, %get3A_1084, %select_n3A_1079 : vector<16xf32>
    %select_n3A_1086 = arith.select %gt3A_1085, %get3A_1084, %select_n3A_1079 : vector<16xi1>, vector<16xf32>
    %jit3A_1087 = arith.constant 25 : i32
    %broadcast_in_dim3A_1088 = vector.broadcast %jit3A_1087 : i32 to vector<16xi32>
    %select_n3A_1089 = arith.select %gt3A_1085, %broadcast_in_dim3A_1088, %select_n3A_1082 : vector<16xi1>, vector<16xi32>
    %get3A_1090 = arith.constant 90 : index
    %get3A_1091 = tpu.vector_load %arg6[%get3A_1090] {strides = array<i32>} : memref<256xf32, #tpu.memory_space<vmem>>, vector<16xf32>,
    %gt3A_1092 = arith.cmpf ogt, %get3A_1091, %select_n3A_1086 : vector<16xf32>
    %select_n3A_1093 = arith.select %gt3A_1092, %get3A_1091, %select_n3A_1086 : vector<16xi1>, vector<16xf32>
    %jit3A_1094 = arith.constant 26 : i32
    %broadcast_in_dim3A_1095 = vector.broadcast %jit3A_1094 : i32 to vector<16xi32>
    %select_n3A_1096 = arith.select %gt3A_1092, %broadcast_in_dim3A_1095, %select_n3A_1089 : vector<16xi1>, vector<16xi32>
    %get3A_1097 = arith.constant 91 : index
    %get3A_1098 = tpu.vector_load %arg6[%get3A_1097] {strides = array<i32>} : memref<256xf32, #tpu.memory_space<vmem>>, vector<16xf32>,
    %gt3A_1099 = arith.cmpf ogt, %get3A_1098, %select_n3A_1093 : vector<16xf32>
    %select_n3A_1100 = arith.select %gt3A_1099, %get3A_1098, %select_n3A_1093 : vector<16xi1>, vector<16xf32>
    %jit3A_1101 = arith.constant 27 : i32
    %broadcast_in_dim3A_1102 = vector.broadcast %jit3A_1101 : i32 to vector<16xi32>
    %select_n3A_1103 = arith.select %gt3A_1099, %broadcast_in_dim3A_1102, %select_n3A_1096 : vector<16xi1>, vector<16xi32>
    %get3A_1104 = arith.constant 92 : index
    %get3A_1105 = tpu.vector_load %arg6[%get3A_1104] {strides = array<i32>} : memref<256xf32, #tpu.memory_space<vmem>>, vector<16xf32>,
    %gt3A_1106 = arith.cmpf ogt, %get3A_1105, %select_n3A_1100 : vector<16xf32>
    %select_n3A_1107 = arith.select %gt3A_1106, %get3A_1105, %select_n3A_1100 : vector<16xi1>, vector<16xf32>
    %jit3A_1108 = arith.constant 28 : i32
    %broadcast_in_dim3A_1109 = vector.broadcast %jit3A_1108 : i32 to vector<16xi32>
    %select_n3A_1110 = arith.select %gt3A_1106, %broadcast_in_dim3A_1109, %select_n3A_1103 : vector<16xi1>, vector<16xi32>
    %get3A_1111 = arith.constant 93 : index
    %get3A_1112 = tpu.vector_load %arg6[%get3A_1111] {strides = array<i32>} : memref<256xf32, #tpu.memory_space<vmem>>, vector<16xf32>,
    %gt3A_1113 = arith.cmpf ogt, %get3A_1112, %select_n3A_1107 : vector<16xf32>
    %select_n3A_1114 = arith.select %gt3A_1113, %get3A_1112, %select_n3A_1107 : vector<16xi1>, vector<16xf32>
    %jit3A_1115 = arith.constant 29 : i32
    %broadcast_in_dim3A_1116 = vector.broadcast %jit3A_1115 : i32 to vector<16xi32>
    %select_n3A_1117 = arith.select %gt3A_1113, %broadcast_in_dim3A_1116, %select_n3A_1110 : vector<16xi1>, vector<16xi32>
    %add3A_1118 = arith.addf %get3A_910, %select_n3A_1114 : vector<16xf32>
    %add3A_1119 = arith.constant 64 : i32
    %add3A_1120 = arith.addi %mul3A_0, %add3A_1119 : i32
    %add3A_1121 = vector.broadcast %add3A_1120 : i32 to vector<16xi32>
    %add3A_1122 = arith.addi %iota3A, %add3A_1121 : vector<16xi32>
    %mul3A_1123 = arith.constant 2048 : i32
    %mul3A_1124 = vector.broadcast %mul3A_1123 : i32 to vector<16xi32>
    %mul3A_1125 = arith.muli %add3A_1122, %mul3A_1124 : vector<16xi32>
    %add3A_1126 = arith.addi %add3A_1122, %select_n3A_1117 : vector<16xi32>
    %add3A_1127 = arith.addi %mul3A_1125, %add3A_1126 : vector<16xi32>
    %gt3A_1128 = arith.cmpf ogt, %add3A_1118, %select_n3A_907 : vector<16xf32>
    %select_n3A_1129 = arith.select %gt3A_1128, %add3A_1118, %select_n3A_907 : vector<16xi1>, vector<16xf32>
    %select_n3A_1130 = arith.select %gt3A_1128, %add3A_1127, %select_n3A_908 : vector<16xi1>, vector<16xi32>
    %get3A_1131 = arith.constant 80 : index
    %get3A_1132 = tpu.vector_load %arg5[%get3A_1131] {strides = array<i32>} : memref<128xf32, #tpu.memory_space<vmem>>, vector<16xf32>,
    %get3A_1133 = arith.constant 80 : index
    %get3A_1134 = tpu.vector_load %arg6[%get3A_1133] {strides = array<i32>} : memref<256xf32, #tpu.memory_space<vmem>>, vector<16xf32>,
    %broadcast_in_dim3A_1135 = arith.constant 0 : i32
    %broadcast_in_dim3A_1136 = vector.broadcast %broadcast_in_dim3A_1135 : i32 to vector<16xi32>
    %get3A_1137 = arith.constant 81 : index
    %get3A_1138 = tpu.vector_load %arg6[%get3A_1137] {strides = array<i32>} : memref<256xf32, #tpu.memory_space<vmem>>, vector<16xf32>,
    %gt3A_1139 = arith.cmpf ogt, %get3A_1138, %get3A_1134 : vector<16xf32>
    %select_n3A_1140 = arith.select %gt3A_1139, %get3A_1138, %get3A_1134 : vector<16xi1>, vector<16xf32>
    %jit3A_1141 = arith.constant 1 : i32
    %broadcast_in_dim3A_1142 = vector.broadcast %jit3A_1141 : i32 to vector<16xi32>
    %select_n3A_1143 = arith.select %gt3A_1139, %broadcast_in_dim3A_1142, %broadcast_in_dim3A_1136 : vector<16xi1>, vector<16xi32>
    %get3A_1144 = arith.constant 82 : index
    %get3A_1145 = tpu.vector_load %arg6[%get3A_1144] {strides = array<i32>} : memref<256xf32, #tpu.memory_space<vmem>>, vector<16xf32>,
    %gt3A_1146 = arith.cmpf ogt, %get3A_1145, %select_n3A_1140 : vector<16xf32>
    %select_n3A_1147 = arith.select %gt3A_1146, %get3A_1145, %select_n3A_1140 : vector<16xi1>, vector<16xf32>
    %jit3A_1148 = arith.constant 2 : i32
    %broadcast_in_dim3A_1149 = vector.broadcast %jit3A_1148 : i32 to vector<16xi32>
    %select_n3A_1150 = arith.select %gt3A_1146, %broadcast_in_dim3A_1149, %select_n3A_1143 : vector<16xi1>, vector<16xi32>
    %get3A_1151 = arith.constant 83 : index
    %get3A_1152 = tpu.vector_load %arg6[%get3A_1151] {strides = array<i32>} : memref<256xf32, #tpu.memory_space<vmem>>, vector<16xf32>,
    %gt3A_1153 = arith.cmpf ogt, %get3A_1152, %select_n3A_1147 : vector<16xf32>
    %select_n3A_1154 = arith.select %gt3A_1153, %get3A_1152, %select_n3A_1147 : vector<16xi1>, vector<16xf32>
    %jit3A_1155 = arith.constant 3 : i32
    %broadcast_in_dim3A_1156 = vector.broadcast %jit3A_1155 : i32 to vector<16xi32>
    %select_n3A_1157 = arith.select %gt3A_1153, %broadcast_in_dim3A_1156, %select_n3A_1150 : vector<16xi1>, vector<16xi32>
    %get3A_1158 = arith.constant 84 : index
    %get3A_1159 = tpu.vector_load %arg6[%get3A_1158] {strides = array<i32>} : memref<256xf32, #tpu.memory_space<vmem>>, vector<16xf32>,
    %gt3A_1160 = arith.cmpf ogt, %get3A_1159, %select_n3A_1154 : vector<16xf32>
    %select_n3A_1161 = arith.select %gt3A_1160, %get3A_1159, %select_n3A_1154 : vector<16xi1>, vector<16xf32>
    %jit3A_1162 = arith.constant 4 : i32
    %broadcast_in_dim3A_1163 = vector.broadcast %jit3A_1162 : i32 to vector<16xi32>
    %select_n3A_1164 = arith.select %gt3A_1160, %broadcast_in_dim3A_1163, %select_n3A_1157 : vector<16xi1>, vector<16xi32>
    %get3A_1165 = arith.constant 85 : index
    %get3A_1166 = tpu.vector_load %arg6[%get3A_1165] {strides = array<i32>} : memref<256xf32, #tpu.memory_space<vmem>>, vector<16xf32>,
    %gt3A_1167 = arith.cmpf ogt, %get3A_1166, %select_n3A_1161 : vector<16xf32>
    %select_n3A_1168 = arith.select %gt3A_1167, %get3A_1166, %select_n3A_1161 : vector<16xi1>, vector<16xf32>
    %jit3A_1169 = arith.constant 5 : i32
    %broadcast_in_dim3A_1170 = vector.broadcast %jit3A_1169 : i32 to vector<16xi32>
    %select_n3A_1171 = arith.select %gt3A_1167, %broadcast_in_dim3A_1170, %select_n3A_1164 : vector<16xi1>, vector<16xi32>
    %get3A_1172 = arith.constant 86 : index
    %get3A_1173 = tpu.vector_load %arg6[%get3A_1172] {strides = array<i32>} : memref<256xf32, #tpu.memory_space<vmem>>, vector<16xf32>,
    %gt3A_1174 = arith.cmpf ogt, %get3A_1173, %select_n3A_1168 : vector<16xf32>
    %select_n3A_1175 = arith.select %gt3A_1174, %get3A_1173, %select_n3A_1168 : vector<16xi1>, vector<16xf32>
    %jit3A_1176 = arith.constant 6 : i32
    %broadcast_in_dim3A_1177 = vector.broadcast %jit3A_1176 : i32 to vector<16xi32>
    %select_n3A_1178 = arith.select %gt3A_1174, %broadcast_in_dim3A_1177, %select_n3A_1171 : vector<16xi1>, vector<16xi32>
    %get3A_1179 = arith.constant 87 : index
    %get3A_1180 = tpu.vector_load %arg6[%get3A_1179] {strides = array<i32>} : memref<256xf32, #tpu.memory_space<vmem>>, vector<16xf32>,
    %gt3A_1181 = arith.cmpf ogt, %get3A_1180, %select_n3A_1175 : vector<16xf32>
    %select_n3A_1182 = arith.select %gt3A_1181, %get3A_1180, %select_n3A_1175 : vector<16xi1>, vector<16xf32>
    %jit3A_1183 = arith.constant 7 : i32
    %broadcast_in_dim3A_1184 = vector.broadcast %jit3A_1183 : i32 to vector<16xi32>
    %select_n3A_1185 = arith.select %gt3A_1181, %broadcast_in_dim3A_1184, %select_n3A_1178 : vector<16xi1>, vector<16xi32>
    %get3A_1186 = arith.constant 88 : index
    %get3A_1187 = tpu.vector_load %arg6[%get3A_1186] {strides = array<i32>} : memref<256xf32, #tpu.memory_space<vmem>>, vector<16xf32>,
    %gt3A_1188 = arith.cmpf ogt, %get3A_1187, %select_n3A_1182 : vector<16xf32>
    %select_n3A_1189 = arith.select %gt3A_1188, %get3A_1187, %select_n3A_1182 : vector<16xi1>, vector<16xf32>
    %jit3A_1190 = arith.constant 8 : i32
    %broadcast_in_dim3A_1191 = vector.broadcast %jit3A_1190 : i32 to vector<16xi32>
    %select_n3A_1192 = arith.select %gt3A_1188, %broadcast_in_dim3A_1191, %select_n3A_1185 : vector<16xi1>, vector<16xi32>
    %get3A_1193 = arith.constant 89 : index
    %get3A_1194 = tpu.vector_load %arg6[%get3A_1193] {strides = array<i32>} : memref<256xf32, #tpu.memory_space<vmem>>, vector<16xf32>,
    %gt3A_1195 = arith.cmpf ogt, %get3A_1194, %select_n3A_1189 : vector<16xf32>
    %select_n3A_1196 = arith.select %gt3A_1195, %get3A_1194, %select_n3A_1189 : vector<16xi1>, vector<16xf32>
    %jit3A_1197 = arith.constant 9 : i32
    %broadcast_in_dim3A_1198 = vector.broadcast %jit3A_1197 : i32 to vector<16xi32>
    %select_n3A_1199 = arith.select %gt3A_1195, %broadcast_in_dim3A_1198, %select_n3A_1192 : vector<16xi1>, vector<16xi32>
    %get3A_1200 = arith.constant 90 : index
    %get3A_1201 = tpu.vector_load %arg6[%get3A_1200] {strides = array<i32>} : memref<256xf32, #tpu.memory_space<vmem>>, vector<16xf32>,
    %gt3A_1202 = arith.cmpf ogt, %get3A_1201, %select_n3A_1196 : vector<16xf32>
    %select_n3A_1203 = arith.select %gt3A_1202, %get3A_1201, %select_n3A_1196 : vector<16xi1>, vector<16xf32>
    %jit3A_1204 = arith.constant 10 : i32
    %broadcast_in_dim3A_1205 = vector.broadcast %jit3A_1204 : i32 to vector<16xi32>
    %select_n3A_1206 = arith.select %gt3A_1202, %broadcast_in_dim3A_1205, %select_n3A_1199 : vector<16xi1>, vector<16xi32>
    %get3A_1207 = arith.constant 91 : index
    %get3A_1208 = tpu.vector_load %arg6[%get3A_1207] {strides = array<i32>} : memref<256xf32, #tpu.memory_space<vmem>>, vector<16xf32>,
    %gt3A_1209 = arith.cmpf ogt, %get3A_1208, %select_n3A_1203 : vector<16xf32>
    %select_n3A_1210 = arith.select %gt3A_1209, %get3A_1208, %select_n3A_1203 : vector<16xi1>, vector<16xf32>
    %jit3A_1211 = arith.constant 11 : i32
    %broadcast_in_dim3A_1212 = vector.broadcast %jit3A_1211 : i32 to vector<16xi32>
    %select_n3A_1213 = arith.select %gt3A_1209, %broadcast_in_dim3A_1212, %select_n3A_1206 : vector<16xi1>, vector<16xi32>
    %get3A_1214 = arith.constant 92 : index
    %get3A_1215 = tpu.vector_load %arg6[%get3A_1214] {strides = array<i32>} : memref<256xf32, #tpu.memory_space<vmem>>, vector<16xf32>,
    %gt3A_1216 = arith.cmpf ogt, %get3A_1215, %select_n3A_1210 : vector<16xf32>
    %select_n3A_1217 = arith.select %gt3A_1216, %get3A_1215, %select_n3A_1210 : vector<16xi1>, vector<16xf32>
    %jit3A_1218 = arith.constant 12 : i32
    %broadcast_in_dim3A_1219 = vector.broadcast %jit3A_1218 : i32 to vector<16xi32>
    %select_n3A_1220 = arith.select %gt3A_1216, %broadcast_in_dim3A_1219, %select_n3A_1213 : vector<16xi1>, vector<16xi32>
    %get3A_1221 = arith.constant 93 : index
    %get3A_1222 = tpu.vector_load %arg6[%get3A_1221] {strides = array<i32>} : memref<256xf32, #tpu.memory_space<vmem>>, vector<16xf32>,
    %gt3A_1223 = arith.cmpf ogt, %get3A_1222, %select_n3A_1217 : vector<16xf32>
    %select_n3A_1224 = arith.select %gt3A_1223, %get3A_1222, %select_n3A_1217 : vector<16xi1>, vector<16xf32>
    %jit3A_1225 = arith.constant 13 : i32
    %broadcast_in_dim3A_1226 = vector.broadcast %jit3A_1225 : i32 to vector<16xi32>
    %select_n3A_1227 = arith.select %gt3A_1223, %broadcast_in_dim3A_1226, %select_n3A_1220 : vector<16xi1>, vector<16xi32>
    %get3A_1228 = arith.constant 94 : index
    %get3A_1229 = tpu.vector_load %arg6[%get3A_1228] {strides = array<i32>} : memref<256xf32, #tpu.memory_space<vmem>>, vector<16xf32>,
    %gt3A_1230 = arith.cmpf ogt, %get3A_1229, %select_n3A_1224 : vector<16xf32>
    %select_n3A_1231 = arith.select %gt3A_1230, %get3A_1229, %select_n3A_1224 : vector<16xi1>, vector<16xf32>
    %jit3A_1232 = arith.constant 14 : i32
    %broadcast_in_dim3A_1233 = vector.broadcast %jit3A_1232 : i32 to vector<16xi32>
    %select_n3A_1234 = arith.select %gt3A_1230, %broadcast_in_dim3A_1233, %select_n3A_1227 : vector<16xi1>, vector<16xi32>
    %get3A_1235 = arith.constant 95 : index
    %get3A_1236 = tpu.vector_load %arg6[%get3A_1235] {strides = array<i32>} : memref<256xf32, #tpu.memory_space<vmem>>, vector<16xf32>,
    %gt3A_1237 = arith.cmpf ogt, %get3A_1236, %select_n3A_1231 : vector<16xf32>
    %select_n3A_1238 = arith.select %gt3A_1237, %get3A_1236, %select_n3A_1231 : vector<16xi1>, vector<16xf32>
    %jit3A_1239 = arith.constant 15 : i32
    %broadcast_in_dim3A_1240 = vector.broadcast %jit3A_1239 : i32 to vector<16xi32>
    %select_n3A_1241 = arith.select %gt3A_1237, %broadcast_in_dim3A_1240, %select_n3A_1234 : vector<16xi1>, vector<16xi32>
    %get3A_1242 = arith.constant 96 : index
    %get3A_1243 = tpu.vector_load %arg6[%get3A_1242] {strides = array<i32>} : memref<256xf32, #tpu.memory_space<vmem>>, vector<16xf32>,
    %gt3A_1244 = arith.cmpf ogt, %get3A_1243, %select_n3A_1238 : vector<16xf32>
    %select_n3A_1245 = arith.select %gt3A_1244, %get3A_1243, %select_n3A_1238 : vector<16xi1>, vector<16xf32>
    %jit3A_1246 = arith.constant 16 : i32
    %broadcast_in_dim3A_1247 = vector.broadcast %jit3A_1246 : i32 to vector<16xi32>
    %select_n3A_1248 = arith.select %gt3A_1244, %broadcast_in_dim3A_1247, %select_n3A_1241 : vector<16xi1>, vector<16xi32>
    %get3A_1249 = arith.constant 97 : index
    %get3A_1250 = tpu.vector_load %arg6[%get3A_1249] {strides = array<i32>} : memref<256xf32, #tpu.memory_space<vmem>>, vector<16xf32>,
    %gt3A_1251 = arith.cmpf ogt, %get3A_1250, %select_n3A_1245 : vector<16xf32>
    %select_n3A_1252 = arith.select %gt3A_1251, %get3A_1250, %select_n3A_1245 : vector<16xi1>, vector<16xf32>
    %jit3A_1253 = arith.constant 17 : i32
    %broadcast_in_dim3A_1254 = vector.broadcast %jit3A_1253 : i32 to vector<16xi32>
    %select_n3A_1255 = arith.select %gt3A_1251, %broadcast_in_dim3A_1254, %select_n3A_1248 : vector<16xi1>, vector<16xi32>
    %get3A_1256 = arith.constant 98 : index
    %get3A_1257 = tpu.vector_load %arg6[%get3A_1256] {strides = array<i32>} : memref<256xf32, #tpu.memory_space<vmem>>, vector<16xf32>,
    %gt3A_1258 = arith.cmpf ogt, %get3A_1257, %select_n3A_1252 : vector<16xf32>
    %select_n3A_1259 = arith.select %gt3A_1258, %get3A_1257, %select_n3A_1252 : vector<16xi1>, vector<16xf32>
    %jit3A_1260 = arith.constant 18 : i32
    %broadcast_in_dim3A_1261 = vector.broadcast %jit3A_1260 : i32 to vector<16xi32>
    %select_n3A_1262 = arith.select %gt3A_1258, %broadcast_in_dim3A_1261, %select_n3A_1255 : vector<16xi1>, vector<16xi32>
    %get3A_1263 = arith.constant 99 : index
    %get3A_1264 = tpu.vector_load %arg6[%get3A_1263] {strides = array<i32>} : memref<256xf32, #tpu.memory_space<vmem>>, vector<16xf32>,
    %gt3A_1265 = arith.cmpf ogt, %get3A_1264, %select_n3A_1259 : vector<16xf32>
    %select_n3A_1266 = arith.select %gt3A_1265, %get3A_1264, %select_n3A_1259 : vector<16xi1>, vector<16xf32>
    %jit3A_1267 = arith.constant 19 : i32
    %broadcast_in_dim3A_1268 = vector.broadcast %jit3A_1267 : i32 to vector<16xi32>
    %select_n3A_1269 = arith.select %gt3A_1265, %broadcast_in_dim3A_1268, %select_n3A_1262 : vector<16xi1>, vector<16xi32>
    %get3A_1270 = arith.constant 100 : index
    %get3A_1271 = tpu.vector_load %arg6[%get3A_1270] {strides = array<i32>} : memref<256xf32, #tpu.memory_space<vmem>>, vector<16xf32>,
    %gt3A_1272 = arith.cmpf ogt, %get3A_1271, %select_n3A_1266 : vector<16xf32>
    %select_n3A_1273 = arith.select %gt3A_1272, %get3A_1271, %select_n3A_1266 : vector<16xi1>, vector<16xf32>
    %jit3A_1274 = arith.constant 20 : i32
    %broadcast_in_dim3A_1275 = vector.broadcast %jit3A_1274 : i32 to vector<16xi32>
    %select_n3A_1276 = arith.select %gt3A_1272, %broadcast_in_dim3A_1275, %select_n3A_1269 : vector<16xi1>, vector<16xi32>
    %get3A_1277 = arith.constant 101 : index
    %get3A_1278 = tpu.vector_load %arg6[%get3A_1277] {strides = array<i32>} : memref<256xf32, #tpu.memory_space<vmem>>, vector<16xf32>,
    %gt3A_1279 = arith.cmpf ogt, %get3A_1278, %select_n3A_1273 : vector<16xf32>
    %select_n3A_1280 = arith.select %gt3A_1279, %get3A_1278, %select_n3A_1273 : vector<16xi1>, vector<16xf32>
    %jit3A_1281 = arith.constant 21 : i32
    %broadcast_in_dim3A_1282 = vector.broadcast %jit3A_1281 : i32 to vector<16xi32>
    %select_n3A_1283 = arith.select %gt3A_1279, %broadcast_in_dim3A_1282, %select_n3A_1276 : vector<16xi1>, vector<16xi32>
    %get3A_1284 = arith.constant 102 : index
    %get3A_1285 = tpu.vector_load %arg6[%get3A_1284] {strides = array<i32>} : memref<256xf32, #tpu.memory_space<vmem>>, vector<16xf32>,
    %gt3A_1286 = arith.cmpf ogt, %get3A_1285, %select_n3A_1280 : vector<16xf32>
    %select_n3A_1287 = arith.select %gt3A_1286, %get3A_1285, %select_n3A_1280 : vector<16xi1>, vector<16xf32>
    %jit3A_1288 = arith.constant 22 : i32
    %broadcast_in_dim3A_1289 = vector.broadcast %jit3A_1288 : i32 to vector<16xi32>
    %select_n3A_1290 = arith.select %gt3A_1286, %broadcast_in_dim3A_1289, %select_n3A_1283 : vector<16xi1>, vector<16xi32>
    %get3A_1291 = arith.constant 103 : index
    %get3A_1292 = tpu.vector_load %arg6[%get3A_1291] {strides = array<i32>} : memref<256xf32, #tpu.memory_space<vmem>>, vector<16xf32>,
    %gt3A_1293 = arith.cmpf ogt, %get3A_1292, %select_n3A_1287 : vector<16xf32>
    %select_n3A_1294 = arith.select %gt3A_1293, %get3A_1292, %select_n3A_1287 : vector<16xi1>, vector<16xf32>
    %jit3A_1295 = arith.constant 23 : i32
    %broadcast_in_dim3A_1296 = vector.broadcast %jit3A_1295 : i32 to vector<16xi32>
    %select_n3A_1297 = arith.select %gt3A_1293, %broadcast_in_dim3A_1296, %select_n3A_1290 : vector<16xi1>, vector<16xi32>
    %get3A_1298 = arith.constant 104 : index
    %get3A_1299 = tpu.vector_load %arg6[%get3A_1298] {strides = array<i32>} : memref<256xf32, #tpu.memory_space<vmem>>, vector<16xf32>,
    %gt3A_1300 = arith.cmpf ogt, %get3A_1299, %select_n3A_1294 : vector<16xf32>
    %select_n3A_1301 = arith.select %gt3A_1300, %get3A_1299, %select_n3A_1294 : vector<16xi1>, vector<16xf32>
    %jit3A_1302 = arith.constant 24 : i32
    %broadcast_in_dim3A_1303 = vector.broadcast %jit3A_1302 : i32 to vector<16xi32>
    %select_n3A_1304 = arith.select %gt3A_1300, %broadcast_in_dim3A_1303, %select_n3A_1297 : vector<16xi1>, vector<16xi32>
    %get3A_1305 = arith.constant 105 : index
    %get3A_1306 = tpu.vector_load %arg6[%get3A_1305] {strides = array<i32>} : memref<256xf32, #tpu.memory_space<vmem>>, vector<16xf32>,
    %gt3A_1307 = arith.cmpf ogt, %get3A_1306, %select_n3A_1301 : vector<16xf32>
    %select_n3A_1308 = arith.select %gt3A_1307, %get3A_1306, %select_n3A_1301 : vector<16xi1>, vector<16xf32>
    %jit3A_1309 = arith.constant 25 : i32
    %broadcast_in_dim3A_1310 = vector.broadcast %jit3A_1309 : i32 to vector<16xi32>
    %select_n3A_1311 = arith.select %gt3A_1307, %broadcast_in_dim3A_1310, %select_n3A_1304 : vector<16xi1>, vector<16xi32>
    %get3A_1312 = arith.constant 106 : index
    %get3A_1313 = tpu.vector_load %arg6[%get3A_1312] {strides = array<i32>} : memref<256xf32, #tpu.memory_space<vmem>>, vector<16xf32>,
    %gt3A_1314 = arith.cmpf ogt, %get3A_1313, %select_n3A_1308 : vector<16xf32>
    %select_n3A_1315 = arith.select %gt3A_1314, %get3A_1313, %select_n3A_1308 : vector<16xi1>, vector<16xf32>
    %jit3A_1316 = arith.constant 26 : i32
    %broadcast_in_dim3A_1317 = vector.broadcast %jit3A_1316 : i32 to vector<16xi32>
    %select_n3A_1318 = arith.select %gt3A_1314, %broadcast_in_dim3A_1317, %select_n3A_1311 : vector<16xi1>, vector<16xi32>
    %get3A_1319 = arith.constant 107 : index
    %get3A_1320 = tpu.vector_load %arg6[%get3A_1319] {strides = array<i32>} : memref<256xf32, #tpu.memory_space<vmem>>, vector<16xf32>,
    %gt3A_1321 = arith.cmpf ogt, %get3A_1320, %select_n3A_1315 : vector<16xf32>
    %select_n3A_1322 = arith.select %gt3A_1321, %get3A_1320, %select_n3A_1315 : vector<16xi1>, vector<16xf32>
    %jit3A_1323 = arith.constant 27 : i32
    %broadcast_in_dim3A_1324 = vector.broadcast %jit3A_1323 : i32 to vector<16xi32>
    %select_n3A_1325 = arith.select %gt3A_1321, %broadcast_in_dim3A_1324, %select_n3A_1318 : vector<16xi1>, vector<16xi32>
    %get3A_1326 = arith.constant 108 : index
    %get3A_1327 = tpu.vector_load %arg6[%get3A_1326] {strides = array<i32>} : memref<256xf32, #tpu.memory_space<vmem>>, vector<16xf32>,
    %gt3A_1328 = arith.cmpf ogt, %get3A_1327, %select_n3A_1322 : vector<16xf32>
    %select_n3A_1329 = arith.select %gt3A_1328, %get3A_1327, %select_n3A_1322 : vector<16xi1>, vector<16xf32>
    %jit3A_1330 = arith.constant 28 : i32
    %broadcast_in_dim3A_1331 = vector.broadcast %jit3A_1330 : i32 to vector<16xi32>
    %select_n3A_1332 = arith.select %gt3A_1328, %broadcast_in_dim3A_1331, %select_n3A_1325 : vector<16xi1>, vector<16xi32>
    %get3A_1333 = arith.constant 109 : index
    %get3A_1334 = tpu.vector_load %arg6[%get3A_1333] {strides = array<i32>} : memref<256xf32, #tpu.memory_space<vmem>>, vector<16xf32>,
    %gt3A_1335 = arith.cmpf ogt, %get3A_1334, %select_n3A_1329 : vector<16xf32>
    %select_n3A_1336 = arith.select %gt3A_1335, %get3A_1334, %select_n3A_1329 : vector<16xi1>, vector<16xf32>
    %jit3A_1337 = arith.constant 29 : i32
    %broadcast_in_dim3A_1338 = vector.broadcast %jit3A_1337 : i32 to vector<16xi32>
    %select_n3A_1339 = arith.select %gt3A_1335, %broadcast_in_dim3A_1338, %select_n3A_1332 : vector<16xi1>, vector<16xi32>
    %add3A_1340 = arith.addf %get3A_1132, %select_n3A_1336 : vector<16xf32>
    %add3A_1341 = arith.constant 80 : i32
    %add3A_1342 = arith.addi %mul3A_0, %add3A_1341 : i32
    %add3A_1343 = vector.broadcast %add3A_1342 : i32 to vector<16xi32>
    %add3A_1344 = arith.addi %iota3A, %add3A_1343 : vector<16xi32>
    %mul3A_1345 = arith.constant 2048 : i32
    %mul3A_1346 = vector.broadcast %mul3A_1345 : i32 to vector<16xi32>
    %mul3A_1347 = arith.muli %add3A_1344, %mul3A_1346 : vector<16xi32>
    %add3A_1348 = arith.addi %add3A_1344, %select_n3A_1339 : vector<16xi32>
    %add3A_1349 = arith.addi %mul3A_1347, %add3A_1348 : vector<16xi32>
    %gt3A_1350 = arith.cmpf ogt, %add3A_1340, %select_n3A_1129 : vector<16xf32>
    %select_n3A_1351 = arith.select %gt3A_1350, %add3A_1340, %select_n3A_1129 : vector<16xi1>, vector<16xf32>
    %select_n3A_1352 = arith.select %gt3A_1350, %add3A_1349, %select_n3A_1130 : vector<16xi1>, vector<16xi32>
    %get3A_1353 = arith.constant 96 : index
    %get3A_1354 = tpu.vector_load %arg5[%get3A_1353] {strides = array<i32>} : memref<128xf32, #tpu.memory_space<vmem>>, vector<16xf32>,
    %get3A_1355 = arith.constant 96 : index
    %get3A_1356 = tpu.vector_load %arg6[%get3A_1355] {strides = array<i32>} : memref<256xf32, #tpu.memory_space<vmem>>, vector<16xf32>,
    %broadcast_in_dim3A_1357 = arith.constant 0 : i32
    %broadcast_in_dim3A_1358 = vector.broadcast %broadcast_in_dim3A_1357 : i32 to vector<16xi32>
    %get3A_1359 = arith.constant 97 : index
    %get3A_1360 = tpu.vector_load %arg6[%get3A_1359] {strides = array<i32>} : memref<256xf32, #tpu.memory_space<vmem>>, vector<16xf32>,
    %gt3A_1361 = arith.cmpf ogt, %get3A_1360, %get3A_1356 : vector<16xf32>
    %select_n3A_1362 = arith.select %gt3A_1361, %get3A_1360, %get3A_1356 : vector<16xi1>, vector<16xf32>
    %jit3A_1363 = arith.constant 1 : i32
    %broadcast_in_dim3A_1364 = vector.broadcast %jit3A_1363 : i32 to vector<16xi32>
    %select_n3A_1365 = arith.select %gt3A_1361, %broadcast_in_dim3A_1364, %broadcast_in_dim3A_1358 : vector<16xi1>, vector<16xi32>
    %get3A_1366 = arith.constant 98 : index
    %get3A_1367 = tpu.vector_load %arg6[%get3A_1366] {strides = array<i32>} : memref<256xf32, #tpu.memory_space<vmem>>, vector<16xf32>,
    %gt3A_1368 = arith.cmpf ogt, %get3A_1367, %select_n3A_1362 : vector<16xf32>
    %select_n3A_1369 = arith.select %gt3A_1368, %get3A_1367, %select_n3A_1362 : vector<16xi1>, vector<16xf32>
    %jit3A_1370 = arith.constant 2 : i32
    %broadcast_in_dim3A_1371 = vector.broadcast %jit3A_1370 : i32 to vector<16xi32>
    %select_n3A_1372 = arith.select %gt3A_1368, %broadcast_in_dim3A_1371, %select_n3A_1365 : vector<16xi1>, vector<16xi32>
    %get3A_1373 = arith.constant 99 : index
    %get3A_1374 = tpu.vector_load %arg6[%get3A_1373] {strides = array<i32>} : memref<256xf32, #tpu.memory_space<vmem>>, vector<16xf32>,
    %gt3A_1375 = arith.cmpf ogt, %get3A_1374, %select_n3A_1369 : vector<16xf32>
    %select_n3A_1376 = arith.select %gt3A_1375, %get3A_1374, %select_n3A_1369 : vector<16xi1>, vector<16xf32>
    %jit3A_1377 = arith.constant 3 : i32
    %broadcast_in_dim3A_1378 = vector.broadcast %jit3A_1377 : i32 to vector<16xi32>
    %select_n3A_1379 = arith.select %gt3A_1375, %broadcast_in_dim3A_1378, %select_n3A_1372 : vector<16xi1>, vector<16xi32>
    %get3A_1380 = arith.constant 100 : index
    %get3A_1381 = tpu.vector_load %arg6[%get3A_1380] {strides = array<i32>} : memref<256xf32, #tpu.memory_space<vmem>>, vector<16xf32>,
    %gt3A_1382 = arith.cmpf ogt, %get3A_1381, %select_n3A_1376 : vector<16xf32>
    %select_n3A_1383 = arith.select %gt3A_1382, %get3A_1381, %select_n3A_1376 : vector<16xi1>, vector<16xf32>
    %jit3A_1384 = arith.constant 4 : i32
    %broadcast_in_dim3A_1385 = vector.broadcast %jit3A_1384 : i32 to vector<16xi32>
    %select_n3A_1386 = arith.select %gt3A_1382, %broadcast_in_dim3A_1385, %select_n3A_1379 : vector<16xi1>, vector<16xi32>
    %get3A_1387 = arith.constant 101 : index
    %get3A_1388 = tpu.vector_load %arg6[%get3A_1387] {strides = array<i32>} : memref<256xf32, #tpu.memory_space<vmem>>, vector<16xf32>,
    %gt3A_1389 = arith.cmpf ogt, %get3A_1388, %select_n3A_1383 : vector<16xf32>
    %select_n3A_1390 = arith.select %gt3A_1389, %get3A_1388, %select_n3A_1383 : vector<16xi1>, vector<16xf32>
    %jit3A_1391 = arith.constant 5 : i32
    %broadcast_in_dim3A_1392 = vector.broadcast %jit3A_1391 : i32 to vector<16xi32>
    %select_n3A_1393 = arith.select %gt3A_1389, %broadcast_in_dim3A_1392, %select_n3A_1386 : vector<16xi1>, vector<16xi32>
    %get3A_1394 = arith.constant 102 : index
    %get3A_1395 = tpu.vector_load %arg6[%get3A_1394] {strides = array<i32>} : memref<256xf32, #tpu.memory_space<vmem>>, vector<16xf32>,
    %gt3A_1396 = arith.cmpf ogt, %get3A_1395, %select_n3A_1390 : vector<16xf32>
    %select_n3A_1397 = arith.select %gt3A_1396, %get3A_1395, %select_n3A_1390 : vector<16xi1>, vector<16xf32>
    %jit3A_1398 = arith.constant 6 : i32
    %broadcast_in_dim3A_1399 = vector.broadcast %jit3A_1398 : i32 to vector<16xi32>
    %select_n3A_1400 = arith.select %gt3A_1396, %broadcast_in_dim3A_1399, %select_n3A_1393 : vector<16xi1>, vector<16xi32>
    %get3A_1401 = arith.constant 103 : index
    %get3A_1402 = tpu.vector_load %arg6[%get3A_1401] {strides = array<i32>} : memref<256xf32, #tpu.memory_space<vmem>>, vector<16xf32>,
    %gt3A_1403 = arith.cmpf ogt, %get3A_1402, %select_n3A_1397 : vector<16xf32>
    %select_n3A_1404 = arith.select %gt3A_1403, %get3A_1402, %select_n3A_1397 : vector<16xi1>, vector<16xf32>
    %jit3A_1405 = arith.constant 7 : i32
    %broadcast_in_dim3A_1406 = vector.broadcast %jit3A_1405 : i32 to vector<16xi32>
    %select_n3A_1407 = arith.select %gt3A_1403, %broadcast_in_dim3A_1406, %select_n3A_1400 : vector<16xi1>, vector<16xi32>
    %get3A_1408 = arith.constant 104 : index
    %get3A_1409 = tpu.vector_load %arg6[%get3A_1408] {strides = array<i32>} : memref<256xf32, #tpu.memory_space<vmem>>, vector<16xf32>,
    %gt3A_1410 = arith.cmpf ogt, %get3A_1409, %select_n3A_1404 : vector<16xf32>
    %select_n3A_1411 = arith.select %gt3A_1410, %get3A_1409, %select_n3A_1404 : vector<16xi1>, vector<16xf32>
    %jit3A_1412 = arith.constant 8 : i32
    %broadcast_in_dim3A_1413 = vector.broadcast %jit3A_1412 : i32 to vector<16xi32>
    %select_n3A_1414 = arith.select %gt3A_1410, %broadcast_in_dim3A_1413, %select_n3A_1407 : vector<16xi1>, vector<16xi32>
    %get3A_1415 = arith.constant 105 : index
    %get3A_1416 = tpu.vector_load %arg6[%get3A_1415] {strides = array<i32>} : memref<256xf32, #tpu.memory_space<vmem>>, vector<16xf32>,
    %gt3A_1417 = arith.cmpf ogt, %get3A_1416, %select_n3A_1411 : vector<16xf32>
    %select_n3A_1418 = arith.select %gt3A_1417, %get3A_1416, %select_n3A_1411 : vector<16xi1>, vector<16xf32>
    %jit3A_1419 = arith.constant 9 : i32
    %broadcast_in_dim3A_1420 = vector.broadcast %jit3A_1419 : i32 to vector<16xi32>
    %select_n3A_1421 = arith.select %gt3A_1417, %broadcast_in_dim3A_1420, %select_n3A_1414 : vector<16xi1>, vector<16xi32>
    %get3A_1422 = arith.constant 106 : index
    %get3A_1423 = tpu.vector_load %arg6[%get3A_1422] {strides = array<i32>} : memref<256xf32, #tpu.memory_space<vmem>>, vector<16xf32>,
    %gt3A_1424 = arith.cmpf ogt, %get3A_1423, %select_n3A_1418 : vector<16xf32>
    %select_n3A_1425 = arith.select %gt3A_1424, %get3A_1423, %select_n3A_1418 : vector<16xi1>, vector<16xf32>
    %jit3A_1426 = arith.constant 10 : i32
    %broadcast_in_dim3A_1427 = vector.broadcast %jit3A_1426 : i32 to vector<16xi32>
    %select_n3A_1428 = arith.select %gt3A_1424, %broadcast_in_dim3A_1427, %select_n3A_1421 : vector<16xi1>, vector<16xi32>
    %get3A_1429 = arith.constant 107 : index
    %get3A_1430 = tpu.vector_load %arg6[%get3A_1429] {strides = array<i32>} : memref<256xf32, #tpu.memory_space<vmem>>, vector<16xf32>,
    %gt3A_1431 = arith.cmpf ogt, %get3A_1430, %select_n3A_1425 : vector<16xf32>
    %select_n3A_1432 = arith.select %gt3A_1431, %get3A_1430, %select_n3A_1425 : vector<16xi1>, vector<16xf32>
    %jit3A_1433 = arith.constant 11 : i32
    %broadcast_in_dim3A_1434 = vector.broadcast %jit3A_1433 : i32 to vector<16xi32>
    %select_n3A_1435 = arith.select %gt3A_1431, %broadcast_in_dim3A_1434, %select_n3A_1428 : vector<16xi1>, vector<16xi32>
    %get3A_1436 = arith.constant 108 : index
    %get3A_1437 = tpu.vector_load %arg6[%get3A_1436] {strides = array<i32>} : memref<256xf32, #tpu.memory_space<vmem>>, vector<16xf32>,
    %gt3A_1438 = arith.cmpf ogt, %get3A_1437, %select_n3A_1432 : vector<16xf32>
    %select_n3A_1439 = arith.select %gt3A_1438, %get3A_1437, %select_n3A_1432 : vector<16xi1>, vector<16xf32>
    %jit3A_1440 = arith.constant 12 : i32
    %broadcast_in_dim3A_1441 = vector.broadcast %jit3A_1440 : i32 to vector<16xi32>
    %select_n3A_1442 = arith.select %gt3A_1438, %broadcast_in_dim3A_1441, %select_n3A_1435 : vector<16xi1>, vector<16xi32>
    %get3A_1443 = arith.constant 109 : index
    %get3A_1444 = tpu.vector_load %arg6[%get3A_1443] {strides = array<i32>} : memref<256xf32, #tpu.memory_space<vmem>>, vector<16xf32>,
    %gt3A_1445 = arith.cmpf ogt, %get3A_1444, %select_n3A_1439 : vector<16xf32>
    %select_n3A_1446 = arith.select %gt3A_1445, %get3A_1444, %select_n3A_1439 : vector<16xi1>, vector<16xf32>
    %jit3A_1447 = arith.constant 13 : i32
    %broadcast_in_dim3A_1448 = vector.broadcast %jit3A_1447 : i32 to vector<16xi32>
    %select_n3A_1449 = arith.select %gt3A_1445, %broadcast_in_dim3A_1448, %select_n3A_1442 : vector<16xi1>, vector<16xi32>
    %get3A_1450 = arith.constant 110 : index
    %get3A_1451 = tpu.vector_load %arg6[%get3A_1450] {strides = array<i32>} : memref<256xf32, #tpu.memory_space<vmem>>, vector<16xf32>,
    %gt3A_1452 = arith.cmpf ogt, %get3A_1451, %select_n3A_1446 : vector<16xf32>
    %select_n3A_1453 = arith.select %gt3A_1452, %get3A_1451, %select_n3A_1446 : vector<16xi1>, vector<16xf32>
    %jit3A_1454 = arith.constant 14 : i32
    %broadcast_in_dim3A_1455 = vector.broadcast %jit3A_1454 : i32 to vector<16xi32>
    %select_n3A_1456 = arith.select %gt3A_1452, %broadcast_in_dim3A_1455, %select_n3A_1449 : vector<16xi1>, vector<16xi32>
    %get3A_1457 = arith.constant 111 : index
    %get3A_1458 = tpu.vector_load %arg6[%get3A_1457] {strides = array<i32>} : memref<256xf32, #tpu.memory_space<vmem>>, vector<16xf32>,
    %gt3A_1459 = arith.cmpf ogt, %get3A_1458, %select_n3A_1453 : vector<16xf32>
    %select_n3A_1460 = arith.select %gt3A_1459, %get3A_1458, %select_n3A_1453 : vector<16xi1>, vector<16xf32>
    %jit3A_1461 = arith.constant 15 : i32
    %broadcast_in_dim3A_1462 = vector.broadcast %jit3A_1461 : i32 to vector<16xi32>
    %select_n3A_1463 = arith.select %gt3A_1459, %broadcast_in_dim3A_1462, %select_n3A_1456 : vector<16xi1>, vector<16xi32>
    %get3A_1464 = arith.constant 112 : index
    %get3A_1465 = tpu.vector_load %arg6[%get3A_1464] {strides = array<i32>} : memref<256xf32, #tpu.memory_space<vmem>>, vector<16xf32>,
    %gt3A_1466 = arith.cmpf ogt, %get3A_1465, %select_n3A_1460 : vector<16xf32>
    %select_n3A_1467 = arith.select %gt3A_1466, %get3A_1465, %select_n3A_1460 : vector<16xi1>, vector<16xf32>
    %jit3A_1468 = arith.constant 16 : i32
    %broadcast_in_dim3A_1469 = vector.broadcast %jit3A_1468 : i32 to vector<16xi32>
    %select_n3A_1470 = arith.select %gt3A_1466, %broadcast_in_dim3A_1469, %select_n3A_1463 : vector<16xi1>, vector<16xi32>
    %get3A_1471 = arith.constant 113 : index
    %get3A_1472 = tpu.vector_load %arg6[%get3A_1471] {strides = array<i32>} : memref<256xf32, #tpu.memory_space<vmem>>, vector<16xf32>,
    %gt3A_1473 = arith.cmpf ogt, %get3A_1472, %select_n3A_1467 : vector<16xf32>
    %select_n3A_1474 = arith.select %gt3A_1473, %get3A_1472, %select_n3A_1467 : vector<16xi1>, vector<16xf32>
    %jit3A_1475 = arith.constant 17 : i32
    %broadcast_in_dim3A_1476 = vector.broadcast %jit3A_1475 : i32 to vector<16xi32>
    %select_n3A_1477 = arith.select %gt3A_1473, %broadcast_in_dim3A_1476, %select_n3A_1470 : vector<16xi1>, vector<16xi32>
    %get3A_1478 = arith.constant 114 : index
    %get3A_1479 = tpu.vector_load %arg6[%get3A_1478] {strides = array<i32>} : memref<256xf32, #tpu.memory_space<vmem>>, vector<16xf32>,
    %gt3A_1480 = arith.cmpf ogt, %get3A_1479, %select_n3A_1474 : vector<16xf32>
    %select_n3A_1481 = arith.select %gt3A_1480, %get3A_1479, %select_n3A_1474 : vector<16xi1>, vector<16xf32>
    %jit3A_1482 = arith.constant 18 : i32
    %broadcast_in_dim3A_1483 = vector.broadcast %jit3A_1482 : i32 to vector<16xi32>
    %select_n3A_1484 = arith.select %gt3A_1480, %broadcast_in_dim3A_1483, %select_n3A_1477 : vector<16xi1>, vector<16xi32>
    %get3A_1485 = arith.constant 115 : index
    %get3A_1486 = tpu.vector_load %arg6[%get3A_1485] {strides = array<i32>} : memref<256xf32, #tpu.memory_space<vmem>>, vector<16xf32>,
    %gt3A_1487 = arith.cmpf ogt, %get3A_1486, %select_n3A_1481 : vector<16xf32>
    %select_n3A_1488 = arith.select %gt3A_1487, %get3A_1486, %select_n3A_1481 : vector<16xi1>, vector<16xf32>
    %jit3A_1489 = arith.constant 19 : i32
    %broadcast_in_dim3A_1490 = vector.broadcast %jit3A_1489 : i32 to vector<16xi32>
    %select_n3A_1491 = arith.select %gt3A_1487, %broadcast_in_dim3A_1490, %select_n3A_1484 : vector<16xi1>, vector<16xi32>
    %get3A_1492 = arith.constant 116 : index
    %get3A_1493 = tpu.vector_load %arg6[%get3A_1492] {strides = array<i32>} : memref<256xf32, #tpu.memory_space<vmem>>, vector<16xf32>,
    %gt3A_1494 = arith.cmpf ogt, %get3A_1493, %select_n3A_1488 : vector<16xf32>
    %select_n3A_1495 = arith.select %gt3A_1494, %get3A_1493, %select_n3A_1488 : vector<16xi1>, vector<16xf32>
    %jit3A_1496 = arith.constant 20 : i32
    %broadcast_in_dim3A_1497 = vector.broadcast %jit3A_1496 : i32 to vector<16xi32>
    %select_n3A_1498 = arith.select %gt3A_1494, %broadcast_in_dim3A_1497, %select_n3A_1491 : vector<16xi1>, vector<16xi32>
    %get3A_1499 = arith.constant 117 : index
    %get3A_1500 = tpu.vector_load %arg6[%get3A_1499] {strides = array<i32>} : memref<256xf32, #tpu.memory_space<vmem>>, vector<16xf32>,
    %gt3A_1501 = arith.cmpf ogt, %get3A_1500, %select_n3A_1495 : vector<16xf32>
    %select_n3A_1502 = arith.select %gt3A_1501, %get3A_1500, %select_n3A_1495 : vector<16xi1>, vector<16xf32>
    %jit3A_1503 = arith.constant 21 : i32
    %broadcast_in_dim3A_1504 = vector.broadcast %jit3A_1503 : i32 to vector<16xi32>
    %select_n3A_1505 = arith.select %gt3A_1501, %broadcast_in_dim3A_1504, %select_n3A_1498 : vector<16xi1>, vector<16xi32>
    %get3A_1506 = arith.constant 118 : index
    %get3A_1507 = tpu.vector_load %arg6[%get3A_1506] {strides = array<i32>} : memref<256xf32, #tpu.memory_space<vmem>>, vector<16xf32>,
    %gt3A_1508 = arith.cmpf ogt, %get3A_1507, %select_n3A_1502 : vector<16xf32>
    %select_n3A_1509 = arith.select %gt3A_1508, %get3A_1507, %select_n3A_1502 : vector<16xi1>, vector<16xf32>
    %jit3A_1510 = arith.constant 22 : i32
    %broadcast_in_dim3A_1511 = vector.broadcast %jit3A_1510 : i32 to vector<16xi32>
    %select_n3A_1512 = arith.select %gt3A_1508, %broadcast_in_dim3A_1511, %select_n3A_1505 : vector<16xi1>, vector<16xi32>
    %get3A_1513 = arith.constant 119 : index
    %get3A_1514 = tpu.vector_load %arg6[%get3A_1513] {strides = array<i32>} : memref<256xf32, #tpu.memory_space<vmem>>, vector<16xf32>,
    %gt3A_1515 = arith.cmpf ogt, %get3A_1514, %select_n3A_1509 : vector<16xf32>
    %select_n3A_1516 = arith.select %gt3A_1515, %get3A_1514, %select_n3A_1509 : vector<16xi1>, vector<16xf32>
    %jit3A_1517 = arith.constant 23 : i32
    %broadcast_in_dim3A_1518 = vector.broadcast %jit3A_1517 : i32 to vector<16xi32>
    %select_n3A_1519 = arith.select %gt3A_1515, %broadcast_in_dim3A_1518, %select_n3A_1512 : vector<16xi1>, vector<16xi32>
    %get3A_1520 = arith.constant 120 : index
    %get3A_1521 = tpu.vector_load %arg6[%get3A_1520] {strides = array<i32>} : memref<256xf32, #tpu.memory_space<vmem>>, vector<16xf32>,
    %gt3A_1522 = arith.cmpf ogt, %get3A_1521, %select_n3A_1516 : vector<16xf32>
    %select_n3A_1523 = arith.select %gt3A_1522, %get3A_1521, %select_n3A_1516 : vector<16xi1>, vector<16xf32>
    %jit3A_1524 = arith.constant 24 : i32
    %broadcast_in_dim3A_1525 = vector.broadcast %jit3A_1524 : i32 to vector<16xi32>
    %select_n3A_1526 = arith.select %gt3A_1522, %broadcast_in_dim3A_1525, %select_n3A_1519 : vector<16xi1>, vector<16xi32>
    %get3A_1527 = arith.constant 121 : index
    %get3A_1528 = tpu.vector_load %arg6[%get3A_1527] {strides = array<i32>} : memref<256xf32, #tpu.memory_space<vmem>>, vector<16xf32>,
    %gt3A_1529 = arith.cmpf ogt, %get3A_1528, %select_n3A_1523 : vector<16xf32>
    %select_n3A_1530 = arith.select %gt3A_1529, %get3A_1528, %select_n3A_1523 : vector<16xi1>, vector<16xf32>
    %jit3A_1531 = arith.constant 25 : i32
    %broadcast_in_dim3A_1532 = vector.broadcast %jit3A_1531 : i32 to vector<16xi32>
    %select_n3A_1533 = arith.select %gt3A_1529, %broadcast_in_dim3A_1532, %select_n3A_1526 : vector<16xi1>, vector<16xi32>
    %get3A_1534 = arith.constant 122 : index
    %get3A_1535 = tpu.vector_load %arg6[%get3A_1534] {strides = array<i32>} : memref<256xf32, #tpu.memory_space<vmem>>, vector<16xf32>,
    %gt3A_1536 = arith.cmpf ogt, %get3A_1535, %select_n3A_1530 : vector<16xf32>
    %select_n3A_1537 = arith.select %gt3A_1536, %get3A_1535, %select_n3A_1530 : vector<16xi1>, vector<16xf32>
    %jit3A_1538 = arith.constant 26 : i32
    %broadcast_in_dim3A_1539 = vector.broadcast %jit3A_1538 : i32 to vector<16xi32>
    %select_n3A_1540 = arith.select %gt3A_1536, %broadcast_in_dim3A_1539, %select_n3A_1533 : vector<16xi1>, vector<16xi32>
    %get3A_1541 = arith.constant 123 : index
    %get3A_1542 = tpu.vector_load %arg6[%get3A_1541] {strides = array<i32>} : memref<256xf32, #tpu.memory_space<vmem>>, vector<16xf32>,
    %gt3A_1543 = arith.cmpf ogt, %get3A_1542, %select_n3A_1537 : vector<16xf32>
    %select_n3A_1544 = arith.select %gt3A_1543, %get3A_1542, %select_n3A_1537 : vector<16xi1>, vector<16xf32>
    %jit3A_1545 = arith.constant 27 : i32
    %broadcast_in_dim3A_1546 = vector.broadcast %jit3A_1545 : i32 to vector<16xi32>
    %select_n3A_1547 = arith.select %gt3A_1543, %broadcast_in_dim3A_1546, %select_n3A_1540 : vector<16xi1>, vector<16xi32>
    %get3A_1548 = arith.constant 124 : index
    %get3A_1549 = tpu.vector_load %arg6[%get3A_1548] {strides = array<i32>} : memref<256xf32, #tpu.memory_space<vmem>>, vector<16xf32>,
    %gt3A_1550 = arith.cmpf ogt, %get3A_1549, %select_n3A_1544 : vector<16xf32>
    %select_n3A_1551 = arith.select %gt3A_1550, %get3A_1549, %select_n3A_1544 : vector<16xi1>, vector<16xf32>
    %jit3A_1552 = arith.constant 28 : i32
    %broadcast_in_dim3A_1553 = vector.broadcast %jit3A_1552 : i32 to vector<16xi32>
    %select_n3A_1554 = arith.select %gt3A_1550, %broadcast_in_dim3A_1553, %select_n3A_1547 : vector<16xi1>, vector<16xi32>
    %get3A_1555 = arith.constant 125 : index
    %get3A_1556 = tpu.vector_load %arg6[%get3A_1555] {strides = array<i32>} : memref<256xf32, #tpu.memory_space<vmem>>, vector<16xf32>,
    %gt3A_1557 = arith.cmpf ogt, %get3A_1556, %select_n3A_1551 : vector<16xf32>
    %select_n3A_1558 = arith.select %gt3A_1557, %get3A_1556, %select_n3A_1551 : vector<16xi1>, vector<16xf32>
    %jit3A_1559 = arith.constant 29 : i32
    %broadcast_in_dim3A_1560 = vector.broadcast %jit3A_1559 : i32 to vector<16xi32>
    %select_n3A_1561 = arith.select %gt3A_1557, %broadcast_in_dim3A_1560, %select_n3A_1554 : vector<16xi1>, vector<16xi32>
    %add3A_1562 = arith.addf %get3A_1354, %select_n3A_1558 : vector<16xf32>
    %add3A_1563 = arith.constant 96 : i32
    %add3A_1564 = arith.addi %mul3A_0, %add3A_1563 : i32
    %add3A_1565 = vector.broadcast %add3A_1564 : i32 to vector<16xi32>
    %add3A_1566 = arith.addi %iota3A, %add3A_1565 : vector<16xi32>
    %mul3A_1567 = arith.constant 2048 : i32
    %mul3A_1568 = vector.broadcast %mul3A_1567 : i32 to vector<16xi32>
    %mul3A_1569 = arith.muli %add3A_1566, %mul3A_1568 : vector<16xi32>
    %add3A_1570 = arith.addi %add3A_1566, %select_n3A_1561 : vector<16xi32>
    %add3A_1571 = arith.addi %mul3A_1569, %add3A_1570 : vector<16xi32>
    %gt3A_1572 = arith.cmpf ogt, %add3A_1562, %select_n3A_1351 : vector<16xf32>
    %select_n3A_1573 = arith.select %gt3A_1572, %add3A_1562, %select_n3A_1351 : vector<16xi1>, vector<16xf32>
    %select_n3A_1574 = arith.select %gt3A_1572, %add3A_1571, %select_n3A_1352 : vector<16xi1>, vector<16xi32>
    %get3A_1575 = arith.constant 112 : index
    %get3A_1576 = tpu.vector_load %arg5[%get3A_1575] {strides = array<i32>} : memref<128xf32, #tpu.memory_space<vmem>>, vector<16xf32>,
    %get3A_1577 = arith.constant 112 : index
    %get3A_1578 = tpu.vector_load %arg6[%get3A_1577] {strides = array<i32>} : memref<256xf32, #tpu.memory_space<vmem>>, vector<16xf32>,
    %broadcast_in_dim3A_1579 = arith.constant 0 : i32
    %broadcast_in_dim3A_1580 = vector.broadcast %broadcast_in_dim3A_1579 : i32 to vector<16xi32>
    %get3A_1581 = arith.constant 113 : index
    %get3A_1582 = tpu.vector_load %arg6[%get3A_1581] {strides = array<i32>} : memref<256xf32, #tpu.memory_space<vmem>>, vector<16xf32>,
    %gt3A_1583 = arith.cmpf ogt, %get3A_1582, %get3A_1578 : vector<16xf32>
    %select_n3A_1584 = arith.select %gt3A_1583, %get3A_1582, %get3A_1578 : vector<16xi1>, vector<16xf32>
    %jit3A_1585 = arith.constant 1 : i32
    %broadcast_in_dim3A_1586 = vector.broadcast %jit3A_1585 : i32 to vector<16xi32>
    %select_n3A_1587 = arith.select %gt3A_1583, %broadcast_in_dim3A_1586, %broadcast_in_dim3A_1580 : vector<16xi1>, vector<16xi32>
    %get3A_1588 = arith.constant 114 : index
    %get3A_1589 = tpu.vector_load %arg6[%get3A_1588] {strides = array<i32>} : memref<256xf32, #tpu.memory_space<vmem>>, vector<16xf32>,
    %gt3A_1590 = arith.cmpf ogt, %get3A_1589, %select_n3A_1584 : vector<16xf32>
    %select_n3A_1591 = arith.select %gt3A_1590, %get3A_1589, %select_n3A_1584 : vector<16xi1>, vector<16xf32>
    %jit3A_1592 = arith.constant 2 : i32
    %broadcast_in_dim3A_1593 = vector.broadcast %jit3A_1592 : i32 to vector<16xi32>
    %select_n3A_1594 = arith.select %gt3A_1590, %broadcast_in_dim3A_1593, %select_n3A_1587 : vector<16xi1>, vector<16xi32>
    %get3A_1595 = arith.constant 115 : index
    %get3A_1596 = tpu.vector_load %arg6[%get3A_1595] {strides = array<i32>} : memref<256xf32, #tpu.memory_space<vmem>>, vector<16xf32>,
    %gt3A_1597 = arith.cmpf ogt, %get3A_1596, %select_n3A_1591 : vector<16xf32>
    %select_n3A_1598 = arith.select %gt3A_1597, %get3A_1596, %select_n3A_1591 : vector<16xi1>, vector<16xf32>
    %jit3A_1599 = arith.constant 3 : i32
    %broadcast_in_dim3A_1600 = vector.broadcast %jit3A_1599 : i32 to vector<16xi32>
    %select_n3A_1601 = arith.select %gt3A_1597, %broadcast_in_dim3A_1600, %select_n3A_1594 : vector<16xi1>, vector<16xi32>
    %get3A_1602 = arith.constant 116 : index
    %get3A_1603 = tpu.vector_load %arg6[%get3A_1602] {strides = array<i32>} : memref<256xf32, #tpu.memory_space<vmem>>, vector<16xf32>,
    %gt3A_1604 = arith.cmpf ogt, %get3A_1603, %select_n3A_1598 : vector<16xf32>
    %select_n3A_1605 = arith.select %gt3A_1604, %get3A_1603, %select_n3A_1598 : vector<16xi1>, vector<16xf32>
    %jit3A_1606 = arith.constant 4 : i32
    %broadcast_in_dim3A_1607 = vector.broadcast %jit3A_1606 : i32 to vector<16xi32>
    %select_n3A_1608 = arith.select %gt3A_1604, %broadcast_in_dim3A_1607, %select_n3A_1601 : vector<16xi1>, vector<16xi32>
    %get3A_1609 = arith.constant 117 : index
    %get3A_1610 = tpu.vector_load %arg6[%get3A_1609] {strides = array<i32>} : memref<256xf32, #tpu.memory_space<vmem>>, vector<16xf32>,
    %gt3A_1611 = arith.cmpf ogt, %get3A_1610, %select_n3A_1605 : vector<16xf32>
    %select_n3A_1612 = arith.select %gt3A_1611, %get3A_1610, %select_n3A_1605 : vector<16xi1>, vector<16xf32>
    %jit3A_1613 = arith.constant 5 : i32
    %broadcast_in_dim3A_1614 = vector.broadcast %jit3A_1613 : i32 to vector<16xi32>
    %select_n3A_1615 = arith.select %gt3A_1611, %broadcast_in_dim3A_1614, %select_n3A_1608 : vector<16xi1>, vector<16xi32>
    %get3A_1616 = arith.constant 118 : index
    %get3A_1617 = tpu.vector_load %arg6[%get3A_1616] {strides = array<i32>} : memref<256xf32, #tpu.memory_space<vmem>>, vector<16xf32>,
    %gt3A_1618 = arith.cmpf ogt, %get3A_1617, %select_n3A_1612 : vector<16xf32>
    %select_n3A_1619 = arith.select %gt3A_1618, %get3A_1617, %select_n3A_1612 : vector<16xi1>, vector<16xf32>
    %jit3A_1620 = arith.constant 6 : i32
    %broadcast_in_dim3A_1621 = vector.broadcast %jit3A_1620 : i32 to vector<16xi32>
    %select_n3A_1622 = arith.select %gt3A_1618, %broadcast_in_dim3A_1621, %select_n3A_1615 : vector<16xi1>, vector<16xi32>
    %get3A_1623 = arith.constant 119 : index
    %get3A_1624 = tpu.vector_load %arg6[%get3A_1623] {strides = array<i32>} : memref<256xf32, #tpu.memory_space<vmem>>, vector<16xf32>,
    %gt3A_1625 = arith.cmpf ogt, %get3A_1624, %select_n3A_1619 : vector<16xf32>
    %select_n3A_1626 = arith.select %gt3A_1625, %get3A_1624, %select_n3A_1619 : vector<16xi1>, vector<16xf32>
    %jit3A_1627 = arith.constant 7 : i32
    %broadcast_in_dim3A_1628 = vector.broadcast %jit3A_1627 : i32 to vector<16xi32>
    %select_n3A_1629 = arith.select %gt3A_1625, %broadcast_in_dim3A_1628, %select_n3A_1622 : vector<16xi1>, vector<16xi32>
    %get3A_1630 = arith.constant 120 : index
    %get3A_1631 = tpu.vector_load %arg6[%get3A_1630] {strides = array<i32>} : memref<256xf32, #tpu.memory_space<vmem>>, vector<16xf32>,
    %gt3A_1632 = arith.cmpf ogt, %get3A_1631, %select_n3A_1626 : vector<16xf32>
    %select_n3A_1633 = arith.select %gt3A_1632, %get3A_1631, %select_n3A_1626 : vector<16xi1>, vector<16xf32>
    %jit3A_1634 = arith.constant 8 : i32
    %broadcast_in_dim3A_1635 = vector.broadcast %jit3A_1634 : i32 to vector<16xi32>
    %select_n3A_1636 = arith.select %gt3A_1632, %broadcast_in_dim3A_1635, %select_n3A_1629 : vector<16xi1>, vector<16xi32>
    %get3A_1637 = arith.constant 121 : index
    %get3A_1638 = tpu.vector_load %arg6[%get3A_1637] {strides = array<i32>} : memref<256xf32, #tpu.memory_space<vmem>>, vector<16xf32>,
    %gt3A_1639 = arith.cmpf ogt, %get3A_1638, %select_n3A_1633 : vector<16xf32>
    %select_n3A_1640 = arith.select %gt3A_1639, %get3A_1638, %select_n3A_1633 : vector<16xi1>, vector<16xf32>
    %jit3A_1641 = arith.constant 9 : i32
    %broadcast_in_dim3A_1642 = vector.broadcast %jit3A_1641 : i32 to vector<16xi32>
    %select_n3A_1643 = arith.select %gt3A_1639, %broadcast_in_dim3A_1642, %select_n3A_1636 : vector<16xi1>, vector<16xi32>
    %get3A_1644 = arith.constant 122 : index
    %get3A_1645 = tpu.vector_load %arg6[%get3A_1644] {strides = array<i32>} : memref<256xf32, #tpu.memory_space<vmem>>, vector<16xf32>,
    %gt3A_1646 = arith.cmpf ogt, %get3A_1645, %select_n3A_1640 : vector<16xf32>
    %select_n3A_1647 = arith.select %gt3A_1646, %get3A_1645, %select_n3A_1640 : vector<16xi1>, vector<16xf32>
    %jit3A_1648 = arith.constant 10 : i32
    %broadcast_in_dim3A_1649 = vector.broadcast %jit3A_1648 : i32 to vector<16xi32>
    %select_n3A_1650 = arith.select %gt3A_1646, %broadcast_in_dim3A_1649, %select_n3A_1643 : vector<16xi1>, vector<16xi32>
    %get3A_1651 = arith.constant 123 : index
    %get3A_1652 = tpu.vector_load %arg6[%get3A_1651] {strides = array<i32>} : memref<256xf32, #tpu.memory_space<vmem>>, vector<16xf32>,
    %gt3A_1653 = arith.cmpf ogt, %get3A_1652, %select_n3A_1647 : vector<16xf32>
    %select_n3A_1654 = arith.select %gt3A_1653, %get3A_1652, %select_n3A_1647 : vector<16xi1>, vector<16xf32>
    %jit3A_1655 = arith.constant 11 : i32
    %broadcast_in_dim3A_1656 = vector.broadcast %jit3A_1655 : i32 to vector<16xi32>
    %select_n3A_1657 = arith.select %gt3A_1653, %broadcast_in_dim3A_1656, %select_n3A_1650 : vector<16xi1>, vector<16xi32>
    %get3A_1658 = arith.constant 124 : index
    %get3A_1659 = tpu.vector_load %arg6[%get3A_1658] {strides = array<i32>} : memref<256xf32, #tpu.memory_space<vmem>>, vector<16xf32>,
    %gt3A_1660 = arith.cmpf ogt, %get3A_1659, %select_n3A_1654 : vector<16xf32>
    %select_n3A_1661 = arith.select %gt3A_1660, %get3A_1659, %select_n3A_1654 : vector<16xi1>, vector<16xf32>
    %jit3A_1662 = arith.constant 12 : i32
    %broadcast_in_dim3A_1663 = vector.broadcast %jit3A_1662 : i32 to vector<16xi32>
    %select_n3A_1664 = arith.select %gt3A_1660, %broadcast_in_dim3A_1663, %select_n3A_1657 : vector<16xi1>, vector<16xi32>
    %get3A_1665 = arith.constant 125 : index
    %get3A_1666 = tpu.vector_load %arg6[%get3A_1665] {strides = array<i32>} : memref<256xf32, #tpu.memory_space<vmem>>, vector<16xf32>,
    %gt3A_1667 = arith.cmpf ogt, %get3A_1666, %select_n3A_1661 : vector<16xf32>
    %select_n3A_1668 = arith.select %gt3A_1667, %get3A_1666, %select_n3A_1661 : vector<16xi1>, vector<16xf32>
    %jit3A_1669 = arith.constant 13 : i32
    %broadcast_in_dim3A_1670 = vector.broadcast %jit3A_1669 : i32 to vector<16xi32>
    %select_n3A_1671 = arith.select %gt3A_1667, %broadcast_in_dim3A_1670, %select_n3A_1664 : vector<16xi1>, vector<16xi32>
    %get3A_1672 = arith.constant 126 : index
    %get3A_1673 = tpu.vector_load %arg6[%get3A_1672] {strides = array<i32>} : memref<256xf32, #tpu.memory_space<vmem>>, vector<16xf32>,
    %gt3A_1674 = arith.cmpf ogt, %get3A_1673, %select_n3A_1668 : vector<16xf32>
    %select_n3A_1675 = arith.select %gt3A_1674, %get3A_1673, %select_n3A_1668 : vector<16xi1>, vector<16xf32>
    %jit3A_1676 = arith.constant 14 : i32
    %broadcast_in_dim3A_1677 = vector.broadcast %jit3A_1676 : i32 to vector<16xi32>
    %select_n3A_1678 = arith.select %gt3A_1674, %broadcast_in_dim3A_1677, %select_n3A_1671 : vector<16xi1>, vector<16xi32>
    %get3A_1679 = arith.constant 127 : index
    %get3A_1680 = tpu.vector_load %arg6[%get3A_1679] {strides = array<i32>} : memref<256xf32, #tpu.memory_space<vmem>>, vector<16xf32>,
    %gt3A_1681 = arith.cmpf ogt, %get3A_1680, %select_n3A_1675 : vector<16xf32>
    %select_n3A_1682 = arith.select %gt3A_1681, %get3A_1680, %select_n3A_1675 : vector<16xi1>, vector<16xf32>
    %jit3A_1683 = arith.constant 15 : i32
    %broadcast_in_dim3A_1684 = vector.broadcast %jit3A_1683 : i32 to vector<16xi32>
    %select_n3A_1685 = arith.select %gt3A_1681, %broadcast_in_dim3A_1684, %select_n3A_1678 : vector<16xi1>, vector<16xi32>
    %get3A_1686 = arith.constant 128 : index
    %get3A_1687 = tpu.vector_load %arg6[%get3A_1686] {strides = array<i32>} : memref<256xf32, #tpu.memory_space<vmem>>, vector<16xf32>,
    %gt3A_1688 = arith.cmpf ogt, %get3A_1687, %select_n3A_1682 : vector<16xf32>
    %select_n3A_1689 = arith.select %gt3A_1688, %get3A_1687, %select_n3A_1682 : vector<16xi1>, vector<16xf32>
    %jit3A_1690 = arith.constant 16 : i32
    %broadcast_in_dim3A_1691 = vector.broadcast %jit3A_1690 : i32 to vector<16xi32>
    %select_n3A_1692 = arith.select %gt3A_1688, %broadcast_in_dim3A_1691, %select_n3A_1685 : vector<16xi1>, vector<16xi32>
    %get3A_1693 = arith.constant 129 : index
    %get3A_1694 = tpu.vector_load %arg6[%get3A_1693] {strides = array<i32>} : memref<256xf32, #tpu.memory_space<vmem>>, vector<16xf32>,
    %gt3A_1695 = arith.cmpf ogt, %get3A_1694, %select_n3A_1689 : vector<16xf32>
    %select_n3A_1696 = arith.select %gt3A_1695, %get3A_1694, %select_n3A_1689 : vector<16xi1>, vector<16xf32>
    %jit3A_1697 = arith.constant 17 : i32
    %broadcast_in_dim3A_1698 = vector.broadcast %jit3A_1697 : i32 to vector<16xi32>
    %select_n3A_1699 = arith.select %gt3A_1695, %broadcast_in_dim3A_1698, %select_n3A_1692 : vector<16xi1>, vector<16xi32>
    %get3A_1700 = arith.constant 130 : index
    %get3A_1701 = tpu.vector_load %arg6[%get3A_1700] {strides = array<i32>} : memref<256xf32, #tpu.memory_space<vmem>>, vector<16xf32>,
    %gt3A_1702 = arith.cmpf ogt, %get3A_1701, %select_n3A_1696 : vector<16xf32>
    %select_n3A_1703 = arith.select %gt3A_1702, %get3A_1701, %select_n3A_1696 : vector<16xi1>, vector<16xf32>
    %jit3A_1704 = arith.constant 18 : i32
    %broadcast_in_dim3A_1705 = vector.broadcast %jit3A_1704 : i32 to vector<16xi32>
    %select_n3A_1706 = arith.select %gt3A_1702, %broadcast_in_dim3A_1705, %select_n3A_1699 : vector<16xi1>, vector<16xi32>
    %get3A_1707 = arith.constant 131 : index
    %get3A_1708 = tpu.vector_load %arg6[%get3A_1707] {strides = array<i32>} : memref<256xf32, #tpu.memory_space<vmem>>, vector<16xf32>,
    %gt3A_1709 = arith.cmpf ogt, %get3A_1708, %select_n3A_1703 : vector<16xf32>
    %select_n3A_1710 = arith.select %gt3A_1709, %get3A_1708, %select_n3A_1703 : vector<16xi1>, vector<16xf32>
    %jit3A_1711 = arith.constant 19 : i32
    %broadcast_in_dim3A_1712 = vector.broadcast %jit3A_1711 : i32 to vector<16xi32>
    %select_n3A_1713 = arith.select %gt3A_1709, %broadcast_in_dim3A_1712, %select_n3A_1706 : vector<16xi1>, vector<16xi32>
    %get3A_1714 = arith.constant 132 : index
    %get3A_1715 = tpu.vector_load %arg6[%get3A_1714] {strides = array<i32>} : memref<256xf32, #tpu.memory_space<vmem>>, vector<16xf32>,
    %gt3A_1716 = arith.cmpf ogt, %get3A_1715, %select_n3A_1710 : vector<16xf32>
    %select_n3A_1717 = arith.select %gt3A_1716, %get3A_1715, %select_n3A_1710 : vector<16xi1>, vector<16xf32>
    %jit3A_1718 = arith.constant 20 : i32
    %broadcast_in_dim3A_1719 = vector.broadcast %jit3A_1718 : i32 to vector<16xi32>
    %select_n3A_1720 = arith.select %gt3A_1716, %broadcast_in_dim3A_1719, %select_n3A_1713 : vector<16xi1>, vector<16xi32>
    %get3A_1721 = arith.constant 133 : index
    %get3A_1722 = tpu.vector_load %arg6[%get3A_1721] {strides = array<i32>} : memref<256xf32, #tpu.memory_space<vmem>>, vector<16xf32>,
    %gt3A_1723 = arith.cmpf ogt, %get3A_1722, %select_n3A_1717 : vector<16xf32>
    %select_n3A_1724 = arith.select %gt3A_1723, %get3A_1722, %select_n3A_1717 : vector<16xi1>, vector<16xf32>
    %jit3A_1725 = arith.constant 21 : i32
    %broadcast_in_dim3A_1726 = vector.broadcast %jit3A_1725 : i32 to vector<16xi32>
    %select_n3A_1727 = arith.select %gt3A_1723, %broadcast_in_dim3A_1726, %select_n3A_1720 : vector<16xi1>, vector<16xi32>
    %get3A_1728 = arith.constant 134 : index
    %get3A_1729 = tpu.vector_load %arg6[%get3A_1728] {strides = array<i32>} : memref<256xf32, #tpu.memory_space<vmem>>, vector<16xf32>,
    %gt3A_1730 = arith.cmpf ogt, %get3A_1729, %select_n3A_1724 : vector<16xf32>
    %select_n3A_1731 = arith.select %gt3A_1730, %get3A_1729, %select_n3A_1724 : vector<16xi1>, vector<16xf32>
    %jit3A_1732 = arith.constant 22 : i32
    %broadcast_in_dim3A_1733 = vector.broadcast %jit3A_1732 : i32 to vector<16xi32>
    %select_n3A_1734 = arith.select %gt3A_1730, %broadcast_in_dim3A_1733, %select_n3A_1727 : vector<16xi1>, vector<16xi32>
    %get3A_1735 = arith.constant 135 : index
    %get3A_1736 = tpu.vector_load %arg6[%get3A_1735] {strides = array<i32>} : memref<256xf32, #tpu.memory_space<vmem>>, vector<16xf32>,
    %gt3A_1737 = arith.cmpf ogt, %get3A_1736, %select_n3A_1731 : vector<16xf32>
    %select_n3A_1738 = arith.select %gt3A_1737, %get3A_1736, %select_n3A_1731 : vector<16xi1>, vector<16xf32>
    %jit3A_1739 = arith.constant 23 : i32
    %broadcast_in_dim3A_1740 = vector.broadcast %jit3A_1739 : i32 to vector<16xi32>
    %select_n3A_1741 = arith.select %gt3A_1737, %broadcast_in_dim3A_1740, %select_n3A_1734 : vector<16xi1>, vector<16xi32>
    %get3A_1742 = arith.constant 136 : index
    %get3A_1743 = tpu.vector_load %arg6[%get3A_1742] {strides = array<i32>} : memref<256xf32, #tpu.memory_space<vmem>>, vector<16xf32>,
    %gt3A_1744 = arith.cmpf ogt, %get3A_1743, %select_n3A_1738 : vector<16xf32>
    %select_n3A_1745 = arith.select %gt3A_1744, %get3A_1743, %select_n3A_1738 : vector<16xi1>, vector<16xf32>
    %jit3A_1746 = arith.constant 24 : i32
    %broadcast_in_dim3A_1747 = vector.broadcast %jit3A_1746 : i32 to vector<16xi32>
    %select_n3A_1748 = arith.select %gt3A_1744, %broadcast_in_dim3A_1747, %select_n3A_1741 : vector<16xi1>, vector<16xi32>
    %get3A_1749 = arith.constant 137 : index
    %get3A_1750 = tpu.vector_load %arg6[%get3A_1749] {strides = array<i32>} : memref<256xf32, #tpu.memory_space<vmem>>, vector<16xf32>,
    %gt3A_1751 = arith.cmpf ogt, %get3A_1750, %select_n3A_1745 : vector<16xf32>
    %select_n3A_1752 = arith.select %gt3A_1751, %get3A_1750, %select_n3A_1745 : vector<16xi1>, vector<16xf32>
    %jit3A_1753 = arith.constant 25 : i32
    %broadcast_in_dim3A_1754 = vector.broadcast %jit3A_1753 : i32 to vector<16xi32>
    %select_n3A_1755 = arith.select %gt3A_1751, %broadcast_in_dim3A_1754, %select_n3A_1748 : vector<16xi1>, vector<16xi32>
    %get3A_1756 = arith.constant 138 : index
    %get3A_1757 = tpu.vector_load %arg6[%get3A_1756] {strides = array<i32>} : memref<256xf32, #tpu.memory_space<vmem>>, vector<16xf32>,
    %gt3A_1758 = arith.cmpf ogt, %get3A_1757, %select_n3A_1752 : vector<16xf32>
    %select_n3A_1759 = arith.select %gt3A_1758, %get3A_1757, %select_n3A_1752 : vector<16xi1>, vector<16xf32>
    %jit3A_1760 = arith.constant 26 : i32
    %broadcast_in_dim3A_1761 = vector.broadcast %jit3A_1760 : i32 to vector<16xi32>
    %select_n3A_1762 = arith.select %gt3A_1758, %broadcast_in_dim3A_1761, %select_n3A_1755 : vector<16xi1>, vector<16xi32>
    %get3A_1763 = arith.constant 139 : index
    %get3A_1764 = tpu.vector_load %arg6[%get3A_1763] {strides = array<i32>} : memref<256xf32, #tpu.memory_space<vmem>>, vector<16xf32>,
    %gt3A_1765 = arith.cmpf ogt, %get3A_1764, %select_n3A_1759 : vector<16xf32>
    %select_n3A_1766 = arith.select %gt3A_1765, %get3A_1764, %select_n3A_1759 : vector<16xi1>, vector<16xf32>
    %jit3A_1767 = arith.constant 27 : i32
    %broadcast_in_dim3A_1768 = vector.broadcast %jit3A_1767 : i32 to vector<16xi32>
    %select_n3A_1769 = arith.select %gt3A_1765, %broadcast_in_dim3A_1768, %select_n3A_1762 : vector<16xi1>, vector<16xi32>
    %get3A_1770 = arith.constant 140 : index
    %get3A_1771 = tpu.vector_load %arg6[%get3A_1770] {strides = array<i32>} : memref<256xf32, #tpu.memory_space<vmem>>, vector<16xf32>,
    %gt3A_1772 = arith.cmpf ogt, %get3A_1771, %select_n3A_1766 : vector<16xf32>
    %select_n3A_1773 = arith.select %gt3A_1772, %get3A_1771, %select_n3A_1766 : vector<16xi1>, vector<16xf32>
    %jit3A_1774 = arith.constant 28 : i32
    %broadcast_in_dim3A_1775 = vector.broadcast %jit3A_1774 : i32 to vector<16xi32>
    %select_n3A_1776 = arith.select %gt3A_1772, %broadcast_in_dim3A_1775, %select_n3A_1769 : vector<16xi1>, vector<16xi32>
    %get3A_1777 = arith.constant 141 : index
    %get3A_1778 = tpu.vector_load %arg6[%get3A_1777] {strides = array<i32>} : memref<256xf32, #tpu.memory_space<vmem>>, vector<16xf32>,
    %gt3A_1779 = arith.cmpf ogt, %get3A_1778, %select_n3A_1773 : vector<16xf32>
    %select_n3A_1780 = arith.select %gt3A_1779, %get3A_1778, %select_n3A_1773 : vector<16xi1>, vector<16xf32>
    %jit3A_1781 = arith.constant 29 : i32
    %broadcast_in_dim3A_1782 = vector.broadcast %jit3A_1781 : i32 to vector<16xi32>
    %select_n3A_1783 = arith.select %gt3A_1779, %broadcast_in_dim3A_1782, %select_n3A_1776 : vector<16xi1>, vector<16xi32>
    %add3A_1784 = arith.addf %get3A_1576, %select_n3A_1780 : vector<16xf32>
    %add3A_1785 = arith.constant 112 : i32
    %add3A_1786 = arith.addi %mul3A_0, %add3A_1785 : i32
    %add3A_1787 = vector.broadcast %add3A_1786 : i32 to vector<16xi32>
    %add3A_1788 = arith.addi %iota3A, %add3A_1787 : vector<16xi32>
    %mul3A_1789 = arith.constant 2048 : i32
    %mul3A_1790 = vector.broadcast %mul3A_1789 : i32 to vector<16xi32>
    %mul3A_1791 = arith.muli %add3A_1788, %mul3A_1790 : vector<16xi32>
    %add3A_1792 = arith.addi %add3A_1788, %select_n3A_1783 : vector<16xi32>
    %add3A_1793 = arith.addi %mul3A_1791, %add3A_1792 : vector<16xi32>
    %gt3A_1794 = arith.cmpf ogt, %add3A_1784, %select_n3A_1573 : vector<16xf32>
    %select_n3A_1795 = arith.select %gt3A_1794, %add3A_1784, %select_n3A_1573 : vector<16xi1>, vector<16xf32>
    %select_n3A_1796 = arith.select %gt3A_1794, %add3A_1793, %select_n3A_1574 : vector<16xi1>, vector<16xi32>
    %bitcast3A = vector.bitcast %select_n3A_1795 : vector<16xf32> to vector<16xi32>
    %swap3A = arith.constant 0 : index
    %swap3A_1797 = tpu.vector_load %arg7[%swap3A] {strides = array<i32>} : memref<32xi32, #tpu.memory_space<vmem>>, vector<16xi32>,
    tpu.vector_store %arg7[%swap3A], %bitcast3A {strides = array<i32>} : memref<32xi32, #tpu.memory_space<vmem>>, vector<16xi32>,
    %swap3A_1798 = arith.constant 16 : index
    %swap3A_1799 = tpu.vector_load %arg7[%swap3A_1798] {strides = array<i32>} : memref<32xi32, #tpu.memory_space<vmem>>, vector<16xi32>,
    tpu.vector_store %arg7[%swap3A_1798], %select_n3A_1796 {strides = array<i32>} : memref<32xi32, #tpu.memory_space<vmem>>, vector<16xi32>,
    "tpu.region"() ({
      %run_scoped3A_1805 = tpu.sem_alloc : memref<!tpu.dma_semaphore, #tpu.memory_space<semaphore_mem>>
      %dma_start3A = arith.constant 0 : i32
      %dma_start3A_1806 = tpu.memref_slice %arg4[%arg0, %arg1, %dma_start3A] : memref<2x24x32xi32, #tpu.memory_space<hbm>> -> memref<1x1x32xi32, #tpu.memory_space<hbm>>
      %dma_start3A_1807 = tpu.memref_squeeze %dma_start3A_1806 : memref<1x1x32xi32, #tpu.memory_space<hbm>> -> memref<32xi32, #tpu.memory_space<hbm>>
      %dma_start3A_1808 = arith.constant 0 : i32
      %dma_start3A_1809 = tpu.memref_slice %arg4[%arg0, %arg1, %dma_start3A_1808] : memref<2x24x32xi32, #tpu.memory_space<hbm>> -> memref<1x1x32xi32, #tpu.memory_space<hbm>>
      %dma_start3A_1810 = tpu.memref_squeeze %dma_start3A_1809 : memref<1x1x32xi32, #tpu.memory_space<hbm>> -> memref<32xi32, #tpu.memory_space<hbm>>
      tpu.enqueue_dma source(%arg7 : memref<32xi32, #tpu.memory_space<vmem>>) target(%dma_start3A_1810 : memref<32xi32, #tpu.memory_space<hbm>>) target_semaphore(%run_scoped3A_1805 : memref<!tpu.dma_semaphore, #tpu.memory_space<semaphore_mem>>)
      %dma_wait3A = arith.constant 0 : i32
      %dma_wait3A_1811 = tpu.memref_slice %arg4[%arg0, %arg1, %dma_wait3A] : memref<2x24x32xi32, #tpu.memory_space<hbm>> -> memref<1x1x32xi32, #tpu.memory_space<hbm>>
      %dma_wait3A_1812 = tpu.memref_squeeze %dma_wait3A_1811 : memref<1x1x32xi32, #tpu.memory_space<hbm>> -> memref<32xi32, #tpu.memory_space<hbm>>
      %dma_wait3A_1813 = arith.constant 0 : i32
      %dma_wait3A_1814 = tpu.memref_slice %arg4[%arg0, %arg1, %dma_wait3A_1813] : memref<2x24x32xi32, #tpu.memory_space<hbm>> -> memref<1x1x32xi32, #tpu.memory_space<hbm>>
      %dma_wait3A_1815 = tpu.memref_squeeze %dma_wait3A_1814 : memref<1x1x32xi32, #tpu.memory_space<hbm>> -> memref<32xi32, #tpu.memory_space<hbm>>
      tpu.wait_dma2 semaphore(%run_scoped3A_1805 : memref<!tpu.dma_semaphore, #tpu.memory_space<semaphore_mem>>) src(%arg7 : memref<32xi32, #tpu.memory_space<vmem>>) dst(%dma_wait3A_1815 : memref<32xi32, #tpu.memory_space<hbm>>)
      tpu.yield
    }) : () -> ()
    %barrier3A = arith.constant 0 : index
    tpu.barrier barrier_id(%barrier3A)
    %eq3A_1800 = arith.constant 0 : i32
    %eq3A_1801 = arith.cmpi eq, %arg1, %eq3A_1800 : i32
    %convert_element_type3A_1802 = arith.extui %eq3A_1801 : i1 to i32
    %cond3A_1803 = arith.constant 0 : i32
    %cond3A_1804 = arith.cmpi ne, %convert_element_type3A_1802, %cond3A_1803 : i32
    scf.if %cond3A_1804 {
      "tpu.region"() ({
        %run_scoped3A_2110 = tpu.sem_alloc : memref<!tpu.dma_semaphore, #tpu.memory_space<semaphore_mem>>
        %dma_start3A = arith.constant 0 : i32
        %dma_start3A_2111 = arith.constant 0 : i32
        %dma_start3A_2112 = tpu.memref_slice %arg4[%arg0, %dma_start3A, %dma_start3A_2111] : memref<2x24x32xi32, #tpu.memory_space<hbm>> -> memref<1x16x32xi32, #tpu.memory_space<hbm>>
        %dma_start3A_2113 = tpu.memref_squeeze %dma_start3A_2112 : memref<1x16x32xi32, #tpu.memory_space<hbm>> -> memref<16x32xi32, #tpu.memory_space<hbm>>
        %dma_start3A_2114 = arith.constant 0 : i32
        %dma_start3A_2115 = arith.constant 0 : i32
        %dma_start3A_2116 = tpu.memref_slice %arg4[%arg0, %dma_start3A_2114, %dma_start3A_2115] : memref<2x24x32xi32, #tpu.memory_space<hbm>> -> memref<1x16x32xi32, #tpu.memory_space<hbm>>
        %dma_start3A_2117 = tpu.memref_squeeze %dma_start3A_2116 : memref<1x16x32xi32, #tpu.memory_space<hbm>> -> memref<16x32xi32, #tpu.memory_space<hbm>>
        tpu.enqueue_dma source(%dma_start3A_2117 : memref<16x32xi32, #tpu.memory_space<hbm>>) target(%arg8 : memref<16x32xi32, #tpu.memory_space<vmem>>) target_semaphore(%run_scoped3A_2110 : memref<!tpu.dma_semaphore, #tpu.memory_space<semaphore_mem>>)
        %dma_wait3A = arith.constant 0 : i32
        %dma_wait3A_2118 = arith.constant 0 : i32
        %dma_wait3A_2119 = tpu.memref_slice %arg4[%arg0, %dma_wait3A, %dma_wait3A_2118] : memref<2x24x32xi32, #tpu.memory_space<hbm>> -> memref<1x16x32xi32, #tpu.memory_space<hbm>>
        %dma_wait3A_2120 = tpu.memref_squeeze %dma_wait3A_2119 : memref<1x16x32xi32, #tpu.memory_space<hbm>> -> memref<16x32xi32, #tpu.memory_space<hbm>>
        %dma_wait3A_2121 = arith.constant 0 : i32
        %dma_wait3A_2122 = arith.constant 0 : i32
        %dma_wait3A_2123 = tpu.memref_slice %arg4[%arg0, %dma_wait3A_2121, %dma_wait3A_2122] : memref<2x24x32xi32, #tpu.memory_space<hbm>> -> memref<1x16x32xi32, #tpu.memory_space<hbm>>
        %dma_wait3A_2124 = tpu.memref_squeeze %dma_wait3A_2123 : memref<1x16x32xi32, #tpu.memory_space<hbm>> -> memref<16x32xi32, #tpu.memory_space<hbm>>
        tpu.wait_dma2 semaphore(%run_scoped3A_2110 : memref<!tpu.dma_semaphore, #tpu.memory_space<semaphore_mem>>) src(%dma_wait3A_2124 : memref<16x32xi32, #tpu.memory_space<hbm>>) dst(%arg8 : memref<16x32xi32, #tpu.memory_space<vmem>>)
        tpu.yield
      }) : () -> ()
      %get3A_1805 = arith.constant 0 : i32
      %get3A_1806 = arith.index_cast %get3A_1805 : i32 to index
      %get3A_1807 = arith.constant 0 : index
      %get3A_1808 = tpu.vector_load %arg8[%get3A_1806, %get3A_1807] {strides = array<i32>} : memref<16x32xi32, #tpu.memory_space<vmem>>, vector<16xi32>,
      %bitcast3A_1809 = vector.bitcast %get3A_1808 : vector<16xi32> to vector<16xf32>
      %get3A_1810 = arith.constant 0 : i32
      %get3A_1811 = arith.index_cast %get3A_1810 : i32 to index
      %get3A_1812 = arith.constant 16 : index
      %get3A_1813 = tpu.vector_load %arg8[%get3A_1811, %get3A_1812] {strides = array<i32>} : memref<16x32xi32, #tpu.memory_space<vmem>>, vector<16xi32>,
      %get3A_1814 = arith.constant 1 : i32
      %get3A_1815 = arith.index_cast %get3A_1814 : i32 to index
      %get3A_1816 = arith.constant 0 : index
      %get3A_1817 = tpu.vector_load %arg8[%get3A_1815, %get3A_1816] {strides = array<i32>} : memref<16x32xi32, #tpu.memory_space<vmem>>, vector<16xi32>,
      %bitcast3A_1818 = vector.bitcast %get3A_1817 : vector<16xi32> to vector<16xf32>
      %get3A_1819 = arith.constant 1 : i32
      %get3A_1820 = arith.index_cast %get3A_1819 : i32 to index
      %get3A_1821 = arith.constant 16 : index
      %get3A_1822 = tpu.vector_load %arg8[%get3A_1820, %get3A_1821] {strides = array<i32>} : memref<16x32xi32, #tpu.memory_space<vmem>>, vector<16xi32>,
      %gt3A_1823 = arith.cmpf ogt, %bitcast3A_1818, %bitcast3A_1809 : vector<16xf32>
      %eq3A_1824 = arith.cmpf oeq, %bitcast3A_1818, %bitcast3A_1809 : vector<16xf32>
      %lt3A_1825 = arith.cmpi slt, %get3A_1822, %get3A_1813 : vector<16xi32>
      %and3A_1826 = arith.andi %eq3A_1824, %lt3A_1825 : vector<16xi1>
      %or3A = arith.ori %gt3A_1823, %and3A_1826 : vector<16xi1>
      %select_n3A_1827 = arith.select %or3A, %bitcast3A_1818, %bitcast3A_1809 : vector<16xi1>, vector<16xf32>
      %select_n3A_1828 = arith.select %or3A, %get3A_1822, %get3A_1813 : vector<16xi1>, vector<16xi32>
      %get3A_1829 = arith.constant 2 : i32
      %get3A_1830 = arith.index_cast %get3A_1829 : i32 to index
      %get3A_1831 = arith.constant 0 : index
      %get3A_1832 = tpu.vector_load %arg8[%get3A_1830, %get3A_1831] {strides = array<i32>} : memref<16x32xi32, #tpu.memory_space<vmem>>, vector<16xi32>,
      %bitcast3A_1833 = vector.bitcast %get3A_1832 : vector<16xi32> to vector<16xf32>
      %get3A_1834 = arith.constant 2 : i32
      %get3A_1835 = arith.index_cast %get3A_1834 : i32 to index
      %get3A_1836 = arith.constant 16 : index
      %get3A_1837 = tpu.vector_load %arg8[%get3A_1835, %get3A_1836] {strides = array<i32>} : memref<16x32xi32, #tpu.memory_space<vmem>>, vector<16xi32>,
      %gt3A_1838 = arith.cmpf ogt, %bitcast3A_1833, %select_n3A_1827 : vector<16xf32>
      %eq3A_1839 = arith.cmpf oeq, %bitcast3A_1833, %select_n3A_1827 : vector<16xf32>
      %lt3A_1840 = arith.cmpi slt, %get3A_1837, %select_n3A_1828 : vector<16xi32>
      %and3A_1841 = arith.andi %eq3A_1839, %lt3A_1840 : vector<16xi1>
      %or3A_1842 = arith.ori %gt3A_1838, %and3A_1841 : vector<16xi1>
      %select_n3A_1843 = arith.select %or3A_1842, %bitcast3A_1833, %select_n3A_1827 : vector<16xi1>, vector<16xf32>
      %select_n3A_1844 = arith.select %or3A_1842, %get3A_1837, %select_n3A_1828 : vector<16xi1>, vector<16xi32>
      %get3A_1845 = arith.constant 3 : i32
      %get3A_1846 = arith.index_cast %get3A_1845 : i32 to index
      %get3A_1847 = arith.constant 0 : index
      %get3A_1848 = tpu.vector_load %arg8[%get3A_1846, %get3A_1847] {strides = array<i32>} : memref<16x32xi32, #tpu.memory_space<vmem>>, vector<16xi32>,
      %bitcast3A_1849 = vector.bitcast %get3A_1848 : vector<16xi32> to vector<16xf32>
      %get3A_1850 = arith.constant 3 : i32
      %get3A_1851 = arith.index_cast %get3A_1850 : i32 to index
      %get3A_1852 = arith.constant 16 : index
      %get3A_1853 = tpu.vector_load %arg8[%get3A_1851, %get3A_1852] {strides = array<i32>} : memref<16x32xi32, #tpu.memory_space<vmem>>, vector<16xi32>,
      %gt3A_1854 = arith.cmpf ogt, %bitcast3A_1849, %select_n3A_1843 : vector<16xf32>
      %eq3A_1855 = arith.cmpf oeq, %bitcast3A_1849, %select_n3A_1843 : vector<16xf32>
      %lt3A_1856 = arith.cmpi slt, %get3A_1853, %select_n3A_1844 : vector<16xi32>
      %and3A_1857 = arith.andi %eq3A_1855, %lt3A_1856 : vector<16xi1>
      %or3A_1858 = arith.ori %gt3A_1854, %and3A_1857 : vector<16xi1>
      %select_n3A_1859 = arith.select %or3A_1858, %bitcast3A_1849, %select_n3A_1843 : vector<16xi1>, vector<16xf32>
      %select_n3A_1860 = arith.select %or3A_1858, %get3A_1853, %select_n3A_1844 : vector<16xi1>, vector<16xi32>
      %get3A_1861 = arith.constant 4 : i32
      %get3A_1862 = arith.index_cast %get3A_1861 : i32 to index
      %get3A_1863 = arith.constant 0 : index
      %get3A_1864 = tpu.vector_load %arg8[%get3A_1862, %get3A_1863] {strides = array<i32>} : memref<16x32xi32, #tpu.memory_space<vmem>>, vector<16xi32>,
      %bitcast3A_1865 = vector.bitcast %get3A_1864 : vector<16xi32> to vector<16xf32>
      %get3A_1866 = arith.constant 4 : i32
      %get3A_1867 = arith.index_cast %get3A_1866 : i32 to index
      %get3A_1868 = arith.constant 16 : index
      %get3A_1869 = tpu.vector_load %arg8[%get3A_1867, %get3A_1868] {strides = array<i32>} : memref<16x32xi32, #tpu.memory_space<vmem>>, vector<16xi32>,
      %gt3A_1870 = arith.cmpf ogt, %bitcast3A_1865, %select_n3A_1859 : vector<16xf32>
      %eq3A_1871 = arith.cmpf oeq, %bitcast3A_1865, %select_n3A_1859 : vector<16xf32>
      %lt3A_1872 = arith.cmpi slt, %get3A_1869, %select_n3A_1860 : vector<16xi32>
      %and3A_1873 = arith.andi %eq3A_1871, %lt3A_1872 : vector<16xi1>
      %or3A_1874 = arith.ori %gt3A_1870, %and3A_1873 : vector<16xi1>
      %select_n3A_1875 = arith.select %or3A_1874, %bitcast3A_1865, %select_n3A_1859 : vector<16xi1>, vector<16xf32>
      %select_n3A_1876 = arith.select %or3A_1874, %get3A_1869, %select_n3A_1860 : vector<16xi1>, vector<16xi32>
      %get3A_1877 = arith.constant 5 : i32
      %get3A_1878 = arith.index_cast %get3A_1877 : i32 to index
      %get3A_1879 = arith.constant 0 : index
      %get3A_1880 = tpu.vector_load %arg8[%get3A_1878, %get3A_1879] {strides = array<i32>} : memref<16x32xi32, #tpu.memory_space<vmem>>, vector<16xi32>,
      %bitcast3A_1881 = vector.bitcast %get3A_1880 : vector<16xi32> to vector<16xf32>
      %get3A_1882 = arith.constant 5 : i32
      %get3A_1883 = arith.index_cast %get3A_1882 : i32 to index
      %get3A_1884 = arith.constant 16 : index
      %get3A_1885 = tpu.vector_load %arg8[%get3A_1883, %get3A_1884] {strides = array<i32>} : memref<16x32xi32, #tpu.memory_space<vmem>>, vector<16xi32>,
      %gt3A_1886 = arith.cmpf ogt, %bitcast3A_1881, %select_n3A_1875 : vector<16xf32>
      %eq3A_1887 = arith.cmpf oeq, %bitcast3A_1881, %select_n3A_1875 : vector<16xf32>
      %lt3A_1888 = arith.cmpi slt, %get3A_1885, %select_n3A_1876 : vector<16xi32>
      %and3A_1889 = arith.andi %eq3A_1887, %lt3A_1888 : vector<16xi1>
      %or3A_1890 = arith.ori %gt3A_1886, %and3A_1889 : vector<16xi1>
      %select_n3A_1891 = arith.select %or3A_1890, %bitcast3A_1881, %select_n3A_1875 : vector<16xi1>, vector<16xf32>
      %select_n3A_1892 = arith.select %or3A_1890, %get3A_1885, %select_n3A_1876 : vector<16xi1>, vector<16xi32>
      %get3A_1893 = arith.constant 6 : i32
      %get3A_1894 = arith.index_cast %get3A_1893 : i32 to index
      %get3A_1895 = arith.constant 0 : index
      %get3A_1896 = tpu.vector_load %arg8[%get3A_1894, %get3A_1895] {strides = array<i32>} : memref<16x32xi32, #tpu.memory_space<vmem>>, vector<16xi32>,
      %bitcast3A_1897 = vector.bitcast %get3A_1896 : vector<16xi32> to vector<16xf32>
      %get3A_1898 = arith.constant 6 : i32
      %get3A_1899 = arith.index_cast %get3A_1898 : i32 to index
      %get3A_1900 = arith.constant 16 : index
      %get3A_1901 = tpu.vector_load %arg8[%get3A_1899, %get3A_1900] {strides = array<i32>} : memref<16x32xi32, #tpu.memory_space<vmem>>, vector<16xi32>,
      %gt3A_1902 = arith.cmpf ogt, %bitcast3A_1897, %select_n3A_1891 : vector<16xf32>
      %eq3A_1903 = arith.cmpf oeq, %bitcast3A_1897, %select_n3A_1891 : vector<16xf32>
      %lt3A_1904 = arith.cmpi slt, %get3A_1901, %select_n3A_1892 : vector<16xi32>
      %and3A_1905 = arith.andi %eq3A_1903, %lt3A_1904 : vector<16xi1>
      %or3A_1906 = arith.ori %gt3A_1902, %and3A_1905 : vector<16xi1>
      %select_n3A_1907 = arith.select %or3A_1906, %bitcast3A_1897, %select_n3A_1891 : vector<16xi1>, vector<16xf32>
      %select_n3A_1908 = arith.select %or3A_1906, %get3A_1901, %select_n3A_1892 : vector<16xi1>, vector<16xi32>
      %get3A_1909 = arith.constant 7 : i32
      %get3A_1910 = arith.index_cast %get3A_1909 : i32 to index
      %get3A_1911 = arith.constant 0 : index
      %get3A_1912 = tpu.vector_load %arg8[%get3A_1910, %get3A_1911] {strides = array<i32>} : memref<16x32xi32, #tpu.memory_space<vmem>>, vector<16xi32>,
      %bitcast3A_1913 = vector.bitcast %get3A_1912 : vector<16xi32> to vector<16xf32>
      %get3A_1914 = arith.constant 7 : i32
      %get3A_1915 = arith.index_cast %get3A_1914 : i32 to index
      %get3A_1916 = arith.constant 16 : index
      %get3A_1917 = tpu.vector_load %arg8[%get3A_1915, %get3A_1916] {strides = array<i32>} : memref<16x32xi32, #tpu.memory_space<vmem>>, vector<16xi32>,
      %gt3A_1918 = arith.cmpf ogt, %bitcast3A_1913, %select_n3A_1907 : vector<16xf32>
      %eq3A_1919 = arith.cmpf oeq, %bitcast3A_1913, %select_n3A_1907 : vector<16xf32>
      %lt3A_1920 = arith.cmpi slt, %get3A_1917, %select_n3A_1908 : vector<16xi32>
      %and3A_1921 = arith.andi %eq3A_1919, %lt3A_1920 : vector<16xi1>
      %or3A_1922 = arith.ori %gt3A_1918, %and3A_1921 : vector<16xi1>
      %select_n3A_1923 = arith.select %or3A_1922, %bitcast3A_1913, %select_n3A_1907 : vector<16xi1>, vector<16xf32>
      %select_n3A_1924 = arith.select %or3A_1922, %get3A_1917, %select_n3A_1908 : vector<16xi1>, vector<16xi32>
      %get3A_1925 = arith.constant 8 : i32
      %get3A_1926 = arith.index_cast %get3A_1925 : i32 to index
      %get3A_1927 = arith.constant 0 : index
      %get3A_1928 = tpu.vector_load %arg8[%get3A_1926, %get3A_1927] {strides = array<i32>} : memref<16x32xi32, #tpu.memory_space<vmem>>, vector<16xi32>,
      %bitcast3A_1929 = vector.bitcast %get3A_1928 : vector<16xi32> to vector<16xf32>
      %get3A_1930 = arith.constant 8 : i32
      %get3A_1931 = arith.index_cast %get3A_1930 : i32 to index
      %get3A_1932 = arith.constant 16 : index
      %get3A_1933 = tpu.vector_load %arg8[%get3A_1931, %get3A_1932] {strides = array<i32>} : memref<16x32xi32, #tpu.memory_space<vmem>>, vector<16xi32>,
      %gt3A_1934 = arith.cmpf ogt, %bitcast3A_1929, %select_n3A_1923 : vector<16xf32>
      %eq3A_1935 = arith.cmpf oeq, %bitcast3A_1929, %select_n3A_1923 : vector<16xf32>
      %lt3A_1936 = arith.cmpi slt, %get3A_1933, %select_n3A_1924 : vector<16xi32>
      %and3A_1937 = arith.andi %eq3A_1935, %lt3A_1936 : vector<16xi1>
      %or3A_1938 = arith.ori %gt3A_1934, %and3A_1937 : vector<16xi1>
      %select_n3A_1939 = arith.select %or3A_1938, %bitcast3A_1929, %select_n3A_1923 : vector<16xi1>, vector<16xf32>
      %select_n3A_1940 = arith.select %or3A_1938, %get3A_1933, %select_n3A_1924 : vector<16xi1>, vector<16xi32>
      %get3A_1941 = arith.constant 9 : i32
      %get3A_1942 = arith.index_cast %get3A_1941 : i32 to index
      %get3A_1943 = arith.constant 0 : index
      %get3A_1944 = tpu.vector_load %arg8[%get3A_1942, %get3A_1943] {strides = array<i32>} : memref<16x32xi32, #tpu.memory_space<vmem>>, vector<16xi32>,
      %bitcast3A_1945 = vector.bitcast %get3A_1944 : vector<16xi32> to vector<16xf32>
      %get3A_1946 = arith.constant 9 : i32
      %get3A_1947 = arith.index_cast %get3A_1946 : i32 to index
      %get3A_1948 = arith.constant 16 : index
      %get3A_1949 = tpu.vector_load %arg8[%get3A_1947, %get3A_1948] {strides = array<i32>} : memref<16x32xi32, #tpu.memory_space<vmem>>, vector<16xi32>,
      %gt3A_1950 = arith.cmpf ogt, %bitcast3A_1945, %select_n3A_1939 : vector<16xf32>
      %eq3A_1951 = arith.cmpf oeq, %bitcast3A_1945, %select_n3A_1939 : vector<16xf32>
      %lt3A_1952 = arith.cmpi slt, %get3A_1949, %select_n3A_1940 : vector<16xi32>
      %and3A_1953 = arith.andi %eq3A_1951, %lt3A_1952 : vector<16xi1>
      %or3A_1954 = arith.ori %gt3A_1950, %and3A_1953 : vector<16xi1>
      %select_n3A_1955 = arith.select %or3A_1954, %bitcast3A_1945, %select_n3A_1939 : vector<16xi1>, vector<16xf32>
      %select_n3A_1956 = arith.select %or3A_1954, %get3A_1949, %select_n3A_1940 : vector<16xi1>, vector<16xi32>
      %get3A_1957 = arith.constant 10 : i32
      %get3A_1958 = arith.index_cast %get3A_1957 : i32 to index
      %get3A_1959 = arith.constant 0 : index
      %get3A_1960 = tpu.vector_load %arg8[%get3A_1958, %get3A_1959] {strides = array<i32>} : memref<16x32xi32, #tpu.memory_space<vmem>>, vector<16xi32>,
      %bitcast3A_1961 = vector.bitcast %get3A_1960 : vector<16xi32> to vector<16xf32>
      %get3A_1962 = arith.constant 10 : i32
      %get3A_1963 = arith.index_cast %get3A_1962 : i32 to index
      %get3A_1964 = arith.constant 16 : index
      %get3A_1965 = tpu.vector_load %arg8[%get3A_1963, %get3A_1964] {strides = array<i32>} : memref<16x32xi32, #tpu.memory_space<vmem>>, vector<16xi32>,
      %gt3A_1966 = arith.cmpf ogt, %bitcast3A_1961, %select_n3A_1955 : vector<16xf32>
      %eq3A_1967 = arith.cmpf oeq, %bitcast3A_1961, %select_n3A_1955 : vector<16xf32>
      %lt3A_1968 = arith.cmpi slt, %get3A_1965, %select_n3A_1956 : vector<16xi32>
      %and3A_1969 = arith.andi %eq3A_1967, %lt3A_1968 : vector<16xi1>
      %or3A_1970 = arith.ori %gt3A_1966, %and3A_1969 : vector<16xi1>
      %select_n3A_1971 = arith.select %or3A_1970, %bitcast3A_1961, %select_n3A_1955 : vector<16xi1>, vector<16xf32>
      %select_n3A_1972 = arith.select %or3A_1970, %get3A_1965, %select_n3A_1956 : vector<16xi1>, vector<16xi32>
      %get3A_1973 = arith.constant 11 : i32
      %get3A_1974 = arith.index_cast %get3A_1973 : i32 to index
      %get3A_1975 = arith.constant 0 : index
      %get3A_1976 = tpu.vector_load %arg8[%get3A_1974, %get3A_1975] {strides = array<i32>} : memref<16x32xi32, #tpu.memory_space<vmem>>, vector<16xi32>,
      %bitcast3A_1977 = vector.bitcast %get3A_1976 : vector<16xi32> to vector<16xf32>
      %get3A_1978 = arith.constant 11 : i32
      %get3A_1979 = arith.index_cast %get3A_1978 : i32 to index
      %get3A_1980 = arith.constant 16 : index
      %get3A_1981 = tpu.vector_load %arg8[%get3A_1979, %get3A_1980] {strides = array<i32>} : memref<16x32xi32, #tpu.memory_space<vmem>>, vector<16xi32>,
      %gt3A_1982 = arith.cmpf ogt, %bitcast3A_1977, %select_n3A_1971 : vector<16xf32>
      %eq3A_1983 = arith.cmpf oeq, %bitcast3A_1977, %select_n3A_1971 : vector<16xf32>
      %lt3A_1984 = arith.cmpi slt, %get3A_1981, %select_n3A_1972 : vector<16xi32>
      %and3A_1985 = arith.andi %eq3A_1983, %lt3A_1984 : vector<16xi1>
      %or3A_1986 = arith.ori %gt3A_1982, %and3A_1985 : vector<16xi1>
      %select_n3A_1987 = arith.select %or3A_1986, %bitcast3A_1977, %select_n3A_1971 : vector<16xi1>, vector<16xf32>
      %select_n3A_1988 = arith.select %or3A_1986, %get3A_1981, %select_n3A_1972 : vector<16xi1>, vector<16xi32>
      %get3A_1989 = arith.constant 12 : i32
      %get3A_1990 = arith.index_cast %get3A_1989 : i32 to index
      %get3A_1991 = arith.constant 0 : index
      %get3A_1992 = tpu.vector_load %arg8[%get3A_1990, %get3A_1991] {strides = array<i32>} : memref<16x32xi32, #tpu.memory_space<vmem>>, vector<16xi32>,
      %bitcast3A_1993 = vector.bitcast %get3A_1992 : vector<16xi32> to vector<16xf32>
      %get3A_1994 = arith.constant 12 : i32
      %get3A_1995 = arith.index_cast %get3A_1994 : i32 to index
      %get3A_1996 = arith.constant 16 : index
      %get3A_1997 = tpu.vector_load %arg8[%get3A_1995, %get3A_1996] {strides = array<i32>} : memref<16x32xi32, #tpu.memory_space<vmem>>, vector<16xi32>,
      %gt3A_1998 = arith.cmpf ogt, %bitcast3A_1993, %select_n3A_1987 : vector<16xf32>
      %eq3A_1999 = arith.cmpf oeq, %bitcast3A_1993, %select_n3A_1987 : vector<16xf32>
      %lt3A_2000 = arith.cmpi slt, %get3A_1997, %select_n3A_1988 : vector<16xi32>
      %and3A_2001 = arith.andi %eq3A_1999, %lt3A_2000 : vector<16xi1>
      %or3A_2002 = arith.ori %gt3A_1998, %and3A_2001 : vector<16xi1>
      %select_n3A_2003 = arith.select %or3A_2002, %bitcast3A_1993, %select_n3A_1987 : vector<16xi1>, vector<16xf32>
      %select_n3A_2004 = arith.select %or3A_2002, %get3A_1997, %select_n3A_1988 : vector<16xi1>, vector<16xi32>
      %get3A_2005 = arith.constant 13 : i32
      %get3A_2006 = arith.index_cast %get3A_2005 : i32 to index
      %get3A_2007 = arith.constant 0 : index
      %get3A_2008 = tpu.vector_load %arg8[%get3A_2006, %get3A_2007] {strides = array<i32>} : memref<16x32xi32, #tpu.memory_space<vmem>>, vector<16xi32>,
      %bitcast3A_2009 = vector.bitcast %get3A_2008 : vector<16xi32> to vector<16xf32>
      %get3A_2010 = arith.constant 13 : i32
      %get3A_2011 = arith.index_cast %get3A_2010 : i32 to index
      %get3A_2012 = arith.constant 16 : index
      %get3A_2013 = tpu.vector_load %arg8[%get3A_2011, %get3A_2012] {strides = array<i32>} : memref<16x32xi32, #tpu.memory_space<vmem>>, vector<16xi32>,
      %gt3A_2014 = arith.cmpf ogt, %bitcast3A_2009, %select_n3A_2003 : vector<16xf32>
      %eq3A_2015 = arith.cmpf oeq, %bitcast3A_2009, %select_n3A_2003 : vector<16xf32>
      %lt3A_2016 = arith.cmpi slt, %get3A_2013, %select_n3A_2004 : vector<16xi32>
      %and3A_2017 = arith.andi %eq3A_2015, %lt3A_2016 : vector<16xi1>
      %or3A_2018 = arith.ori %gt3A_2014, %and3A_2017 : vector<16xi1>
      %select_n3A_2019 = arith.select %or3A_2018, %bitcast3A_2009, %select_n3A_2003 : vector<16xi1>, vector<16xf32>
      %select_n3A_2020 = arith.select %or3A_2018, %get3A_2013, %select_n3A_2004 : vector<16xi1>, vector<16xi32>
      %get3A_2021 = arith.constant 14 : i32
      %get3A_2022 = arith.index_cast %get3A_2021 : i32 to index
      %get3A_2023 = arith.constant 0 : index
      %get3A_2024 = tpu.vector_load %arg8[%get3A_2022, %get3A_2023] {strides = array<i32>} : memref<16x32xi32, #tpu.memory_space<vmem>>, vector<16xi32>,
      %bitcast3A_2025 = vector.bitcast %get3A_2024 : vector<16xi32> to vector<16xf32>
      %get3A_2026 = arith.constant 14 : i32
      %get3A_2027 = arith.index_cast %get3A_2026 : i32 to index
      %get3A_2028 = arith.constant 16 : index
      %get3A_2029 = tpu.vector_load %arg8[%get3A_2027, %get3A_2028] {strides = array<i32>} : memref<16x32xi32, #tpu.memory_space<vmem>>, vector<16xi32>,
      %gt3A_2030 = arith.cmpf ogt, %bitcast3A_2025, %select_n3A_2019 : vector<16xf32>
      %eq3A_2031 = arith.cmpf oeq, %bitcast3A_2025, %select_n3A_2019 : vector<16xf32>
      %lt3A_2032 = arith.cmpi slt, %get3A_2029, %select_n3A_2020 : vector<16xi32>
      %and3A_2033 = arith.andi %eq3A_2031, %lt3A_2032 : vector<16xi1>
      %or3A_2034 = arith.ori %gt3A_2030, %and3A_2033 : vector<16xi1>
      %select_n3A_2035 = arith.select %or3A_2034, %bitcast3A_2025, %select_n3A_2019 : vector<16xi1>, vector<16xf32>
      %select_n3A_2036 = arith.select %or3A_2034, %get3A_2029, %select_n3A_2020 : vector<16xi1>, vector<16xi32>
      %get3A_2037 = arith.constant 15 : i32
      %get3A_2038 = arith.index_cast %get3A_2037 : i32 to index
      %get3A_2039 = arith.constant 0 : index
      %get3A_2040 = tpu.vector_load %arg8[%get3A_2038, %get3A_2039] {strides = array<i32>} : memref<16x32xi32, #tpu.memory_space<vmem>>, vector<16xi32>,
      %bitcast3A_2041 = vector.bitcast %get3A_2040 : vector<16xi32> to vector<16xf32>
      %get3A_2042 = arith.constant 15 : i32
      %get3A_2043 = arith.index_cast %get3A_2042 : i32 to index
      %get3A_2044 = arith.constant 16 : index
      %get3A_2045 = tpu.vector_load %arg8[%get3A_2043, %get3A_2044] {strides = array<i32>} : memref<16x32xi32, #tpu.memory_space<vmem>>, vector<16xi32>,
      %gt3A_2046 = arith.cmpf ogt, %bitcast3A_2041, %select_n3A_2035 : vector<16xf32>
      %eq3A_2047 = arith.cmpf oeq, %bitcast3A_2041, %select_n3A_2035 : vector<16xf32>
      %lt3A_2048 = arith.cmpi slt, %get3A_2045, %select_n3A_2036 : vector<16xi32>
      %and3A_2049 = arith.andi %eq3A_2047, %lt3A_2048 : vector<16xi1>
      %or3A_2050 = arith.ori %gt3A_2046, %and3A_2049 : vector<16xi1>
      %select_n3A_2051 = arith.select %or3A_2050, %bitcast3A_2041, %select_n3A_2035 : vector<16xi1>, vector<16xf32>
      %select_n3A_2052 = arith.select %or3A_2050, %get3A_2045, %select_n3A_2036 : vector<16xi1>, vector<16xi32>
      %reduce_max3A = arith.constant true
      %reduce_max3A_2053 = vector.broadcast %reduce_max3A : i1 to vector<16xi1>
      %reduce_max3A_2054 = tpu.scan <max>, %select_n3A_2051 masked %reduce_max3A_2053 : vector<16xf32>, vector<16xi1> -> vector<16xf32>
      %reduce_max3A_2055 = vector.extract %reduce_max3A_2054[15] : f32 from vector<16xf32>
      %eq3A_2056 = vector.broadcast %reduce_max3A_2055 : f32 to vector<16xf32>
      %eq3A_2057 = arith.cmpf oeq, %select_n3A_2051, %eq3A_2056 : vector<16xf32>
      %jit3A_2058 = arith.constant 2147483647 : i32
      %broadcast_in_dim3A_2059 = vector.broadcast %jit3A_2058 : i32 to vector<16xi32>
      %select_n3A_2060 = arith.select %eq3A_2057, %select_n3A_2052, %broadcast_in_dim3A_2059 : vector<16xi1>, vector<16xi32>
      %reduce_min3A = arith.constant true
      %reduce_min3A_2061 = vector.broadcast %reduce_min3A : i1 to vector<16xi1>
      %reduce_min3A_2062 = arith.constant -2147483648 : i32
      %reduce_min3A_2063 = vector.broadcast %reduce_min3A_2062 : i32 to vector<16xi32>
      %reduce_min3A_2064 = arith.xori %select_n3A_2060, %reduce_min3A_2063 : vector<16xi32>
      %reduce_min3A_2065 = tpu.scan <min>, %reduce_min3A_2064 masked %reduce_min3A_2061 : vector<16xi32>, vector<16xi1> -> vector<16xi32>
      %reduce_min3A_2066 = arith.xori %reduce_min3A_2065, %reduce_min3A_2063 : vector<16xi32>
      %reduce_min3A_2067 = vector.extract %reduce_min3A_2066[15] : i32 from vector<16xi32>
      %jit3A_2068 = arith.constant 2048 : i32
      %div3A = arith.divsi %reduce_min3A_2067, %jit3A_2068 : i32
      %sign3A = arith.constant 0 : i32
      %sign3A_2069 = arith.cmpi sgt, %reduce_min3A_2067, %sign3A : i32
      %sign3A_2070 = arith.extui %sign3A_2069 : i1 to i32
      %sign3A_2071 = arith.constant 0 : i32
      %sign3A_2072 = arith.cmpi slt, %reduce_min3A_2067, %sign3A_2071 : i32
      %sign3A_2073 = arith.extui %sign3A_2072 : i1 to i32
      %sign3A_2074 = arith.subi %sign3A_2070, %sign3A_2073 : i32
      %sign3A_2075 = arith.constant 0 : i32
      %sign3A_2076 = arith.cmpi sgt, %jit3A_2068, %sign3A_2075 : i32
      %sign3A_2077 = arith.extui %sign3A_2076 : i1 to i32
      %sign3A_2078 = arith.constant 0 : i32
      %sign3A_2079 = arith.cmpi slt, %jit3A_2068, %sign3A_2078 : i32
      %sign3A_2080 = arith.extui %sign3A_2079 : i1 to i32
      %sign3A_2081 = arith.subi %sign3A_2077, %sign3A_2080 : i32
      %ne3A = arith.cmpi ne, %sign3A_2074, %sign3A_2081 : i32
      %rem3A = arith.remsi %reduce_min3A_2067, %jit3A_2068 : i32
      %ne3A_2082 = arith.constant 0 : i32
      %ne3A_2083 = arith.cmpi ne, %rem3A, %ne3A_2082 : i32
      %and3A_2084 = arith.andi %ne3A, %ne3A_2083 : i1
      %sub3A = arith.constant 1 : i32
      %sub3A_2085 = arith.subi %div3A, %sub3A : i32
      %select_n3A_2086 = arith.select %and3A_2084, %sub3A_2085, %div3A : i32
      %broadcast_in_dim3A_2087 = vector.broadcast %select_n3A_2086 : i32 to vector<16xi32>
      %swap3A_2088 = arith.constant 0 : index
      %swap3A_2089 = tpu.vector_load %arg9[%swap3A_2088] {strides = array<i32>} : memref<32xi32, #tpu.memory_space<vmem>>, vector<16xi32>,
      tpu.vector_store %arg9[%swap3A_2088], %broadcast_in_dim3A_2087 {strides = array<i32>} : memref<32xi32, #tpu.memory_space<vmem>>, vector<16xi32>,
      %jit3A_2090 = arith.constant 2048 : i32
      %eq3A_2091 = arith.constant 0 : i32
      %eq3A_2092 = arith.cmpi eq, %jit3A_2090, %eq3A_2091 : i32
      %jit3A_2093 = arith.constant 1 : i32
      %select_n3A_2094 = arith.select %eq3A_2092, %jit3A_2093, %jit3A_2090 : i32
      %rem3A_2095 = arith.remsi %reduce_min3A_2067, %select_n3A_2094 : i32
      %ne3A_2096 = arith.constant 0 : i32
      %ne3A_2097 = arith.cmpi ne, %rem3A_2095, %ne3A_2096 : i32
      %lt3A_2098 = arith.constant 0 : i32
      %lt3A_2099 = arith.cmpi slt, %rem3A_2095, %lt3A_2098 : i32
      %lt3A_2100 = arith.constant 0 : i32
      %lt3A_2101 = arith.cmpi slt, %select_n3A_2094, %lt3A_2100 : i32
      %ne3A_2102 = arith.xori %lt3A_2099, %lt3A_2101 : i1
      %and3A_2103 = arith.andi %ne3A_2102, %ne3A_2097 : i1
      %add3A_2104 = arith.addi %rem3A_2095, %select_n3A_2094 : i32
      %select_n3A_2105 = arith.select %and3A_2103, %add3A_2104, %rem3A_2095 : i32
      %broadcast_in_dim3A_2106 = vector.broadcast %select_n3A_2105 : i32 to vector<16xi32>
      %swap3A_2107 = arith.constant 16 : index
      %swap3A_2108 = tpu.vector_load %arg9[%swap3A_2107] {strides = array<i32>} : memref<32xi32, #tpu.memory_space<vmem>>, vector<16xi32>,
      tpu.vector_store %arg9[%swap3A_2107], %broadcast_in_dim3A_2106 {strides = array<i32>} : memref<32xi32, #tpu.memory_space<vmem>>, vector<16xi32>,
      %run_scoped3A_2109 = arith.constant 16 : i32
      "tpu.region"() ({
        %run_scoped3A_2110 = tpu.sem_alloc : memref<!tpu.dma_semaphore, #tpu.memory_space<semaphore_mem>>
        %dma_start3A = arith.constant 0 : i32
        %dma_start3A_2111 = tpu.memref_slice %arg4[%arg0, %run_scoped3A_2109, %dma_start3A] : memref<2x24x32xi32, #tpu.memory_space<hbm>> -> memref<1x1x32xi32, #tpu.memory_space<hbm>>
        %dma_start3A_2112 = tpu.memref_squeeze %dma_start3A_2111 : memref<1x1x32xi32, #tpu.memory_space<hbm>> -> memref<32xi32, #tpu.memory_space<hbm>>
        %dma_start3A_2113 = arith.constant 0 : i32
        %dma_start3A_2114 = tpu.memref_slice %arg4[%arg0, %run_scoped3A_2109, %dma_start3A_2113] : memref<2x24x32xi32, #tpu.memory_space<hbm>> -> memref<1x1x32xi32, #tpu.memory_space<hbm>>
        %dma_start3A_2115 = tpu.memref_squeeze %dma_start3A_2114 : memref<1x1x32xi32, #tpu.memory_space<hbm>> -> memref<32xi32, #tpu.memory_space<hbm>>
        tpu.enqueue_dma source(%arg9 : memref<32xi32, #tpu.memory_space<vmem>>) target(%dma_start3A_2115 : memref<32xi32, #tpu.memory_space<hbm>>) target_semaphore(%run_scoped3A_2110 : memref<!tpu.dma_semaphore, #tpu.memory_space<semaphore_mem>>)
        %dma_wait3A = arith.constant 0 : i32
        %dma_wait3A_2116 = tpu.memref_slice %arg4[%arg0, %run_scoped3A_2109, %dma_wait3A] : memref<2x24x32xi32, #tpu.memory_space<hbm>> -> memref<1x1x32xi32, #tpu.memory_space<hbm>>
        %dma_wait3A_2117 = tpu.memref_squeeze %dma_wait3A_2116 : memref<1x1x32xi32, #tpu.memory_space<hbm>> -> memref<32xi32, #tpu.memory_space<hbm>>
        %dma_wait3A_2118 = arith.constant 0 : i32
        %dma_wait3A_2119 = tpu.memref_slice %arg4[%arg0, %run_scoped3A_2109, %dma_wait3A_2118] : memref<2x24x32xi32, #tpu.memory_space<hbm>> -> memref<1x1x32xi32, #tpu.memory_space<hbm>>
        %dma_wait3A_2120 = tpu.memref_squeeze %dma_wait3A_2119 : memref<1x1x32xi32, #tpu.memory_space<hbm>> -> memref<32xi32, #tpu.memory_space<hbm>>
        tpu.wait_dma2 semaphore(%run_scoped3A_2110 : memref<!tpu.dma_semaphore, #tpu.memory_space<semaphore_mem>>) src(%arg9 : memref<32xi32, #tpu.memory_space<vmem>>) dst(%dma_wait3A_2120 : memref<32xi32, #tpu.memory_space<hbm>>)
        tpu.yield
      }) : () -> ()
    } else {
    }
    return
  }
}

module attributes {stable_mosaic.version = 14 : i64} {
  func.func @_proj_body(%arg0: i32, %arg1: memref<1x2048x1024xf32, #tpu.memory_space<vmem>>, %arg2: memref<1x1x2048xf32, #tpu.memory_space<vmem>>, %arg3: memref<1024x2xf32, #tpu.memory_space<vmem>>, %arg4: memref<2xf32, #tpu.memory_space<smem>>, %arg5: memref<1x1x2048xf32, #tpu.memory_space<vmem>>, %arg6: memref<1x1x2048xf32, #tpu.memory_space<vmem>>) attributes {dimension_semantics = [#tpu.dimension_semantics<arbitrary>], iteration_bounds = array<i64: 2>, scalar_prefetch = 0 : i64, scratch_operands = 0 : i64, tpu.core_type = #tpu.core_type<tc>, window_params = [{transform_indices = @transform_0, window_bounds = array<i64: 1, 2048, 1024>}, {transform_indices = @transform_1, window_bounds = array<i64: 1, 1, 2048>}, {pipeline_mode = #tpu.pipeline_mode<synchronous>, transform_indices = @transform_2, window_bounds = array<i64: 1024, 2>}, {transform_indices = @transform_3, window_bounds = array<i64: 2>}, {transform_indices = @transform_4, window_bounds = array<i64: 1, 1, 2048>}, {transform_indices = @transform_5, window_bounds = array<i64: 1, 1, 2048>}]} {
    %get3A = arith.constant 0 : index
    %get3A_0 = arith.constant 0 : index
    %get3A_1 = arith.constant 0 : index
    %get3A_2 = vector.load %arg1[%get3A, %get3A_0, %get3A_1] : memref<1x2048x1024xf32, #tpu.memory_space<vmem>>, vector<1x2048x1024xf32>
    %get3A_3 = vector.shape_cast %get3A_2 : vector<1x2048x1024xf32> to vector<2048x1024xf32>
    %get3A_4 = arith.constant 0 : index
    %get3A_5 = arith.constant 0 : index
    %get3A_6 = vector.load %arg3[%get3A_4, %get3A_5] : memref<1024x2xf32, #tpu.memory_space<vmem>>, vector<1024x2xf32>
    %dot_general3A = arith.constant dense<0.000000e+00> : vector<2048x2xf32>
    %dot_general3A_7 = tpu.matmul %get3A_3, %get3A_6, %dot_general3A {dimension_numbers = #tpu.dot_dimension_numbers<[1], [0], [0], [1], [0, 0, 1, 1], [], []>, transpose_lhs_hint = false} : vector<2048x1024xf32>, vector<1024x2xf32>, vector<2048x2xf32> -> vector<2048x2xf32>
    %get3A_8 = arith.constant 0 : index
    %get3A_9 = arith.constant 0 : index
    %get3A_10 = arith.constant 0 : index
    %get3A_11 = vector.load %arg2[%get3A_8, %get3A_9, %get3A_10] : memref<1x1x2048xf32, #tpu.memory_space<vmem>>, vector<1x1x2048xf32>
    %get3A_12 = vector.shape_cast %get3A_11 : vector<1x1x2048xf32> to vector<2048xf32>
    %slice3A = vector.extract_strided_slice %dot_general3A_7 {offsets = [0, 0], sizes = [2048, 1], strides = [1, 1]} : vector<2048x2xf32> to vector<2048x1xf32>
    %squeeze3A = vector.shape_cast %slice3A : vector<2048x1xf32> to vector<2048xf32>
    %get3A_13 = arith.constant 0 : index
    %get3A_14 = memref.load %arg4[%get3A_13] : memref<2xf32, #tpu.memory_space<smem>>
    %add3A = vector.broadcast %get3A_14 : f32 to vector<2048xf32>
    %add3A_15 = arith.addf %squeeze3A, %add3A : vector<2048xf32>
    %slice3A_16 = vector.extract_strided_slice %dot_general3A_7 {offsets = [0, 1], sizes = [2048, 1], strides = [1, 1]} : vector<2048x2xf32> to vector<2048x1xf32>
    %squeeze3A_17 = vector.shape_cast %slice3A_16 : vector<2048x1xf32> to vector<2048xf32>
    %get3A_18 = arith.constant 1 : index
    %get3A_19 = memref.load %arg4[%get3A_18] : memref<2xf32, #tpu.memory_space<smem>>
    %add3A_20 = vector.broadcast %get3A_19 : f32 to vector<2048xf32>
    %add3A_21 = arith.addf %squeeze3A_17, %add3A_20 : vector<2048xf32>
    %gt3A = arith.constant 0.000000e+00 : f32
    %gt3A_22 = vector.broadcast %gt3A : f32 to vector<2048xf32>
    %gt3A_23 = arith.cmpf ogt, %get3A_12, %gt3A_22 : vector<2048xf32>
    %jit3A = arith.constant -1.000000e+30 : f32
    %broadcast_in_dim3A = vector.broadcast %jit3A : f32 to vector<2048xf32>
    %select_n3A = arith.select %gt3A_23, %add3A_15, %broadcast_in_dim3A : vector<2048xi1>, vector<2048xf32>
    %swap3A = arith.constant 0 : index
    %swap3A_24 = arith.constant 0 : index
    %swap3A_25 = arith.constant 0 : index
    %swap3A_26 = vector.load %arg5[%swap3A, %swap3A_24, %swap3A_25] : memref<1x1x2048xf32, #tpu.memory_space<vmem>>, vector<1x1x2048xf32>
    %swap3A_27 = vector.shape_cast %swap3A_26 : vector<1x1x2048xf32> to vector<2048xf32>
    %swap3A_28 = vector.shape_cast %select_n3A : vector<2048xf32> to vector<1x1x2048xf32>
    tpu.vector_store %arg5[%swap3A, %swap3A_24, %swap3A_25], %swap3A_28 {strides = array<i32>} : memref<1x1x2048xf32, #tpu.memory_space<vmem>>, vector<1x1x2048xf32>,
    %jit3A_29 = arith.constant -1.000000e+30 : f32
    %broadcast_in_dim3A_30 = vector.broadcast %jit3A_29 : f32 to vector<2048xf32>
    %select_n3A_31 = arith.select %gt3A_23, %add3A_21, %broadcast_in_dim3A_30 : vector<2048xi1>, vector<2048xf32>
    %swap3A_32 = arith.constant 0 : index
    %swap3A_33 = arith.constant 0 : index
    %swap3A_34 = arith.constant 0 : index
    %swap3A_35 = vector.load %arg6[%swap3A_32, %swap3A_33, %swap3A_34] : memref<1x1x2048xf32, #tpu.memory_space<vmem>>, vector<1x1x2048xf32>
    %swap3A_36 = vector.shape_cast %swap3A_35 : vector<1x1x2048xf32> to vector<2048xf32>
    %swap3A_37 = vector.shape_cast %select_n3A_31 : vector<2048xf32> to vector<1x1x2048xf32>
    tpu.vector_store %arg6[%swap3A_32, %swap3A_33, %swap3A_34], %swap3A_37 {strides = array<i32>} : memref<1x1x2048xf32, #tpu.memory_space<vmem>>, vector<1x1x2048xf32>,
    return
  }
  func.func @transform_0(%arg0: i32) -> (i32, i32, i32) {
    %c0_i32 = arith.constant 0 : i32
    %c0_i32_0 = arith.constant 0 : i32
    %c0_i32_1 = arith.constant 0 : i32
    return %arg0, %c0_i32, %c0_i32_0 : i32, i32, i32
  }
  func.func @transform_1(%arg0: i32) -> (i32, i32, i32) {
    %c0_i32 = arith.constant 0 : i32
    %c0_i32_0 = arith.constant 0 : i32
    %c0_i32_1 = arith.constant 0 : i32
    return %arg0, %c0_i32, %c0_i32_0 : i32, i32, i32
  }
  func.func @transform_2(%arg0: i32) -> (i32, i32) {
    %c0_i32 = arith.constant 0 : i32
    %c0_i32_0 = arith.constant 0 : i32
    %c0_i32_1 = arith.constant 0 : i32
    return %c0_i32, %c0_i32_0 : i32, i32
  }
  func.func @transform_3(%arg0: i32) -> i32 {
    %c0_i32 = arith.constant 0 : i32
    %c0_i32_0 = arith.constant 0 : i32
    return %c0_i32 : i32
  }
  func.func @transform_4(%arg0: i32) -> (i32, i32, i32) {
    %c0_i32 = arith.constant 0 : i32
    %c0_i32_0 = arith.constant 0 : i32
    %c0_i32_1 = arith.constant 0 : i32
    return %arg0, %c0_i32, %c0_i32_0 : i32, i32, i32
  }
  func.func @transform_5(%arg0: i32) -> (i32, i32, i32) {
    %c0_i32 = arith.constant 0 : i32
    %c0_i32_0 = arith.constant 0 : i32
    %c0_i32_1 = arith.constant 0 : i32
    return %arg0, %c0_i32, %c0_i32_0 : i32, i32, i32
  }
}

</mosaic_0001>

<sc_bundles>
// kernel: kernel.4.cloned.1.call-start
scs
__scs_entry_jumppad:
0x0: {  	(pc) =	sbr.rel $0x88, $3  }
0x1: {  	(tag) =	ssettag $0x0;
	lr =	simm.s32 $0x1  }
0x2: {  	[smem:$0x3F9D] =	sst lr;
	_ =	strace $0xD0000000  }
0x3: {  	_ = 	snop  }
0x4: {  	_ = 	snop  }
0x5: {  	_ = 	snop  }
0x6: {  	_ = 	snop  }
0x7: {  	_ = 	snop  }
__scs_overlays_trampoline_lowered:
0x8: {  	[smem:$0x3FAC] =	sst s0  }
0x9: {  	[smem:$0x3FAD] =	sst s1  }
0xa: {  	[smem:$0x3FAE] =	sst s2  }
0xb: {  	[smem:$0x3FAF] =	sst s3  }
0xc: {  	[smem:$0x3FB0] =	sst s4  }
0xd: {  	[smem:$0x3FB1] =	sst s5  }
0xe: {  	[smem:$0x3FB2] =	sst s6  }
0xf: {  	[smem:$0x3FB3] =	sst s7  }
0x10: {  	[smem:$0x3FB4] =	sst s8  }
0x11: {  	[smem:$0x3FB5] =	sst s9;
	s0 =	simm.s32 @!p0 $0x0  }
0x12: {  	s1 =	sld [smem:$0x3F9B];
	s0 =	simm.s32 @p0 $0x1  }
0x13: {  	[smem:$0x3FB6] =	sst s0;
	s0 =	simm.s32 @!p1 $0x0  }
0x14: {  	s2 =	sld [smem:$0x3F9A];
	s0 =	simm.s32 @p1 $0x1  }
0x15: {  	[smem:$0x3FB7] =	sst s0;
	s0 =	simm.s32 @!p2 $0x0  }
0x16: {  	s3 =	sld [smem:$0x3FDB];
	s0 =	simm.s32 @p2 $0x1  }
0x17: {  	s4 =	simm.s32 $0x1BF5;
	[smem:$0x3FB9] =	sst s0  }
0x18: {  	s0 =	sld [smem:$0x3F9C];
	_ =	swait.ge [sflag:s4], $0x0  }
0x19: {  	s7 =	sld [smem:$0x3F9D]  }
0x1a: {  	s8 =	sadd.s32 $0xFFFFE003, lr  }
0x1b: {  	s9 =	sadd.s32 $0xFFFFFEF7, lr;
	s5 =	simm.s32 $0xFFFFFFFF;
	p2 =	slt.u32 s8, $0xFFFFF086  }
0x1c: {  	p1 =	slt.u32 s9, $0xF7A;
	s5 =	simm.s32 @!p2 $0x0  }
0x1d: {  	s5 =	simm.s32 @p1 $0x1;
	p0 =	seq.s32 s7, s2  }
0x1e: {  	s7 =	smul.u32 @!p0 $0xF7A, s2;
	p2 =	seq.s32 @!p0 s5, $0x0  }
0x1f: {  	s9 =	smul.u32 $0xF7A, s1;
	s8 =	simm.s32 @!p0 $0x1BF5;
	p2 =	por !p2, p0  }
0x20: {  	[sflag:s8] =	ssyncset.s32 @!p0 $0xFFFFF086;
	s6 =	sadd.s32 @!p0 s3, s7;
	s7 =	simm.s32 @!p0 $0x108  }
0x21: {  	s3 =	sadd.s32 s3, s9;
	s6 =	sadd.s32 @!p0 $0x88, s6;
	s7 =	simm.s32 @p2 $0x1082  }
0x22: {  	[simem:s7], [sflag:s8] =	dma.local @!p0 [hbm:s6], $0xF7A  }
0x23: {  	s9 =	sor.u32 $0xD0000000, s2;
	s6 =	simm.s32 $0x108;
	_ =	swait.ge @!p0 [sflag:s8], $0x0  }
0x24: {  	s3 =	sadd.s32 $0x88, s3;
	s6 =	simm.s32 @!p1 $0x1082;
	[sflag:s4] =	ssyncset.s32 $0xFFFFF086  }
0x25: {  	[simem:s6], [sflag:s4] =	dma.local [hbm:s3], $0xF7A  }
0x26: {  	[smem:$0x3F9D] =	sst s1;
	(tag) =	ssettag s2;
	_ =	strace s9  }
0x27: {  	s1 =	sld [smem:$0x3FAD]  }
0x28: {  	s2 =	sld [smem:$0x3FAE]  }
0x29: {  	s4 =	sld [smem:$0x3FB0]  }
0x2a: {  	p0 =	seq.s32 s5, $0x0;
	s5 =	sld [smem:$0x3FB1]  }
0x2b: {  	s6 =	sld [smem:$0x3FB2]  }
0x2c: {  	s7 =	sld [smem:$0x3FB3]  }
0x2d: {  	s3 =	simm.s32 $0x108;
	s8 =	sld [smem:$0x3FB4]  }
0x2e: {  	s3 =	simm.s32 @!p0 $0x1082;
	s9 =	sld [smem:$0x3FB5]  }
0x2f: {  	lr =	sadd.s32 s0, s3;
	s0 =	sld [smem:$0x3FAC]  }
0x30: {  	s3 =	sld [smem:$0x3FAF]  }
0x31: {  	[smem:$0x3FB8] =	sst s10  }
0x32: {  	s10 =	sld [smem:$0x3FB6];
	_ =	sdelay $0x3  }
0x33: {  	p0 =	seq.s32 s10, $0x1;
	s10 =	sld [smem:$0x3FB8];
	_ =	sdelay $0x3  }
0x34: {  	[smem:$0x3FB8] =	sst s10  }
0x35: {  	s10 =	sld [smem:$0x3FB7];
	_ =	sdelay $0x3  }
0x36: {  	p1 =	seq.s32 s10, $0x1;
	s10 =	sld [smem:$0x3FB8];
	_ =	sdelay $0x3  }
0x37: {  	[smem:$0x3FB8] =	sst s10  }
0x38: {  	s10 =	sld [smem:$0x3FB9]  }
0x39: {  	_ = 	snop;
	(pc) =	sbr.ind lr, $3  }
0x3a: {  	_ = 	snop  }
0x3b: {  	_ = 	snop  }
0x3c: {  	p2 =	seq.s32 s10, $0x1;
	s10 =	sld [smem:$0x3FB8]  }
0x3d: {  	_ =	shalt  }
0x3e: {  	_ =	shalt  }
0x3f: {  	_ =	shalt  }
0x40: {  	_ =	shalt  }
0x41: {  	_ =	shalt  }
0x42: {  	_ =	shalt  }
0x43: {  	_ =	shalt  }
0x44: {  	_ =	shalt  }
0x45: {  	_ =	shalt  }
0x46: {  	_ =	shalt  }
0x47: {  	_ =	shalt  }
0x48: {  	_ =	shalt  }
0x49: {  	_ =	shalt  }
0x4a: {  	_ =	shalt  }
0x4b: {  	_ =	shalt  }
0x4c: {  	_ =	shalt  }
0x4d: {  	_ =	shalt  }
0x4e: {  	_ =	shalt  }
0x4f: {  	_ =	shalt  }
0x50: {  	_ =	shalt  }
0x51: {  	_ =	shalt  }
0x52: {  	_ =	shalt  }
0x53: {  	_ =	shalt  }
0x54: {  	_ =	shalt  }
0x55: {  	_ =	shalt  }
0x56: {  	_ =	shalt  }
0x57: {  	_ =	shalt  }
0x58: {  	_ =	shalt  }
0x59: {  	_ =	shalt  }
0x5a: {  	_ =	shalt  }
0x5b: {  	_ =	shalt  }
0x5c: {  	_ =	shalt  }
0x5d: {  	_ =	shalt  }
0x5e: {  	_ =	shalt  }
0x5f: {  	_ =	shalt  }
0x60: {  	_ =	shalt  }
0x61: {  	_ =	shalt  }
0x62: {  	_ =	shalt  }
0x63: {  	_ =	shalt  }
0x64: {  	_ =	shalt  }
0x65: {  	_ =	shalt  }
0x66: {  	_ =	shalt  }
0x67: {  	_ =	shalt  }
0x68: {  	_ =	shalt  }
0x69: {  	_ =	shalt  }
0x6a: {  	_ =	shalt  }
0x6b: {  	_ =	shalt  }
0x6c: {  	_ =	shalt  }
0x6d: {  	_ =	shalt  }
0x6e: {  	_ =	shalt  }
0x6f: {  	_ =	shalt  }
0x70: {  	_ =	shalt  }
0x71: {  	_ =	shalt  }
0x72: {  	_ =	shalt  }
0x73: {  	_ =	shalt  }
0x74: {  	_ =	shalt  }
0x75: {  	_ =	shalt  }
0x76: {  	_ =	shalt  }
0x77: {  	_ =	shalt  }
0x78: {  	_ =	shalt  }
0x79: {  	_ =	shalt  }
0x7a: {  	_ =	shalt  }
0x7b: {  	_ =	shalt  }
0x7c: {  	_ =	shalt  }
0x7d: {  	_ =	shalt  }
0x7e: {  	_ =	shalt  }
0x7f: {  	_ =	shalt  }
0x80: {  	_ =	shalt  }
0x81: {  	_ =	shalt  }
0x82: {  	_ =	shalt  }
0x83: {  	_ =	shalt  }
0x84: {  	_ =	shalt  }
0x85: {  	_ =	shalt  }
0x86: {  	_ =	shalt  }
0x87: {  	_ =	shalt  }
.Lfunc_end0:
.L_simem_size_0:
called_computation_lowered:
.L_overlay_start_0:
0x88: {  	s2 =	sld [smem:$0x3FD9]  }
0x89: {  	s3 =	sld [smem:$0x3FFE];
	_ =	sdelay $0x1  }
0x8a: {  	s1 =	srdreg.scid  }
0x8b: {  	s0 =	sand.u32 $0x1, s1  }
0x8c: {  	s16 =	sshll.u32 s0, $0xA;
	s2 =	sadd.s32 s3, s2  }
0x8d: {  	s2 =	sadd.s32 s2, s16  }
0x8e: {  	[smem:$0x3FC4] =	sst s2  }
0x8f: {  	_ = 	snop  }
0x90: {  	(tm) =	ssettm $0x1  }
0x91: {  	s17 =	sld [smem:$0x3FFB];
	_ =	sdelay $0x3  }
0x92: {  	_ =	strace s17  }
0x93: {  	s2 =	sld [smem:$0x3FFC];
	_ =	sdelay $0x3  }
0x94: {  	_ =	strace s2  }
0x95: {  	s2 =	sld [smem:$0x3FFD];
	_ =	sdelay $0x3  }
0x96: {  	_ =	strace s2  }
0x97: {  	_ =	strace $0x8FFFFFFF  }
0x98: {  	s18 =	sld [smem:$0x3FDB];
	_ =	sdelay $0x1  }
0x99: {  	s19 =	simm.s32 $_scs_section_size  }
0x9a: {  	s4 =	simm.s32 $_size__tile_overlayer_lowered;
	s5 =	simm.s32 $_tile_overlayer_lowered  }
0x9b: {  	s22 =	simm.s32 $0x1BFF;
	s21 =	sshll.u32 s5, $0x1;
	s2 =	sadd.s32 s19, s18  }
0x9c: {  	s6 =	simm.s32 $0x0;
	s20 =	sshll.u32 s4, $0x1;
	s4 =	sadd.s32 s21, s2  }
0x9d: {  	[timem:s6], [sflag:s22] =	dma.local [hbm:s4], s20  }
0x9e: {  	_ =	swait.ge [sflag:s22], s20  }
0x9f: {  	s3 =	ssub.s32 $0x0, s20;
	[sflag:s22] =	ssyncset.done $0x0  }
0xa0: {  	[sflag:s22] =	ssyncadd.s32 s3;
	_ =	sdelay $0x1  }
0xa1: {  	s23 =	simm.s32 $0x1B8B  }
0xa2: {  	_ =	swait.ge [sflag:s23], $0x1  }
0xa3: {  	[sflag:s23] =	ssyncset.done $0x0  }
0xa4: {  	s25 =	simm.s32 $0x1B8E;
	s24 =	sld [smem:$0x3FFE];
	[sflag:s23] =	ssyncadd.s32 $0xFFFFFFFF  }
0xa5: {  	s26 =	simm.s32 $execute0_lowered;
	[smem:$0x3FD2] =	sst s25  }
0xa6: {  	s4 =	sshll.u32 s26, $0x1;
	_ =	strace $0x80000046;
	[dreg:$0x1] =	wrdreg $0xFFFFFFFF  }
0xa7: {  	s28 =	simm.s32 $_size_execute0_lowered;
	s2 =	sadd.s32 s2, s4;
	[dreg:$0x0] =	wrdreg $0x0  }
0xa8: {  	s4 =	sshll.u32 s28, $0x1;
	[dreg:$0x2] =	wrdreg s2  }
0xa9: {  	[dreg:$0x3] =	wrdreg s4  }
0xaa: {  	[dreg:$0x4] =	wrdreg $0xC0  }
0xab: {  	_ =	task [dreg:s6], $0x5FFFF  }
0xac: {  	[dreg:$0x1] =	wrdreg $0xFFFFFFFF  }
0xad: {  	[dreg:$0x0] =	wrdreg $0x60  }
0xae: {  	[dreg:$0x2] =	wrdreg s24  }
0xaf: {  	[dreg:$0x3] =	wrdreg $0x9  }
0xb0: {  	_ =	task.clear_ibuf [dreg:s6], $0x4FFFF;
	_ =	strace $0x90000046  }
0xb1: {  	s29 =	simm.s32 $0x9;
	_ =	strace $0x80000048  }
0xb2: {  	_ =	swait.ge [sflag:s29], $0x1  }
0xb3: {  	[sflag:s29] =	ssyncadd.s32 $0xFFFFFFFF  }
0xb4: {  	_ =	strace $0x90000048  }
0xb5: {  	_ =	sfence  }
0xb6: {  	s30 =	sld [smem:$0x0];
	_ =	sdelay $0x2  }
0xb7: {  	s31 =	sshll.u32 s1, $0xD;
	s1 =	sshrl.u32 s1, $0x2  }
0xb8: {  	s3 =	sand.u32 $0x4000, s31;
	s1 =	sadd.s32 s1, s30  }
0xb9: {  	s0 =	sor.u32 s3, s0;
	s1 =	sshll.u32 s1, $0x11  }
0xba: {  	s0 =	sor.u32 s1, s0  }
0xbb: {  	s0 =	sadd.s32 $0x8F2B, s0  }
0xbc: {  	[sflag:s0] =	ssyncadd.remote.s32 $0x1  }
0xbd: {  	_ =	sfence.sel $0xFFFF  }
0xbe: {  	[dreg:$0x0] =	wrdreg $0xFFFFFFFF;
	(pc) =	sbr.abs _section_cstart, $3  }
0xbf: {  	[dreg:$0x1] =	wrdreg $0xFFFFFFFF  }
0xc0: {  	_ =	task.clear_ibuf [dreg:s6], $0x2FFFF;
	_ =	strace $0x9FFFFFFF  }
0xc1: {  	(tm) =	ssettm $0x7FFFFFFF  }
tec
execute0_lowered:
.L_overlay_start_1:
0x0: {  	(tag) =	ssettag $0x1  }
0x1: {  	s9 =	stileid.u32  }
0x2: {  	s0 =	srdreg.scid;
	s3 =	rddreg [dreg:$0x0]  }
0x3: {  	v1 =	vlaneseq.u32;
	s1 =	simm.s32 $0x0;
	vm0 =	vmxor vm0, vm0;
	s11 =	simm.s32 $0xA00;
	s2 =	sshll.u32 s9, $0x7  }
0x4: {  	vm1 =	vmmov $0xf;
	v3 =	vimm.s32 $0x0;
	s4 =	sand.u32 $0x1, s0;
	s0 =	rddreg [dreg:$0x1];
	p0 =	seq.s32 s9, $0x0;
	v0 =	vmov s2  }
0x5: {  	v7 =	vmul.u32 $0x801, v1;
	[smem:$0x7FF] =	sst s1;
	s6 =	sor.u32 $0x10, s2;
	s21 =	sor.u32 $0x20, s2;
	vm0 =	vmneg @p0 vm0;
	v0 =	vmul.u32 $0x801, v0  }
0x6: {  	s24 =	sor.u32 $0x40, s2;
	s25 =	sor.u32 $0x50, s2;
	s8 =	sor.u32 $0x60, s2;
	v1 =	vmov s6;
	v2 =	vmov s21;
	vm0 =	vmand vm0, vm1  }
0x7: {  	s7 =	sadd.s32 $0xC00, s3;
	p1 =	seq.s32 s9, $0xF;
	s26 =	sor.u32 $0x70, s2;
	v4 =	vmov s24;
	v5 =	vmov s25;
	v6 =	vmov s8  }
0x8: {  	s5 =	sshll.u32 s4, $0xB;
	_ =	strace $0x80000047;
	s22 =	sor.u32 $0x30, s2;
	v8 =	vmov s26;
	v1 =	vmul.u32 $0x801, v1;
	v2 =	vmul.u32 $0x801, v2  }
0x9: {  	s23 =	ssub.s32 $0x2, s4;
	s4 =	smul.u32 $0xC00, s4;
	s28 =	sand.u32 $0x400, s2;
	v3 =	vsel vm0, $0xFFFFFFFF, v3;
	v4 =	vmul.u32 $0x801, v4;
	v5 =	vmul.u32 $0x801, v5  }
0xa: {  	s30 =	sand.u32 $0x380, s2;
	p0 =	sne.s32 s9, $0x0;
	s9 =	simm.s32 $0x180;
	v6 =	vmul.u32 $0x801, v6;
	v8 =	vmul.u32 $0x801, v8;
	v0 =	vbroadcast v0, $0x0  }
0xb: {  	s5 =	sor.u32 s2, s5;
	s10 =	sshrl.u32 s23, $0x1;
	s8 =	simm.s32 $0x1;
	[tilespmem:$0x1FFF0] =	vst v3;
	v3 =	vmov s22;
	v1 =	vbroadcast v1, $0x0;
	v2 =	vbroadcast v2, $0x0  }
.Ltmp0:
0xc: {  	s5 =	sshrl.u32 s5, $0x3;
	s10 =	ssub.s32 s23, s10;
	v3 =	vmul.u32 $0x801, v3;
	v4 =	vbroadcast v4, $0x0;
	v5 =	vbroadcast v5, $0x0;
	(pc) =	sbr.rel .LBB2_1-.Ltmp0, $4  }
0xd: {  	s29 =	sadd.s32 s4, s28;
	s4 =	sshrl.u32 s4, $0x3;
	s5 =	sadd.s32 s5, s3;
	v6 =	vbroadcast v6, $0x0;
	v8 =	vbroadcast v8, $0x0;
	v0 =	vadd.s32 v7, v0  }
0xe: {  	s6 =	sor.u32 s30, s29;
	s4 =	sadd.s32 s7, s4;
	s2 =	sadd.s32 $0x800, s5;
	v3 =	vbroadcast v3, $0x0;
	v1 =	vadd.s32 v7, v1;
	v2 =	vadd.s32 v7, v2  }
0xf: {  	s3 =	sadd.s32 $0xA00, s5;
	s31 =	sshrl.u32 s6, $0x3;
	s6 =	sadd.s32 $0x100, s4;
	v4 =	vadd.s32 v7, v4;
	v5 =	vadd.s32 v7, v5;
	v6 =	vadd.s32 v7, v6  }
0x10: {  	s5 =	sadd.s32 s7, s31;
	s7 =	smax.u32 s10, $0x1;
	s10 =	simm.s32 $0x200;
	v3 =	vadd.s32 v7, v3;
	v7 =	vadd.s32 v7, v8;
	v8 =	vimm.s32 $0x0  }
.LBB2_3:
0x11: {  	s7 =	sadd.s32 $0xFFFFFFFF, s7  }
0x12: {  	p2 =	sne.s32 s7, $0x0  }
.Ltmp1:
0x13: {  	_ = 	snop;
	(pc) =	sbr.rel @!p2 .LBB2_4-.Ltmp1, $1  }
0x14: {  	_ =	sdelay $0x3  }
.LBB2_1:
0x15: {  	[tilespmem:s1], [sflag:$0x1] =	stream.linear.gather [hbm4b:s2+s1], $0x80, $0x38;
	[tilespmem:$0xA80] =	vst v63  }
0x16: {  	_ =	swait.ge [sflag:s8], $0x80  }
0x17: {  	[sflag:s8] =	ssyncset.done $0x0  }
0x18: {  	s12 =	simm.s32 @p1 $0x0;
	s13 =	simm.s32 @p1 $0x80;
	[sflag:s8] =	ssyncadd.s32 $0xFFFFFF80  }
0x19: {  	[tilespmem:s13], [sflag:$0x1] =	stream.linear.gather @p1 [hbm4b:s3+s12], $0x80, $0x38;
	[tilespmem:$0xA80] =	vst v63  }
0x1a: {  	s12 =	simm.s32 @p1 $0x1  }
0x1b: {  	_ =	swait.ge @p1 [sflag:s12], $0x80  }
0x1c: {  	[sflag:s12] =	ssyncset.done @p1 $0x0  }
0x1d: {  	v9 =	vimm.f32 @p1 $-1.000000020e+30;
	[sflag:s12] =	ssyncadd.s32 @p1 $0xFFFFFF80  }
0x1e: {  	[tilespmem:$0x100] =	vst @p1 v9  }
0x1f: {  	s13 =	simm.s32 @!p1 $0x80;
	s12 =	simm.s32 @!p1 $0x0;
	[tilespmem:$0x110] =	vst @p1 v9  }
0x20: {  	[tilespmem:s13], [sflag:$0x1] =	stream.linear.gather @!p1 [hbm4b:s3+s12], $0x100, $0x38;
	[tilespmem:$0xA80] =	vst v63  }
0x21: {  	s12 =	simm.s32 @!p1 $0x1  }
0x22: {  	_ =	swait.ge @!p1 [sflag:s12], $0x100  }
0x23: {  	[sflag:s12] =	ssyncset.done @!p1 $0x0  }
0x24: {  	[sflag:s12] =	ssyncadd.s32 @!p1 $0xFFFFFF00  }
0x25: {  	v9 =	vld [tilespmem:$0x80]  }
0x26: {  	v10 =	vld [tilespmem:$0x81];
	_ =	sdelay $0x1  }
0x27: {  	v11 =	vld [tilespmem:$0x82];
	_ =	sdelay $0x1  }
0x28: {  	v12 =	vld [tilespmem:$0x83]  }
0x29: {  	vm11 =	vgt.f32 v10, v9  }
0x2a: {  	v13 =	vld [tilespmem:$0x84];
	v10 =	vsel vm11, v10, v9  }
0x2b: {  	vm3 =	vgt.f32 v11, v10  }
0x2c: {  	v10 =	vsel vm3, v11, v10;
	v11 =	vld [tilespmem:$0x85]  }
0x2d: {  	vm15 =	vgt.f32 v12, v10  }
0x2e: {  	v51 =	vld [tilespmem:$0x86];
	v10 =	vsel vm15, v12, v10  }
0x2f: {  	vm4 =	vgt.f32 v13, v10  }
0x30: {  	v52 =	vld [tilespmem:$0x87];
	v10 =	vsel vm4, v13, v10  }
0x31: {  	vm14 =	vgt.f32 v11, v10  }
0x32: {  	v10 =	vsel vm14, v11, v10;
	v11 =	vld [tilespmem:$0x88]  }
0x33: {  	vm5 =	vgt.f32 v51, v10  }
0x34: {  	v53 =	vld [tilespmem:$0x89];
	v10 =	vsel vm5, v51, v10  }
0x35: {  	vm13 =	vgt.f32 v52, v10  }
0x36: {  	v54 =	vld [tilespmem:$0x8A];
	v10 =	vsel vm13, v52, v10  }
0x37: {  	vm6 =	vgt.f32 v11, v10  }
0x38: {  	v10 =	vsel vm6, v11, v10;
	v11 =	vld [tilespmem:$0x8B]  }
0x39: {  	vm12 =	vgt.f32 v53, v10  }
0x3a: {  	v55 =	vld [tilespmem:$0x8C];
	v10 =	vsel vm12, v53, v10  }
0x3b: {  	vm7 =	vgt.f32 v54, v10  }
0x3c: {  	v56 =	vld [tilespmem:$0x8D];
	v10 =	vsel vm7, v54, v10  }
0x3d: {  	v14 =	vld [tilespmem:$0x8F];
	vm8 =	vgt.f32 v11, v10  }
0x3e: {  	v10 =	vsel vm8, v11, v10;
	v11 =	vld [tilespmem:$0x8E]  }
0x3f: {  	v57 =	vld [tilespmem:$0x90];
	vm2 =	vgt.f32 v55, v10  }
0x40: {  	v15 =	vld [tilespmem:$0x91];
	v10 =	vsel vm2, v55, v10  }
0x41: {  	vm9 =	vgt.f32 v56, v10  }
0x42: {  	v18 =	vld [tilespmem:$0x0];
	v10 =	vsel vm9, v56, v10  }
0x43: {  	v58 =	vld [tilespmem:$0x92];
	vm1 =	vgt.f32 v11, v10  }
0x44: {  	v59 =	vimm.s32 $0x0;
	v40 =	vimm.s32 $0x0;
	v10 =	vsel vm1, v11, v10  }
0x45: {  	v42 =	vimm.s32 $0x0;
	vm0 =	vgt.f32 v15, v57;
	v11 =	vld [tilespmem:$0x93];
	vm10 =	vgt.f32 v14, v10  }
0x46: {  	v60 =	vsel vm11, $0x1, v8;
	v17 =	vsel vm0, v15, v57;
	v10 =	vsel vm10, v14, v10  }
0x47: {  	v16 =	vld [tilespmem:$0x94];
	v9 =	vadd.f32 v9, v18;
	v14 =	vsel vm0, $0xFFFFFFFF, v59;
	vm11 =	vgt.f32 v57, v10  }
0x48: {  	[tilespmem:$0x1FF10] =	vst v14;
	v14 =	vsel vm3, $0x2, v60;
	vm3 =	vgt.f32 v58, v17;
	v10 =	vsel vm11, v57, v10  }
0x49: {  	v62 =	vld [tilespmem:$0x95];
	v61 =	vsel vm15, $0x3, v14;
	v17 =	vsel vm3, v58, v17;
	vm15 =	vgt.f32 v15, v10  }
0x4a: {  	v12 =	vsel vm4, $0x4, v61;
	vm4 =	vgt.f32 v11, v17;
	v10 =	vsel vm15, v15, v10  }
0x4b: {  	v63 =	vld [tilespmem:$0x96];
	v12 =	vsel vm14, $0x5, v12;
	v17 =	vsel vm4, v11, v17;
	vm14 =	vgt.f32 v58, v10  }
0x4c: {  	v12 =	vsel vm5, $0x6, v12;
	vm5 =	vgt.f32 v16, v17;
	v10 =	vsel vm14, v58, v10  }
0x4d: {  	v20 =	vld [tilespmem:$0x97];
	v12 =	vsel vm13, $0x7, v12;
	v17 =	vsel vm5, v16, v17;
	vm13 =	vgt.f32 v11, v10  }
0x4e: {  	v12 =	vsel vm6, $0x8, v12;
	vm6 =	vgt.f32 v62, v17;
	v10 =	vsel vm13, v11, v10  }
0x4f: {  	v21 =	vld [tilespmem:$0x98];
	v11 =	vsel vm12, $0x9, v12;
	v17 =	vsel vm6, v62, v17;
	vm12 =	vgt.f32 v16, v10  }
0x50: {  	v11 =	vsel vm7, $0xA, v11;
	vm7 =	vgt.f32 v63, v17;
	v10 =	vsel vm12, v16, v10  }
0x51: {  	v22 =	vld [tilespmem:$0x99];
	v11 =	vsel vm8, $0xB, v11;
	v17 =	vsel vm7, v63, v17;
	vm0 =	vgt.f32 v62, v10  }
0x52: {  	v11 =	vsel vm2, $0xC, v11;
	vm8 =	vgt.f32 v20, v17;
	v10 =	vsel vm0, v62, v10  }
0x53: {  	v23 =	vld [tilespmem:$0x9A];
	v11 =	vsel vm9, $0xD, v11;
	v17 =	vsel vm8, v20, v17;
	vm2 =	vgt.f32 v63, v10  }
0x54: {  	v11 =	vsel vm1, $0xE, v11;
	vm9 =	vgt.f32 v21, v17;
	v10 =	vsel vm2, v63, v10  }
0x55: {  	v24 =	vld [tilespmem:$0x9B];
	v11 =	vsel vm10, $0xF, v11;
	v17 =	vsel vm9, v21, v17;
	vm1 =	vgt.f32 v20, v10  }
0x56: {  	v11 =	vsel vm11, $0x10, v11;
	vm10 =	vgt.f32 v22, v17;
	v10 =	vsel vm1, v20, v10  }
0x57: {  	v25 =	vld [tilespmem:$0x9C];
	v11 =	vsel vm15, $0x11, v11;
	v17 =	vsel vm10, v22, v17;
	vm15 =	vgt.f32 v21, v10  }
0x58: {  	v11 =	vsel vm14, $0x12, v11;
	vm11 =	vgt.f32 v23, v17;
	v10 =	vsel vm15, v21, v10  }
0x59: {  	v26 =	vld [tilespmem:$0x9D];
	v11 =	vsel vm13, $0x13, v11;
	v17 =	vsel vm11, v23, v17;
	vm14 =	vgt.f32 v22, v10  }
0x5a: {  	v11 =	vsel vm12, $0x14, v11;
	vm12 =	vgt.f32 v24, v17;
	v10 =	vsel vm14, v22, v10  }
0x5b: {  	v28 =	vld [tilespmem:$0x9E];
	v11 =	vsel vm0, $0x15, v11;
	v27 =	vsel vm12, v24, v17;
	vm0 =	vgt.f32 v23, v10  }
0x5c: {  	v30 =	vld [tilespmem:$0x9F];
	v11 =	vsel vm2, $0x16, v11;
	vm13 =	vgt.f32 v25, v27;
	v10 =	vsel vm0, v23, v10  }
0x5d: {  	v36 =	vld [tilespmem:$0x1FF10];
	v11 =	vsel vm1, $0x17, v11;
	v29 =	vsel vm13, v25, v27;
	vm2 =	vgt.f32 v24, v10  }
0x5e: {  	v11 =	vsel vm15, $0x18, v11;
	vm1 =	vgt.f32 v26, v29;
	v10 =	vsel vm2, v24, v10  }
0x5f: {  	v38 =	vld [tilespmem:$0x1FFF0];
	v11 =	vsel vm14, $0x19, v11;
	v14 =	vsel vm1, v26, v29;
	vm15 =	vgt.f32 v25, v10  }
0x60: {  	v31 =	vld [tilespmem:$0xA0];
	v11 =	vsel vm0, $0x1A, v11;
	vm14 =	vgt.f32 v28, v14;
	v10 =	vsel vm15, v25, v10  }
0x61: {  	v11 =	vsel vm2, $0x1B, v11;
	v32 =	vsel vm14, v28, v14;
	vm2 =	vgt.f32 v26, v10  }
0x62: {  	v33 =	vld [tilespmem:$0xA1];
	v11 =	vsel vm15, $0x1C, v11;
	vm0 =	vgt.f32 v30, v32;
	vm15 =	vnez.u8 v36  }
0x63: {  	v10 =	vsel vm2, v26, v10;
	v11 =	vsel vm2, $0x1D, v11;
	v34 =	vsel vm0, v30, v32  }
0x64: {  	v35 =	vld [tilespmem:$0xA2];
	v16 =	vsel vm15, $0x1, v8;
	vm15 =	vcmask $0x310;
	v10 =	vadd.f32 v10, v18  }
0x65: {  	vm2 =	vgt.f32 v31, v34;
	v9 =	vsel vm15, $0xF149F2CA, v9;
	vm15 =	vnez.u8 v38  }
0x66: {  	v37 =	vld [tilespmem:$0xA3];
	v16 =	vsel vm3, $0x2, v16;
	v12 =	vsel vm2, v31, v34;
	v11 =	vsel vm15, $0x0, v11  }
0x67: {  	v9 =	vsel vm15, v9, v10;
	v10 =	vsel vm4, $0x3, v16;
	vm3 =	vgt.f32 v33, v12  }
0x68: {  	v39 =	vld [tilespmem:$0xA4];
	vm15 =	vgt.f32 v33, v31;
	v10 =	vsel vm5, $0x4, v10;
	v12 =	vsel vm3, v33, v12  }
0x69: {  	v18 =	vsel vm15, $0xFFFFFFFF, v40;
	v10 =	vsel vm6, $0x5, v10;
	vm4 =	vgt.f32 v35, v12  }
0x6a: {  	v41 =	vld [tilespmem:$0xA5];
	v14 =	vsel vm15, v33, v31;
	v10 =	vsel vm7, $0x6, v10;
	v12 =	vsel vm4, v35, v12  }
0x6b: {  	vm5 =	vgt.f32 v35, v14;
	v10 =	vsel vm8, $0x7, v10;
	vm15 =	vgt.f32 v37, v12  }
0x6c: {  	v43 =	vld [tilespmem:$0xA6];
	v15 =	vsel vm5, $0xFFFFFFFF, v42;
	v10 =	vsel vm9, $0x8, v10;
	v12 =	vsel vm15, v37, v12  }
0x6d: {  	v13 =	vsel vm5, v35, v14;
	v10 =	vsel vm10, $0x9, v10;
	vm5 =	vgt.f32 v39, v12  }
0x6e: {  	v44 =	vld [tilespmem:$0xA7];
	v10 =	vsel vm11, $0xA, v10;
	v12 =	vsel vm5, v39, v12  }
0x6f: {  	vm6 =	vgt.f32 v37, v13;
	v10 =	vsel vm12, $0xB, v10;
	vm12 =	vgt.f32 v41, v12  }
0x70: {  	v45 =	vld [tilespmem:$0xA8];
	v13 =	vsel vm6, v37, v13;
	v10 =	vsel vm13, $0xC, v10;
	v12 =	vsel vm12, v41, v12  }
0x71: {  	vm7 =	vgt.f32 v39, v13;
	v10 =	vsel vm1, $0xD, v10;
	vm1 =	vgt.f32 v43, v12  }
0x72: {  	v46 =	vld [tilespmem:$0xA9];
	v13 =	vsel vm7, v39, v13;
	v10 =	vsel vm14, $0xE, v10;
	v12 =	vsel vm1, v43, v12  }
0x73: {  	vm8 =	vgt.f32 v41, v13;
	v10 =	vsel vm0, $0xF, v10;
	vm0 =	vgt.f32 v44, v12  }
0x74: {  	v47 =	vld [tilespmem:$0xAA];
	v13 =	vsel vm8, v41, v13;
	v10 =	vsel vm2, $0x10, v10;
	v12 =	vsel vm0, v44, v12  }
0x75: {  	vm9 =	vgt.f32 v43, v13;
	v10 =	vsel vm3, $0x11, v10;
	vm2 =	vgt.f32 v45, v12  }
0x76: {  	v48 =	vld [tilespmem:$0xAB];
	v13 =	vsel vm9, v43, v13;
	v10 =	vsel vm4, $0x12, v10;
	v12 =	vsel vm2, v45, v12  }
0x77: {  	vm10 =	vgt.f32 v44, v13;
	v10 =	vsel vm15, $0x13, v10;
	vm3 =	vgt.f32 v46, v12  }
0x78: {  	v49 =	vld [tilespmem:$0xAC];
	v13 =	vsel vm10, v44, v13;
	v10 =	vsel vm5, $0x14, v10;
	v12 =	vsel vm3, v46, v12  }
0x79: {  	vm11 =	vgt.f32 v45, v13;
	v10 =	vsel vm12, $0x15, v10;
	vm4 =	vgt.f32 v47, v12  }
0x7a: {  	v50 =	vld [tilespmem:$0xAD];
	v13 =	vsel vm11, v45, v13;
	v10 =	vsel vm1, $0x16, v10;
	v12 =	vsel vm4, v47, v12  }
0x7b: {  	v19 =	vld [tilespmem:$0xB0];
	vm12 =	vgt.f32 v46, v13;
	v10 =	vsel vm0, $0x17, v10;
	vm5 =	vgt.f32 v48, v12  }
0x7c: {  	v51 =	vld [tilespmem:$0x10];
	v13 =	vsel vm12, v46, v13;
	v10 =	vsel vm2, $0x18, v10;
	v12 =	vsel vm5, v48, v12  }
0x7d: {  	v53 =	vld [tilespmem:$0xB1];
	vm13 =	vgt.f32 v47, v13;
	v10 =	vsel vm3, $0x19, v10;
	vm1 =	vgt.f32 v49, v12  }
0x7e: {  	v13 =	vsel vm13, v47, v13;
	v10 =	vsel vm4, $0x1A, v10;
	v12 =	vsel vm1, v49, v12  }
0x7f: {  	vm14 =	vgt.f32 v48, v13;
	v10 =	vsel vm5, $0x1B, v10;
	vm5 =	vgt.f32 v50, v12  }
0x80: {  	v54 =	vld [tilespmem:$0xB2];
	v13 =	vsel vm14, v48, v13;
	v12 =	vsel vm5, v50, v12  }
0x81: {  	v11 =	vadd.s32 v11, v0;
	vm15 =	vgt.f32 v49, v13;
	v12 =	vadd.f32 v12, v51  }
0x82: {  	v52 =	vld [tilespmem:$0xAE];
	v10 =	vsel vm1, $0x1C, v10;
	v13 =	vsel vm15, v49, v13;
	vm1 =	vgt.f32 v53, v19  }
0x83: {  	v10 =	vsel vm5, $0x1D, v10;
	vm5 =	vgt.f32 v50, v13;
	vm0 =	vgt.f32 v12, v9  }
0x84: {  	v20 =	vld [tilespmem:$0xAF];
	v58 =	vsel vm1, v53, v19;
	v10 =	vadd.s32 v10, v1;
	v12 =	vsel vm0, v12, v9  }
0x85: {  	[tilespmem:$0x1FF20] =	vst v18;
	v9 =	vsel vm0, v10, v11;
	vm0 =	vgt.f32 v54, v58;
	v10 =	vimm.s32 $0x0  }
0x86: {  	[tilespmem:$0x1FF30] =	vst v15;
	v13 =	vsel vm5, v50, v13;
	v10 =	vsel vm0, $0xFFFFFFFF, v10  }
0x87: {  	vm4 =	vgt.f32 v52, v13;
	[tilespmem:$0x1FF50] =	vst v10;
	v10 =	vld [tilespmem:$0x1FF20]  }
0x88: {  	v60 =	vld [tilespmem:$0x1FF30];
	v13 =	vsel vm4, v52, v13  }
0x89: {  	v55 =	vld [tilespmem:$0xB3];
	vm3 =	vgt.f32 v20, v13  }
0x8a: {  	v56 =	vimm.s32 $0x0;
	v61 =	vimm.s32 $0x0;
	v11 =	vsel vm3, v20, v13  }
0x8b: {  	v57 =	vld [tilespmem:$0xB4];
	v63 =	vimm.s32 $0x0;
	v17 =	vsel vm1, $0xFFFFFFFF, v56;
	vm2 =	vgt.f32 v19, v11  }
0x8c: {  	v18 =	vsel vm0, v54, v58;
	v11 =	vsel vm2, v19, v11;
	vm1 =	vnez.u8 v10  }
0x8d: {  	v59 =	vld [tilespmem:$0xB5];
	vm0 =	vnez.u8 v60;
	v10 =	vsel vm1, $0x1, v8;
	vm1 =	vgt.f32 v53, v11  }
0x8e: {  	v10 =	vsel vm0, $0x2, v10;
	vm0 =	vgt.f32 v55, v18;
	v11 =	vsel vm1, v53, v11  }
0x8f: {  	v62 =	vld [tilespmem:$0xB6];
	v20 =	vsel vm0, $0xFFFFFFFF, v61;
	v10 =	vsel vm6, $0x3, v10;
	v18 =	vsel vm0, v55, v18  }
0x90: {  	v61 =	vimm.s32 $0x0;
	v10 =	vsel vm7, $0x4, v10;
	vm0 =	vgt.f32 v57, v18  }
0x91: {  	v21 =	vld [tilespmem:$0xB7];
	[tilespmem:$0x1FF60] =	vst v20;
	v20 =	vsel vm0, $0xFFFFFFFF, v63;
	v10 =	vsel vm8, $0x5, v10;
	v18 =	vsel vm0, v57, v18  }
0x92: {  	vm0 =	vgt.f32 v54, v11;
	v10 =	vsel vm9, $0x6, v10;
	vm6 =	vgt.f32 v59, v18  }
0x93: {  	v22 =	vld [tilespmem:$0xB8];
	v11 =	vsel vm0, v54, v11;
	v10 =	vsel vm10, $0x7, v10;
	v18 =	vsel vm6, v59, v18  }
0x94: {  	vm10 =	vgt.f32 v55, v11;
	v10 =	vsel vm11, $0x8, v10;
	vm11 =	vgt.f32 v62, v18  }
0x95: {  	v23 =	vld [tilespmem:$0xB9];
	v11 =	vsel vm10, v55, v11;
	v10 =	vsel vm12, $0x9, v10;
	v18 =	vsel vm11, v62, v18  }
0x96: {  	vm7 =	vgt.f32 v57, v11;
	v10 =	vsel vm13, $0xA, v10;
	vm8 =	vgt.f32 v21, v18  }
0x97: {  	v24 =	vld [tilespmem:$0xBA];
	v11 =	vsel vm7, v57, v11;
	v10 =	vsel vm14, $0xB, v10;
	v18 =	vsel vm8, v21, v18  }
0x98: {  	vm14 =	vgt.f32 v59, v11;
	v10 =	vsel vm15, $0xC, v10;
	vm9 =	vgt.f32 v22, v18  }
0x99: {  	v11 =	vsel vm14, v59, v11;
	v10 =	vsel vm5, $0xD, v10;
	v18 =	vsel vm9, v22, v18  }
0x9a: {  	v25 =	vld [tilespmem:$0xBB];
	vm15 =	vgt.f32 v62, v11;
	v10 =	vsel vm4, $0xE, v10;
	vm4 =	vgt.f32 v23, v18  }
0x9b: {  	v11 =	vsel vm15, v62, v11;
	v10 =	vsel vm3, $0xF, v10;
	v18 =	vsel vm4, v23, v18  }
0x9c: {  	v26 =	vld [tilespmem:$0xBC];
	v10 =	vsel vm2, $0x10, v10;
	vm2 =	vgt.f32 v21, v11;
	vm5 =	vgt.f32 v24, v18  }
0x9d: {  	v10 =	vsel vm1, $0x11, v10;
	v11 =	vsel vm2, v21, v11;
	v18 =	vsel vm5, v24, v18  }
0x9e: {  	v27 =	vld [tilespmem:$0xBD];
	v21 =	vimm.s32 $0x0;
	v10 =	vsel vm0, $0x12, v10;
	vm0 =	vgt.f32 v22, v11  }
0x9f: {  	vm12 =	vgt.f32 v25, v18;
	v10 =	vsel vm10, $0x13, v10;
	v11 =	vsel vm0, v22, v11  }
0xa0: {  	v29 =	vld [tilespmem:$0xBE];
	v28 =	vsel vm12, v25, v18;
	v10 =	vsel vm7, $0x14, v10;
	vm3 =	vgt.f32 v23, v11  }
0xa1: {  	v30 =	vld [tilespmem:$0xBF];
	vm13 =	vgt.f32 v26, v28;
	v10 =	vsel vm14, $0x15, v10;
	v11 =	vsel vm3, v23, v11  }
0xa2: {  	v31 =	vld [tilespmem:$0xC0];
	[tilespmem:$0x1FF40] =	vst v17;
	v14 =	vsel vm13, v26, v28;
	v10 =	vsel vm15, $0x16, v10;
	vm10 =	vgt.f32 v24, v11  }
0xa3: {  	v36 =	vld [tilespmem:$0x1FF40];
	vm14 =	vgt.f32 v27, v14;
	v10 =	vsel vm2, $0x17, v10;
	v11 =	vsel vm10, v24, v11  }
0xa4: {  	v37 =	vld [tilespmem:$0x1FF50];
	v14 =	vsel vm14, v27, v14;
	v10 =	vsel vm0, $0x18, v10;
	vm15 =	vgt.f32 v25, v11  }
0xa5: {  	v33 =	vld [tilespmem:$0xC1];
	vm1 =	vgt.f32 v29, v14;
	v10 =	vsel vm3, $0x19, v10;
	v11 =	vsel vm15, v25, v11  }
0xa6: {  	v39 =	vld [tilespmem:$0x1FF60];
	[tilespmem:$0x1FF70] =	vst v20;
	v32 =	vsel vm1, v29, v14;
	v10 =	vsel vm10, $0x1A, v10;
	vm10 =	vgt.f32 v26, v11  }
0xa7: {  	v40 =	vld [tilespmem:$0x1FF70];
	vm7 =	vgt.f32 v30, v32;
	v10 =	vsel vm15, $0x1B, v10;
	v11 =	vsel vm10, v26, v11  }
0xa8: {  	v34 =	vld [tilespmem:$0x20];
	v13 =	vsel vm7, v30, v32;
	vm15 =	vnez.u8 v36;
	v10 =	vsel vm10, $0x1C, v10  }
0xa9: {  	v35 =	vld [tilespmem:$0xC2];
	v19 =	vsel vm15, $0x1, v8;
	vm15 =	vgt.f32 v31, v13;
	vm10 =	vnez.u8 v37  }
0xaa: {  	vm0 =	vgt.f32 v27, v11;
	v19 =	vsel vm10, $0x2, v19;
	v13 =	vsel vm15, v31, v13  }
0xab: {  	v38 =	vld [tilespmem:$0xC3];
	v11 =	vsel vm0, v27, v11;
	vm10 =	vnez.u8 v39;
	v10 =	vsel vm0, $0x1D, v10  }
0xac: {  	v15 =	vsel vm10, $0x3, v19;
	vm3 =	vgt.f32 v33, v13;
	vm10 =	vnez.u8 v40  }
0xad: {  	v41 =	vld [tilespmem:$0xC4];
	v11 =	vadd.f32 v11, v34;
	v15 =	vsel vm10, $0x4, v15;
	v13 =	vsel vm3, v33, v13  }
0xae: {  	v10 =	vadd.s32 v10, v2;
	v15 =	vsel vm6, $0x5, v15;
	vm10 =	vgt.f32 v35, v13  }
0xaf: {  	v42 =	vld [tilespmem:$0xC5];
	vm6 =	vgt.f32 v11, v12;
	v15 =	vsel vm11, $0x6, v15;
	v13 =	vsel vm10, v35, v13  }
0xb0: {  	v44 =	vld [tilespmem:$0xC6];
	v21 =	vsel vm6, $0xFFFFFFFF, v21;
	v15 =	vsel vm8, $0x7, v15;
	vm11 =	vgt.f32 v38, v13  }
0xb1: {  	v53 =	vld [tilespmem:$0xD0];
	v11 =	vsel vm6, v11, v12;
	v43 =	vsel vm9, $0x8, v15;
	v13 =	vsel vm11, v38, v13  }
0xb2: {  	v54 =	vld [tilespmem:$0xD1];
	v12 =	vsel vm4, $0x9, v43;
	vm0 =	vgt.f32 v41, v13;
	vm4 =	vgt.f32 v33, v31  }
0xb3: {  	v12 =	vsel vm5, $0xA, v12;
	v13 =	vsel vm0, v41, v13;
	v14 =	vsel vm4, v33, v31  }
0xb4: {  	v45 =	vld [tilespmem:$0xC7];
	v62 =	vsel vm4, $0x1, v8;
	v12 =	vsel vm12, $0xB, v12;
	vm2 =	vgt.f32 v42, v13  }
0xb5: {  	vm5 =	vgt.f32 v35, v14;
	v12 =	vsel vm13, $0xC, v12;
	v13 =	vsel vm2, v42, v13  }
0xb6: {  	v46 =	vld [tilespmem:$0xC8];
	v14 =	vsel vm5, v35, v14;
	v12 =	vsel vm14, $0xD, v12;
	vm12 =	vgt.f32 v44, v13  }
0xb7: {  	vm6 =	vgt.f32 v38, v14;
	vm14 =	vgt.f32 v54, v53;
	v12 =	vsel vm1, $0xE, v12  }
0xb8: {  	v47 =	vld [tilespmem:$0xC9];
	v13 =	vsel vm12, v44, v13;
	v14 =	vsel vm6, v38, v14;
	v60 =	vsel vm14, v54, v53  }
0xb9: {  	v12 =	vsel vm7, $0xF, v12;
	vm1 =	vgt.f32 v45, v13;
	vm7 =	vgt.f32 v41, v14  }
0xba: {  	v48 =	vld [tilespmem:$0xCA];
	v12 =	vsel vm15, $0x10, v12;
	v13 =	vsel vm1, v45, v13;
	v14 =	vsel vm7, v41, v14  }
0xbb: {  	v12 =	vsel vm3, $0x11, v12;
	vm3 =	vgt.f32 v46, v13;
	vm8 =	vgt.f32 v42, v14  }
0xbc: {  	v49 =	vld [tilespmem:$0xCB];
	v12 =	vsel vm10, $0x12, v12;
	v13 =	vsel vm3, v46, v13;
	v14 =	vsel vm8, v42, v14  }
0xbd: {  	v12 =	vsel vm11, $0x13, v12;
	vm13 =	vgt.f32 v47, v13;
	vm9 =	vgt.f32 v44, v14  }
0xbe: {  	v50 =	vld [tilespmem:$0xCC];
	[tilespmem:$0x1FF80] =	vst v21;
	v12 =	vsel vm0, $0x14, v12;
	v13 =	vsel vm13, v47, v13;
	v14 =	vsel vm9, v44, v14  }
0xbf: {  	v22 =	vld [tilespmem:$0x1FF80];
	v12 =	vsel vm2, $0x15, v12;
	vm0 =	vgt.f32 v48, v13;
	vm10 =	vgt.f32 v45, v14  }
0xc0: {  	v12 =	vsel vm12, $0x16, v12;
	v13 =	vsel vm0, v48, v13;
	v14 =	vsel vm10, v45, v14  }
0xc1: {  	v51 =	vld [tilespmem:$0xCD];
	v12 =	vsel vm1, $0x17, v12;
	vm1 =	vgt.f32 v49, v13;
	vm11 =	vgt.f32 v46, v14  }
0xc2: {  	v12 =	vsel vm3, $0x18, v12;
	v13 =	vsel vm1, v49, v13;
	v14 =	vsel vm11, v46, v14  }
0xc3: {  	v52 =	vld [tilespmem:$0x30];
	v12 =	vsel vm13, $0x19, v12;
	vm12 =	vgt.f32 v50, v13;
	vm3 =	vgt.f32 v47, v14  }
0xc4: {  	v55 =	vld [tilespmem:$0xD2];
	vm13 =	vnez.u8 v22;
	v12 =	vsel vm0, $0x1A, v12;
	v13 =	vsel vm12, v50, v13  }
0xc5: {  	v14 =	vsel vm3, v47, v14;
	v10 =	vsel vm13, v10, v9;
	v9 =	vimm.s32 $0x0  }
0xc6: {  	v12 =	vsel vm1, $0x1B, v12;
	vm15 =	vgt.f32 v51, v13;
	vm2 =	vgt.f32 v48, v14  }
0xc7: {  	v9 =	vsel vm14, $0xFFFFFFFF, v9;
	v13 =	vsel vm15, v51, v13;
	v14 =	vsel vm2, v48, v14  }
0xc8: {  	v57 =	vld [tilespmem:$0xD3];
	v12 =	vsel vm12, $0x1C, v12;
	v13 =	vadd.f32 v13, v52;
	vm12 =	vgt.f32 v49, v14  }
0xc9: {  	v56 =	vld [tilespmem:$0xCE];
	v12 =	vsel vm15, $0x1D, v12;
	vm15 =	vgt.f32 v55, v60;
	v14 =	vsel vm12, v49, v14  }
0xca: {  	v59 =	vld [tilespmem:$0xD4];
	v12 =	vadd.s32 v12, v3;
	vm0 =	vgt.f32 v13, v11;
	vm13 =	vgt.f32 v50, v14  }
0xcb: {  	v58 =	vld [tilespmem:$0xCF];
	[tilespmem:$0x1FF90] =	vst v9;
	v9 =	vsel vm0, v13, v11;
	v11 =	vsel vm13, v50, v14;
	v10 =	vsel vm0, v12, v10  }
0xcc: {  	v63 =	vld [tilespmem:$0xD5];
	v12 =	vsel vm15, $0xFFFFFFFF, v61;
	v14 =	vsel vm15, v55, v60;
	vm14 =	vgt.f32 v51, v11  }
0xcd: {  	[tilespmem:$0x1FFA0] =	vst v12;
	v12 =	vsel vm5, $0x2, v62;
	vm4 =	vgt.f32 v57, v14;
	v11 =	vsel vm14, v51, v11  }
0xce: {  	v24 =	vld [tilespmem:$0xD6];
	v12 =	vsel vm6, $0x3, v12;
	v14 =	vsel vm4, v57, v14;
	vm15 =	vgt.f32 v56, v11  }
0xcf: {  	v12 =	vsel vm7, $0x4, v12;
	vm5 =	vgt.f32 v59, v14;
	v11 =	vsel vm15, v56, v11  }
0xd0: {  	v25 =	vld [tilespmem:$0xD7];
	v12 =	vsel vm8, $0x5, v12;
	v14 =	vsel vm5, v59, v14;
	vm1 =	vgt.f32 v58, v11  }
0xd1: {  	v12 =	vsel vm9, $0x6, v12;
	vm6 =	vgt.f32 v63, v14;
	v11 =	vsel vm1, v58, v11  }
0xd2: {  	v26 =	vld [tilespmem:$0xD8];
	v12 =	vsel vm10, $0x7, v12;
	v14 =	vsel vm6, v63, v14;
	vm0 =	vgt.f32 v53, v11  }
0xd3: {  	v12 =	vsel vm11, $0x8, v12;
	vm7 =	vgt.f32 v24, v14;
	v11 =	vsel vm0, v53, v11  }
0xd4: {  	v12 =	vsel vm3, $0x9, v12;
	v14 =	vsel vm7, v24, v14;
	v53 =	vimm.s32 $0x0  }
0xd5: {  	v27 =	vld [tilespmem:$0xD9];
	vm10 =	vgt.f32 v54, v11;
	v12 =	vsel vm2, $0xA, v12;
	vm8 =	vgt.f32 v25, v14  }
0xd6: {  	v11 =	vsel vm10, v54, v11;
	v12 =	vsel vm12, $0xB, v12;
	v14 =	vsel vm8, v25, v14  }
0xd7: {  	v28 =	vld [tilespmem:$0xDA];
	vm2 =	vgt.f32 v55, v11;
	v12 =	vsel vm13, $0xC, v12;
	vm9 =	vgt.f32 v26, v14  }
0xd8: {  	v11 =	vsel vm2, v55, v11;
	v12 =	vsel vm14, $0xD, v12;
	v14 =	vsel vm9, v26, v14  }
0xd9: {  	v29 =	vld [tilespmem:$0xDB];
	v55 =	vimm.s32 $0x0;
	vm3 =	vgt.f32 v57, v11;
	v12 =	vsel vm15, $0xE, v12  }
0xda: {  	vm14 =	vgt.f32 v27, v14;
	v11 =	vsel vm3, v57, v11;
	v12 =	vsel vm1, $0xF, v12  }
0xdb: {  	v30 =	vld [tilespmem:$0xDC];
	v14 =	vsel vm14, v27, v14;
	v57 =	vimm.s32 $0x0;
	vm13 =	vgt.f32 v59, v11  }
0xdc: {  	v12 =	vsel vm0, $0x10, v12;
	vm11 =	vgt.f32 v28, v14;
	v11 =	vsel vm13, v59, v11  }
0xdd: {  	v31 =	vld [tilespmem:$0xDD];
	v12 =	vsel vm10, $0x11, v12;
	v14 =	vsel vm11, v28, v14;
	vm0 =	vgt.f32 v63, v11  }
0xde: {  	v59 =	vimm.s32 $0x0;
	vm12 =	vgt.f32 v29, v14;
	v11 =	vsel vm0, v63, v11  }
0xdf: {  	v32 =	vld [tilespmem:$0xDE];
	v12 =	vsel vm2, $0x12, v12;
	v14 =	vsel vm12, v29, v14;
	vm10 =	vgt.f32 v24, v11  }
0xe0: {  	v33 =	vld [tilespmem:$0xDF];
	v12 =	vsel vm3, $0x13, v12;
	vm1 =	vgt.f32 v30, v14;
	v11 =	vsel vm10, v24, v11  }
0xe1: {  	v37 =	vld [tilespmem:$0x1FFA0];
	v12 =	vsel vm13, $0x14, v12;
	v14 =	vsel vm1, v30, v14;
	vm13 =	vgt.f32 v25, v11  }
0xe2: {  	v36 =	vld [tilespmem:$0x1FF90];
	v12 =	vsel vm0, $0x15, v12;
	vm0 =	vgt.f32 v31, v14;
	v11 =	vsel vm13, v25, v11  }
0xe3: {  	v12 =	vsel vm10, $0x16, v12;
	v14 =	vsel vm0, v31, v14;
	vm15 =	vgt.f32 v26, v11  }
0xe4: {  	v34 =	vld [tilespmem:$0xE0];
	v12 =	vsel vm13, $0x17, v12;
	vm13 =	vgt.f32 v32, v14;
	v11 =	vsel vm15, v26, v11  }
0xe5: {  	v12 =	vsel vm15, $0x18, v12;
	v14 =	vsel vm13, v32, v14;
	vm10 =	vgt.f32 v27, v11  }
0xe6: {  	v35 =	vld [tilespmem:$0xE1];
	vm15 =	vnez.u8 v37;
	vm2 =	vgt.f32 v33, v14;
	v11 =	vsel vm10, v27, v11  }
0xe7: {  	v38 =	vld [tilespmem:$0xE2];
	v12 =	vsel vm10, $0x19, v12;
	vm10 =	vnez.u8 v36;
	vm3 =	vgt.f32 v28, v11  }
0xe8: {  	v50 =	vld [tilespmem:$0xF0];
	v14 =	vsel vm2, v33, v14;
	v18 =	vsel vm10, $0x1, v8;
	v11 =	vsel vm3, v28, v11  }
0xe9: {  	v24 =	vld [tilespmem:$0xF1];
	v18 =	vsel vm15, $0x2, v18;
	v12 =	vsel vm3, $0x1A, v12;
	vm3 =	vgt.f32 v34, v14  }
0xea: {  	v18 =	vsel vm4, $0x3, v18;
	vm15 =	vgt.f32 v29, v11;
	v14 =	vsel vm3, v34, v14  }
0xeb: {  	v18 =	vsel vm5, $0x4, v18;
	v11 =	vsel vm15, v29, v11;
	vm4 =	vgt.f32 v35, v14  }
0xec: {  	v39 =	vld [tilespmem:$0xE3];
	v12 =	vsel vm15, $0x1B, v12;
	v18 =	vsel vm6, $0x5, v18;
	v14 =	vsel vm4, v35, v14  }
0xed: {  	vm10 =	vgt.f32 v30, v11;
	v18 =	vsel vm7, $0x6, v18;
	vm5 =	vgt.f32 v38, v14  }
0xee: {  	v40 =	vld [tilespmem:$0xE4];
	v11 =	vsel vm10, v30, v11;
	v12 =	vsel vm10, $0x1C, v12;
	vm7 =	vgt.f32 v24, v50  }
0xef: {  	v43 =	vld [tilespmem:$0xE5];
	v18 =	vsel vm8, $0x7, v18;
	v14 =	vsel vm5, v38, v14;
	vm15 =	vgt.f32 v31, v11  }
0xf0: {  	v41 =	vld [tilespmem:$0x40];
	vm8 =	vgt.f32 v35, v34;
	v27 =	vsel vm7, v24, v50;
	v42 =	vsel vm9, $0x8, v18  }
0xf1: {  	vm6 =	vgt.f32 v39, v14;
	v11 =	vsel vm15, v31, v11;
	v13 =	vsel vm14, $0x9, v42  }
0xf2: {  	v23 =	vld [tilespmem:$0xE6];
	v12 =	vsel vm15, $0x1D, v12;
	v14 =	vsel vm6, v39, v14;
	v13 =	vsel vm11, $0xA, v13  }
0xf3: {  	v16 =	vsel vm8, v35, v34;
	vm9 =	vgt.f32 v40, v14;
	v13 =	vsel vm12, $0xB, v13  }
0xf4: {  	v44 =	vld [tilespmem:$0xE7];
	v18 =	vsel vm7, $0xFFFFFFFF, v53;
	v14 =	vsel vm9, v40, v14;
	v13 =	vsel vm1, $0xC, v13  }
0xf5: {  	v45 =	vld [tilespmem:$0xE8];
	v11 =	vadd.f32 v11, v41;
	v13 =	vsel vm0, $0xD, v13;
	vm0 =	vgt.f32 v43, v14  }
0xf6: {  	v51 =	vld [tilespmem:$0xF2];
	v12 =	vadd.s32 v12, v4;
	v13 =	vsel vm13, $0xE, v13;
	v14 =	vsel vm0, v43, v14  }
0xf7: {  	vm13 =	vgt.f32 v11, v9;
	v13 =	vsel vm2, $0xF, v13;
	vm14 =	vgt.f32 v23, v14  }
0xf8: {  	v47 =	vld [tilespmem:$0xE9];
	v9 =	vsel vm13, v11, v9;
	v11 =	vsel vm3, $0x10, v13;
	v46 =	vsel vm14, v23, v14  }
0xf9: {  	v12 =	vsel vm13, v12, v10;
	v10 =	vsel vm4, $0x11, v11;
	vm15 =	vgt.f32 v44, v46  }
0xfa: {  	v48 =	vld [tilespmem:$0xEA];
	v32 =	vsel vm8, $0x1, v8;
	v10 =	vsel vm5, $0x12, v10;
	v11 =	vsel vm15, v44, v46  }
0xfb: {  	vm1 =	vgt.f32 v51, v27;
	v10 =	vsel vm6, $0x13, v10;
	vm12 =	vgt.f32 v45, v11  }
0xfc: {  	v49 =	vld [tilespmem:$0xEB];
	v10 =	vsel vm9, $0x14, v10;
	v11 =	vsel vm12, v45, v11;
	vm9 =	vgt.f32 v38, v16  }
0xfd: {  	v27 =	vsel vm1, v51, v27;
	vm13 =	vgt.f32 v47, v11;
	v16 =	vsel vm9, v38, v16  }
0xfe: {  	v25 =	vld [tilespmem:$0xEC];
	v10 =	vsel vm0, $0x15, v10;
	v11 =	vsel vm13, v47, v11;
	vm10 =	vgt.f32 v39, v16  }
0xff: {  	v10 =	vsel vm14, $0x16, v10;
	vm14 =	vgt.f32 v48, v11;
	v16 =	vsel vm10, v39, v16  }
0x100: {  	v52 =	vld [tilespmem:$0xF3];
	v10 =	vsel vm15, $0x17, v10;
	v11 =	vsel vm14, v48, v11;
	vm11 =	vgt.f32 v40, v16  }
0x101: {  	v26 =	vld [tilespmem:$0xED];
	v10 =	vsel vm12, $0x18, v10;
	vm15 =	vgt.f32 v49, v11;
	v16 =	vsel vm11, v40, v16  }
0x102: {  	v10 =	vsel vm13, $0x19, v10;
	v11 =	vsel vm15, v49, v11;
	vm4 =	vgt.f32 v43, v16  }
0x103: {  	v54 =	vld [tilespmem:$0xF4];
	v10 =	vsel vm14, $0x1A, v10;
	v16 =	vsel vm4, v43, v16;
	vm5 =	vgt.f32 v25, v11  }
0x104: {  	v28 =	vld [tilespmem:$0x50];
	v10 =	vsel vm15, $0x1B, v10;
	vm12 =	vgt.f32 v23, v16;
	v11 =	vsel vm5, v25, v11  }
0x105: {  	v56 =	vld [tilespmem:$0xF5];
	v10 =	vsel vm5, $0x1C, v10;
	v16 =	vsel vm12, v23, v16;
	v23 =	vsel vm1, $0xFFFFFFFF, v55  }
0x106: {  	vm6 =	vgt.f32 v26, v11;
	vm1 =	vgt.f32 v52, v27;
	vm3 =	vgt.f32 v44, v16  }
0x107: {  	v58 =	vld [tilespmem:$0xF6];
	v11 =	vsel vm6, v26, v11;
	v27 =	vsel vm1, v52, v27;
	v10 =	vsel vm6, $0x1D, v10  }
0x108: {  	v15 =	vsel vm3, v44, v16;
	v16 =	vsel vm1, $0xFFFFFFFF, v57;
	vm7 =	vgt.f32 v54, v27  }
0x109: {  	v60 =	vld [tilespmem:$0xF7];
	v11 =	vadd.f32 v11, v28;
	vm13 =	vgt.f32 v45, v15;
	v27 =	vsel vm7, v54, v27  }
0x10a: {  	v61 =	vadd.s32 v10, v5;
	v15 =	vsel vm13, v45, v15;
	vm6 =	vgt.f32 v56, v27  }
0x10b: {  	v62 =	vld [tilespmem:$0xF8];
	v22 =	vsel vm7, $0xFFFFFFFF, v59;
	vm14 =	vgt.f32 v47, v15;
	v27 =	vsel vm6, v56, v27  }
0x10c: {  	vm0 =	vgt.f32 v11, v9;
	v14 =	vsel vm14, v47, v15;
	vm7 =	vgt.f32 v58, v27  }
0x10d: {  	v63 =	vld [tilespmem:$0xF9];
	v10 =	vsel vm0, v11, v9;
	vm15 =	vgt.f32 v48, v14;
	v31 =	vsel vm7, v58, v27  }
0x10e: {  	v9 =	vsel vm0, v61, v12;
	v11 =	vsel vm15, v48, v14;
	vm8 =	vgt.f32 v60, v31  }
0x10f: {  	v34 =	vld [tilespmem:$0xFA];
	v14 =	vsel vm9, $0x2, v32;
	vm5 =	vgt.f32 v49, v11;
	v13 =	vsel vm8, v60, v31  }
0x110: {  	v33 =	vld [tilespmem:$0xEE];
	v14 =	vsel vm10, $0x3, v14;
	v11 =	vsel vm5, v49, v11;
	vm9 =	vgt.f32 v62, v13  }
0x111: {  	v36 =	vld [tilespmem:$0xFB];
	v14 =	vsel vm11, $0x4, v14;
	vm2 =	vgt.f32 v25, v11;
	v13 =	vsel vm9, v62, v13  }
0x112: {  	v35 =	vld [tilespmem:$0xEF];
	v14 =	vsel vm4, $0x5, v14;
	v11 =	vsel vm2, v25, v11;
	vm10 =	vgt.f32 v63, v13  }
0x113: {  	v37 =	vld [tilespmem:$0xFC];
	v14 =	vsel vm12, $0x6, v14;
	vm1 =	vgt.f32 v26, v11;
	v13 =	vsel vm10, v63, v13  }
0x114: {  	v14 =	vsel vm3, $0x7, v14;
	v11 =	vsel vm1, v26, v11;
	vm11 =	vgt.f32 v34, v13  }
0x115: {  	v38 =	vld [tilespmem:$0xFD];
	v14 =	vsel vm13, $0x8, v14;
	vm4 =	vgt.f32 v33, v11;
	v13 =	vsel vm11, v34, v13  }
0x116: {  	v14 =	vsel vm14, $0x9, v14;
	v11 =	vsel vm4, v33, v11;
	vm12 =	vgt.f32 v36, v13  }
0x117: {  	v39 =	vld [tilespmem:$0xFE];
	v14 =	vsel vm15, $0xA, v14;
	vm3 =	vgt.f32 v35, v11;
	v13 =	vsel vm12, v36, v13  }
0x118: {  	v14 =	vsel vm5, $0xB, v14;
	v11 =	vsel vm3, v35, v11;
	vm13 =	vgt.f32 v37, v13  }
0x119: {  	v40 =	vld [tilespmem:$0xFF];
	v14 =	vsel vm2, $0xC, v14;
	vm0 =	vgt.f32 v50, v11;
	v13 =	vsel vm13, v37, v13  }
0x11a: {  	v14 =	vsel vm1, $0xD, v14;
	v11 =	vsel vm0, v50, v11;
	vm14 =	vgt.f32 v38, v13  }
0x11b: {  	[tilespmem:$0x1FFB0] =	vst v18;
	v41 =	vld [tilespmem:$0x100];
	v14 =	vsel vm4, $0xE, v14;
	vm2 =	vgt.f32 v24, v11;
	v13 =	vsel vm14, v38, v13  }
0x11c: {  	[tilespmem:$0x1FFE0] =	vst v22;
	v45 =	vld [tilespmem:$0x1FFB0];
	v14 =	vsel vm3, $0xF, v14;
	v11 =	vsel vm2, v24, v11;
	vm15 =	vgt.f32 v39, v13  }
0x11d: {  	v49 =	vld [tilespmem:$0x1FFE0];
	v14 =	vsel vm0, $0x10, v14;
	vm4 =	vgt.f32 v51, v11;
	v13 =	vsel vm15, v39, v13  }
0x11e: {  	v42 =	vld [tilespmem:$0x101];
	[tilespmem:$0x1FFC0] =	vst v23;
	v14 =	vsel vm2, $0x11, v14;
	v11 =	vsel vm4, v51, v11;
	vm1 =	vgt.f32 v40, v13  }
0x11f: {  	v46 =	vld [tilespmem:$0x1FFC0];
	[tilespmem:$0x1FFD0] =	vst v16;
	v14 =	vsel vm4, $0x12, v14;
	vm5 =	vgt.f32 v52, v11;
	v13 =	vsel vm1, v40, v13  }
0x120: {  	v48 =	vld [tilespmem:$0x1FFD0];
	v11 =	vsel vm5, v52, v11;
	v14 =	vsel vm5, $0x13, v14;
	vm0 =	vgt.f32 v41, v13  }
0x121: {  	v43 =	vld [tilespmem:$0x102];
	vm5 =	vnez.u8 v45;
	vm4 =	vgt.f32 v54, v11;
	v13 =	vsel vm0, v41, v13  }
0x122: {  	v20 =	vsel vm5, $0x1, v8;
	vm5 =	vnez.u8 v49;
	v11 =	vsel vm4, v54, v11  }
0x123: {  	v44 =	vld [tilespmem:$0x103];
	v14 =	vsel vm4, $0x14, v14;
	vm2 =	vgt.f32 v42, v13;
	vm3 =	vgt.f32 v56, v11  }
0x124: {  	v11 =	vsel vm3, v56, v11;
	v14 =	vsel vm3, $0x15, v14;
	vm3 =	vnez.u8 v46  }
0x125: {  	v47 =	vld [tilespmem:$0x104];
	v13 =	vsel vm2, v42, v13;
	v20 =	vsel vm3, $0x2, v20;
	vm3 =	vnez.u8 v48  }
0x126: {  	vm4 =	vgt.f32 v58, v11;
	v20 =	vsel vm3, $0x3, v20;
	vm3 =	vgt.f32 v43, v13  }
0x127: {  	v50 =	vld [tilespmem:$0x105];
	v11 =	vsel vm4, v58, v11;
	v20 =	vsel vm5, $0x4, v20;
	v13 =	vsel vm3, v43, v13  }
0x128: {  	v14 =	vsel vm4, $0x16, v14;
	v51 =	vsel vm6, $0x5, v20;
	vm4 =	vgt.f32 v44, v13  }
0x129: {  	v52 =	vld [tilespmem:$0x106];
	vm6 =	vgt.f32 v60, v11;
	v19 =	vsel vm7, $0x6, v51;
	v13 =	vsel vm4, v44, v13  }
0x12a: {  	v11 =	vsel vm6, v60, v11;
	v19 =	vsel vm8, $0x7, v19;
	vm5 =	vgt.f32 v47, v13  }
0x12b: {  	v53 =	vld [tilespmem:$0x107];
	v14 =	vsel vm6, $0x17, v14;
	v19 =	vsel vm9, $0x8, v19;
	v13 =	vsel vm5, v47, v13  }
0x12c: {  	vm9 =	vgt.f32 v62, v11;
	v19 =	vsel vm10, $0x9, v19;
	vm6 =	vgt.f32 v50, v13  }
0x12d: {  	v54 =	vld [tilespmem:$0x108];
	v11 =	vsel vm9, v62, v11;
	v19 =	vsel vm11, $0xA, v19;
	v13 =	vsel vm6, v50, v13  }
0x12e: {  	v14 =	vsel vm9, $0x18, v14;
	v55 =	vsel vm12, $0xB, v19;
	vm7 =	vgt.f32 v52, v13  }
0x12f: {  	v56 =	vld [tilespmem:$0x109];
	v16 =	vsel vm13, $0xC, v55;
	vm13 =	vgt.f32 v63, v11;
	v13 =	vsel vm7, v52, v13  }
0x130: {  	v11 =	vsel vm13, v63, v11;
	v57 =	vsel vm14, $0xD, v16;
	vm8 =	vgt.f32 v53, v13  }
0x131: {  	v58 =	vld [tilespmem:$0x10A];
	v14 =	vsel vm13, $0x19, v14;
	v12 =	vsel vm15, $0xE, v57;
	v13 =	vsel vm8, v53, v13  }
0x132: {  	vm12 =	vgt.f32 v34, v11;
	v12 =	vsel vm1, $0xF, v12;
	vm1 =	vgt.f32 v54, v13  }
0x133: {  	v59 =	vld [tilespmem:$0x10B];
	v11 =	vsel vm12, v34, v11;
	v12 =	vsel vm0, $0x10, v12;
	v13 =	vsel vm1, v54, v13  }
0x134: {  	v14 =	vsel vm12, $0x1A, v14;
	v12 =	vsel vm2, $0x11, v12;
	vm13 =	vgt.f32 v56, v13  }
0x135: {  	v60 =	vld [tilespmem:$0x10C];
	vm14 =	vgt.f32 v36, v11;
	v12 =	vsel vm3, $0x12, v12;
	v13 =	vsel vm13, v56, v13  }
0x136: {  	v61 =	vld [tilespmem:$0x60];
	v11 =	vsel vm14, v36, v11;
	v12 =	vsel vm4, $0x13, v12;
	vm15 =	vgt.f32 v58, v13  }
0x137: {  	v62 =	vld [tilespmem:$0x10D];
	v14 =	vsel vm14, $0x1B, v14;
	v12 =	vsel vm5, $0x14, v12;
	v13 =	vsel vm15, v58, v13  }
0x138: {  	vm9 =	vgt.f32 v37, v11;
	v12 =	vsel vm6, $0x15, v12;
	vm10 =	vgt.f32 v59, v13  }
0x139: {  	v63 =	vld [tilespmem:$0x70];
	v11 =	vsel vm9, v37, v11;
	v12 =	vsel vm7, $0x16, v12;
	v13 =	vsel vm10, v59, v13  }
0x13a: {  	vm11 =	vgt.f32 v38, v11;
	v12 =	vsel vm8, $0x17, v12;
	vm12 =	vgt.f32 v60, v13  }
0x13b: {  	v11 =	vsel vm11, v38, v11;
	v12 =	vsel vm1, $0x18, v12;
	v13 =	vsel vm12, v60, v13  }
0x13c: {  	v11 =	vadd.f32 v11, v61;
	v12 =	vsel vm13, $0x19, v12;
	vm13 =	vgt.f32 v62, v13  }
0x13d: {  	v14 =	vsel vm9, $0x1C, v14;
	v12 =	vsel vm15, $0x1A, v12;
	v13 =	vsel vm13, v62, v13  }
0x13e: {  	vm14 =	vgt.f32 v11, v10;
	v12 =	vsel vm10, $0x1B, v12;
	v13 =	vadd.f32 v13, v63  }
0x13f: {  	v14 =	vsel vm11, $0x1D, v14;
	v10 =	vsel vm14, v11, v10;
	v12 =	vsel vm12, $0x1C, v12  }
0x140: {  	v11 =	vadd.s32 v14, v6;
	v12 =	vsel vm13, $0x1D, v12;
	vm15 =	vgt.f32 v13, v10  }
0x141: {  	v9 =	vsel vm14, v11, v9;
	v11 =	vadd.s32 v12, v7;
	v10 =	vsel vm15, v13, v10  }
0x142: {  	v9 =	vsel vm15, v11, v9;
	[tilespmem:$0x180] =	vst v10  }
0x143: {  	[tilespmem:$0x190] =	vst v9  }
0x144: {  	[hbm4b:s5+s1] =	stream.linear.scatter [tilespmem:s9], [sflag:$0x1], $0x80, $0x38;
	[tilespmem:$0xA80] =	vst v63  }
.Ltmp2:
0x145: {  	_ =	swait.ge [sflag:s8], $0x80;
	(pc) =	sbr.rel @p0 .LBB2_3-.Ltmp2, $3  }
0x146: {  	[sflag:s8] =	ssyncset.done $0x0  }
0x147: {  	[sflag:s8] =	ssyncadd.s32 $0xFFFFFF80  }
0x148: {  	[bflag:$0x0] =	sbarrier.arrive $0xFFFF;
	_ =	sdelay $0x1  }
0x149: {  	[tilespmem:s10], [sflag:$0x1] =	stream.linear.gather [hbm4b:s4+s1], $0x800, $0x38;
	[tilespmem:$0xA80] =	vst v63  }
0x14a: {  	_ =	swait.ge [sflag:s8], $0x800  }
0x14b: {  	[sflag:s8] =	ssyncset.done $0x0  }
0x14c: {  	[sflag:s8] =	ssyncadd.s32 $0xFFFFF800  }
0x14d: {  	v9 =	vld [tilespmem:$0x200]  }
0x14e: {  	v10 =	vld [tilespmem:$0x210]  }
0x14f: {  	v11 =	vld [tilespmem:$0x280]  }
0x150: {  	v12 =	vld [tilespmem:$0x290];
	_ =	sdelay $0x2  }
0x151: {  	v13 =	vld [tilespmem:$0x300]  }
0x152: {  	v14 =	vld [tilespmem:$0x310]  }
0x153: {  	vm0 =	veq.f32 v11, v9;
	vm1 =	vlt.s32 v12, v10  }
0x154: {  	vm9 =	vgt.f32 v11, v9;
	vm0 =	vmand vm0, vm1  }
0x155: {  	v15 =	vld [tilespmem:$0x380];
	vm0 =	vmor vm9, vm0  }
0x156: {  	v9 =	vsel vm0, v11, v9;
	v10 =	vsel vm0, v12, v10;
	v11 =	vld [tilespmem:$0x390]  }
0x157: {  	vm10 =	veq.f32 v13, v9;
	vm11 =	vlt.s32 v14, v10  }
0x158: {  	vm12 =	vgt.f32 v13, v9;
	vm0 =	vmand vm10, vm11  }
0x159: {  	v45 =	vld [tilespmem:$0x400];
	vm0 =	vmor vm12, vm0  }
0x15a: {  	v46 =	vld [tilespmem:$0x410];
	v9 =	vsel vm0, v13, v9;
	v10 =	vsel vm0, v14, v10  }
0x15b: {  	vm13 =	veq.f32 v15, v9;
	vm14 =	vlt.s32 v11, v10  }
0x15c: {  	vm15 =	vgt.f32 v15, v9;
	vm0 =	vmand vm13, vm14  }
0x15d: {  	v47 =	vld [tilespmem:$0x480];
	vm0 =	vmor vm15, vm0  }
0x15e: {  	v9 =	vsel vm0, v15, v9;
	v10 =	vsel vm0, v11, v10;
	v11 =	vld [tilespmem:$0x490]  }
0x15f: {  	vm4 =	veq.f32 v45, v9;
	vm5 =	vlt.s32 v46, v10  }
0x160: {  	vm6 =	vgt.f32 v45, v9;
	vm0 =	vmand vm4, vm5  }
0x161: {  	v48 =	vld [tilespmem:$0x500];
	vm0 =	vmor vm6, vm0  }
0x162: {  	v49 =	vld [tilespmem:$0x510];
	v9 =	vsel vm0, v45, v9;
	v10 =	vsel vm0, v46, v10  }
0x163: {  	vm7 =	veq.f32 v47, v9;
	vm8 =	vlt.s32 v11, v10  }
0x164: {  	vm9 =	vgt.f32 v47, v9;
	vm0 =	vmand vm7, vm8  }
0x165: {  	v50 =	vld [tilespmem:$0x580];
	vm0 =	vmor vm9, vm0  }
0x166: {  	v9 =	vsel vm0, v47, v9;
	v10 =	vsel vm0, v11, v10;
	v11 =	vld [tilespmem:$0x590]  }
0x167: {  	vm10 =	veq.f32 v48, v9;
	vm11 =	vlt.s32 v49, v10  }
0x168: {  	vm12 =	vgt.f32 v48, v9;
	vm0 =	vmand vm10, vm11  }
0x169: {  	v51 =	vld [tilespmem:$0x600];
	vm0 =	vmor vm12, vm0  }
0x16a: {  	v52 =	vld [tilespmem:$0x610];
	v9 =	vsel vm0, v48, v9;
	v10 =	vsel vm0, v49, v10  }
0x16b: {  	vm13 =	veq.f32 v50, v9;
	vm14 =	vlt.s32 v11, v10  }
0x16c: {  	vm15 =	vgt.f32 v50, v9;
	vm0 =	vmand vm13, vm14  }
0x16d: {  	v53 =	vld [tilespmem:$0x680];
	vm0 =	vmor vm15, vm0  }
0x16e: {  	v9 =	vsel vm0, v50, v9;
	v10 =	vsel vm0, v11, v10;
	v11 =	vld [tilespmem:$0x690]  }
0x16f: {  	vm4 =	veq.f32 v51, v9;
	vm5 =	vlt.s32 v52, v10  }
0x170: {  	vm6 =	vgt.f32 v51, v9;
	vm0 =	vmand vm4, vm5  }
0x171: {  	v54 =	vld [tilespmem:$0x700];
	vm0 =	vmor vm6, vm0  }
0x172: {  	v55 =	vld [tilespmem:$0x710];
	v9 =	vsel vm0, v51, v9;
	v10 =	vsel vm0, v52, v10  }
0x173: {  	vm7 =	veq.f32 v53, v9;
	vm8 =	vlt.s32 v11, v10  }
0x174: {  	vm9 =	vgt.f32 v53, v9;
	vm0 =	vmand vm7, vm8  }
0x175: {  	v56 =	vld [tilespmem:$0x780];
	vm0 =	vmor vm9, vm0  }
0x176: {  	v9 =	vsel vm0, v53, v9;
	v10 =	vsel vm0, v11, v10;
	v11 =	vld [tilespmem:$0x790]  }
0x177: {  	vm10 =	veq.f32 v54, v9;
	vm11 =	vlt.s32 v55, v10  }
0x178: {  	vm12 =	vgt.f32 v54, v9;
	vm0 =	vmand vm10, vm11  }
0x179: {  	v57 =	vld [tilespmem:$0x800];
	vm0 =	vmor vm12, vm0  }
0x17a: {  	v58 =	vld [tilespmem:$0x810];
	v9 =	vsel vm0, v54, v9;
	v10 =	vsel vm0, v55, v10  }
0x17b: {  	vm13 =	veq.f32 v56, v9;
	vm14 =	vlt.s32 v11, v10  }
0x17c: {  	vm15 =	vgt.f32 v56, v9;
	vm0 =	vmand vm13, vm14  }
0x17d: {  	v59 =	vld [tilespmem:$0x880];
	vm0 =	vmor vm15, vm0  }
0x17e: {  	v9 =	vsel vm0, v56, v9;
	v10 =	vsel vm0, v11, v10;
	v11 =	vld [tilespmem:$0x890]  }
0x17f: {  	vm4 =	veq.f32 v57, v9;
	vm5 =	vlt.s32 v58, v10  }
0x180: {  	vm6 =	vgt.f32 v57, v9;
	vm0 =	vmand vm4, vm5  }
0x181: {  	v60 =	vld [tilespmem:$0x900];
	vm0 =	vmor vm6, vm0  }
0x182: {  	v61 =	vld [tilespmem:$0x910];
	v9 =	vsel vm0, v57, v9;
	v10 =	vsel vm0, v58, v10  }
0x183: {  	vm7 =	veq.f32 v59, v9;
	vm8 =	vlt.s32 v11, v10  }
0x184: {  	vm9 =	vgt.f32 v59, v9;
	vm0 =	vmand vm7, vm8  }
0x185: {  	v62 =	vld [tilespmem:$0x980];
	vm0 =	vmor vm9, vm0  }
0x186: {  	v9 =	vsel vm0, v59, v9;
	v10 =	vsel vm0, v11, v10;
	v11 =	vld [tilespmem:$0x990]  }
0x187: {  	vm10 =	veq.f32 v60, v9;
	vm11 =	vlt.s32 v61, v10  }
0x188: {  	vm12 =	vgt.f32 v60, v9;
	vm0 =	vmand vm10, vm11  }
0x189: {  	vm0 =	vmor vm12, vm0  }
0x18a: {  	v9 =	vsel vm0, v60, v9;
	v10 =	vsel vm0, v61, v10  }
0x18b: {  	vm13 =	veq.f32 v62, v9;
	vm14 =	vlt.s32 v11, v10  }
0x18c: {  	vm2 =	vgt.f32 v62, v9;
	vm0 =	vmand vm13, vm14  }
0x18d: {  	vm0 =	vmor vm2, vm0  }
0x18e: {  	v9 =	vsel vm0, v62, v9  }
0x18f: {  	(xrf0) =	vmax.scan.msk.f32 $0xffff, v9;
	_ =	sdelay $0x5  }
0x190: {  	v63, _, _ =	vpop (xrf0)  }
0x191: {  	v12 =	vbroadcast v63, $0xF  }
0x192: {  	v10 =	vsel vm0, v11, v10  }
0x193: {  	vm15 =	veq.f32 v9, v12;
	v9 =	vxor.u32 $0x80000000, v10  }
0x194: {  	v9 =	vnsel vm15, $0xFFFFFFFF, v9  }
0x195: {  	(xrf0) =	vmin.scan.msk.u32 $0xffff, v9;
	_ =	sdelay $0x5  }
0x196: {  	v9, _, _ =	vpop (xrf0)  }
0x197: {  	(v2sf) =	vpush v9, $0xF;
	_ =	sdelay $0xe  }
0x198: {  	s12 =	spop (v2sf)  }
0x199: {  	s13 =	sxor.u32 $0x80000000, s12  }
0x19a: {  	s14 =	sshra.s32 s13, $0x1F  }
0x19b: {  	s14 =	sshrl.u32 s14, $0x15  }
0x19c: {  	s14 =	sadd.s32 s14, s13  }
0x19d: {  	p3 =	sgt.s32 s12, $0xFFFFFFFF;
	p2 =	slt.s32 s13, $0x1;
	s15 =	sand.u32 $0xFFFFF800, s14  }
0x19e: {  	p2 =	por p3, p2;
	p6 =	sne.s32 s13, s15  }
0x19f: {  	p2 =	por !p2, !p6  }
0x1a0: {  	s13 =	simm.s32 $0x1;
	p2 =	por !p2, !p2  }
0x1a1: {  	s14 =	sshra.s32 s14, $0xB;
	s13 =	simm.s32 @!p2 $0x0  }
0x1a2: {  	s13 =	ssub.s32 s14, s13  }
0x1a3: {  	s12 =	sand.u32 $0x7FF, s12;
	v9 =	vmov s13  }
0x1a4: {  	[tilespmem:$0xA00] =	vst v9;
	v9 =	vmov s12  }
.Ltmp3:
0x1a5: {  	[tilespmem:$0xA10] =	vst v9;
	(pc) =	sbr.rel .LBB2_3-.Ltmp3, $4  }
0x1a6: {  	[hbm4b:s6+s1] =	stream.linear.scatter [tilespmem:s11], [sflag:$0x1], $0x80, $0x38;
	[tilespmem:$0xA80] =	vst v63  }
0x1a7: {  	_ =	swait.ge [sflag:s8], $0x80  }
0x1a8: {  	[sflag:s8] =	ssyncset.done $0x0  }
0x1a9: {  	[sflag:s8] =	ssyncadd.s32 $0xFFFFFF80  }
.LBB2_4:
0x1aa: {  	_ =	sfence.sel $0x180000  }
0x1ab: {  	[bflag:$0x0] =	sbarrier.arrive $0xFFFF  }
0x1ac: {  	_ =	strace $0x90000047  }
0x1ad: {  	s0 =	sadd.s32 @!p0 $0x100000, s0;
	[bflag:$0x2] =	sbarrier.arrive $0xFFFF  }
0x1ae: {  	[sflag:s0] =	ssyncadd.tile.s32 @!p0 $0x1;
	_ =	shalt  }
.Lfunc_end2:
_tile_overlayer_lowered:
.L_overlay_start_2:
0x1af: {  	(tag) =	ssettag $0x2  }
0x1b0: {  	s0 =	rddreg [dreg:$0x0];
	s2 =	stileid.u32  }
0x1b1: {  	s1 =	rddreg [dreg:$0x1];
	p0 =	sne.s32 s2, $0x0  }
0x1b2: {  	s3 =	rddreg [dreg:$0x2];
	[bflag:$0x3] =	sbarrier.arrive $0xFFFF;
	s2 =	simm.s32 @!p0 $0x1C01  }
0x1b3: {  	[timem:s3], [sflag:s2] =	dma.local @!p0 [hbm:s0], s1  }
0x1b4: {  	s0 =	simm.s32 @!p0 $0x1  }
0x1b5: {  	_ =	swait.ge @!p0 [sflag:s0], s1  }
0x1b6: {  	s1 =	ssub.s32 @!p0 $0x0, s1;
	[sflag:s0] =	ssyncset.done @!p0 $0x0  }
0x1b7: {  	[sflag:s0] =	ssyncadd.s32 @!p0 s1  }
0x1b8: {  	[bflag:$0x3] =	sbarrier.arrive $0xFFFF  }
0x1b9: {  	_ =	shalt  }

</sc_bundles>
